<compile_context>
chip_gen: v7x
topology: tpu7x:2x2x1
jax: 0.10.2.dev20260603
libtpu: 0.0.44.dev20260713+nightly
codegen_flags: <defaults>
</compile_context>

<pallas_src>
import functools

import jax
import jax.numpy as jnp
from jax import lax
from jax.experimental import pallas as pl
from jax.experimental.pallas import tpu as pltpu
from jax.experimental.pallas import tpu_sc as plsc

_N = 5000
_B = 128
_NB = 40
_NPAD = _NB * _B
_T = 0.5

_NC = 2
_NS = 16
_NW = _NC * _NS
_L = 16
_CHUNK = _NPAD // _NW


def _row2col(row, eye):
    return jnp.sum(row * eye, axis=1, keepdims=True)


def _col2row(col, eye):
    return jnp.sum(col * eye, axis=0, keepdims=True)


def _iou_tile(x1c, y1c, x2c, y2c, ac, x1r, y1r, x2r, y2r, ar):
    xx1 = jnp.maximum(x1c, x1r)
    yy1 = jnp.maximum(y1c, y1r)
    xx2 = jnp.minimum(x2c, x2r)
    yy2 = jnp.minimum(y2c, y2r)
    w = jnp.maximum(xx2 - xx1, 0.0)
    h = jnp.maximum(yy2 - yy1, 0.0)
    inter = w * h
    union = ac + ar - inter
    return inter / (union + 1e-9)


def _rank_kernel(s_ref, rank_ref):
    f32 = jnp.float32
    i32 = jnp.int32
    sub = jax.lax.broadcasted_iota(i32, (_B, _B), 0)
    lane = jax.lax.broadcasted_iota(i32, (_B, _B), 1)
    eye = (sub == lane).astype(f32)
    gtmask = (sub > lane).astype(f32)

    def rank_block(g, _):
        srow_g = s_ref[pl.ds(g, 1), :]
        scol_g = _row2col(srow_g, eye)

        gq = g // 4

        def chunk_ge(t, accs):
            a0, a1 = accs
            rows = s_ref[pl.ds(t * 4, 4), :]
            a0 = a0 + (rows[0:1, :] >= scol_g).astype(f32)
            a1 = a1 + (rows[1:2, :] >= scol_g).astype(f32)
            a0 = a0 + (rows[2:3, :] >= scol_g).astype(f32)
            a1 = a1 + (rows[3:4, :] >= scol_g).astype(f32)
            return a0, a1

        def chunk_gt(t, accs):
            a0, a1 = accs
            rows = s_ref[pl.ds(t * 4, 4), :]
            a0 = a0 + (rows[0:1, :] > scol_g).astype(f32)
            a1 = a1 + (rows[1:2, :] > scol_g).astype(f32)
            a0 = a0 + (rows[2:3, :] > scol_g).astype(f32)
            a1 = a1 + (rows[3:4, :] > scol_g).astype(f32)
            return a0, a1

        z = jnp.zeros((_B, _B), f32)
        a0, a1 = jax.lax.fori_loop(0, gq, chunk_ge, (z, z))
        a0, a1 = jax.lax.fori_loop(gq + 1, _NB // 4, chunk_gt, (a0, a1))
        rows = s_ref[pl.ds(gq * 4, 4), :]
        for u in range(4):
            r1 = rows[u:u + 1, :]
            gt = (r1 > scol_g).astype(f32)
            eq = (r1 == scol_g).astype(f32)
            w = ((gq * 4 + u) < g).astype(f32)
            a0 = a0 + gt + eq * w
        eq_gg = (srow_g == scol_g).astype(f32)
        accm = a0 + a1 + eq_gg * gtmask
        rank_col = jnp.sum(accm, axis=1, keepdims=True)
        rank_ref[pl.ds(g, 1), :] = _col2row(rank_col, eye).astype(i32)
        return 0

    jax.lax.fori_loop(0, _NB, rank_block, 0)


def _nms_kernel(x1_ref, y1_ref, x2_ref, y2_ref, keep_ref):
    f32 = jnp.float32
    i32 = jnp.int32
    sub = jax.lax.broadcasted_iota(i32, (_B, _B), 0)
    lane = jax.lax.broadcasted_iota(i32, (_B, _B), 1)
    eye = (sub == lane).astype(f32)
    ltmask = (sub < lane).astype(f32)
    pagei4 = jax.lax.broadcasted_iota(i32, (4, 1), 0)

    keep_ref[...] = jnp.ones((_NB, _B), f32)

    def nms_block(b, _):
        x1r = x1_ref[pl.ds(b, 1), :]
        y1r = y1_ref[pl.ds(b, 1), :]
        x2r = x2_ref[pl.ds(b, 1), :]
        y2r = y2_ref[pl.ds(b, 1), :]
        ar = (x2r - x1r) * (y2r - y1r)
        x1c = _row2col(x1r, eye)
        y1c = _row2col(y1r, eye)
        x2c = _row2col(x2r, eye)
        y2c = _row2col(y2r, eye)
        ac = _row2col(ar, eye)

        iou_bb = _iou_tile(x1c, y1c, x2c, y2c, ac, x1r, y1r, x2r, y2r, ar)
        s_intra = (iou_bb > _T).astype(f32) * ltmask

        ext_row = keep_ref[pl.ds(b, 1), :]

        def relax_cond(carry):
            _, go = carry
            return go

        def relax_body(carry):
            krow, _ = carry
            kcol = _row2col(krow, eye)
            killed = jnp.max(s_intra * kcol, axis=0, keepdims=True)
            new = ext_row * (1.0 - killed)
            go = jnp.any(new != krow)
            return new, go

        krow, _ = jax.lax.while_loop(relax_cond, relax_body,
                                     (ext_row, jnp.bool_(True)))
        keep_ref[pl.ds(b, 1), :] = krow
        kcol = _row2col(krow, eye)

        def push_chunk(c0):
            cx1_4 = x1_ref[pl.ds(c0, 4), :]
            cy1_4 = y1_ref[pl.ds(c0, 4), :]
            cx2_4 = x2_ref[pl.ds(c0, 4), :]
            cy2_4 = y2_ref[pl.ds(c0, 4), :]
            killed_rows = []
            for u in range(4):
                cx1 = cx1_4[u:u + 1, :]
                cy1 = cy1_4[u:u + 1, :]
                cx2 = cx2_4[u:u + 1, :]
                cy2 = cy2_4[u:u + 1, :]
                car = (cx2 - cx1) * (cy2 - cy1)
                iou_bc = _iou_tile(x1c, y1c, x2c, y2c, ac,
                                   cx1, cy1, cx2, cy2, car)
                killed_rows.append(
                    (jnp.max(iou_bc * kcol, axis=0, keepdims=True)
                     > _T).astype(f32))
            killed4 = jnp.concatenate(killed_rows, axis=0)
            rowmask = ((c0 + pagei4) > b).astype(f32)
            keep_ref[pl.ds(c0, 4), :] = (
                keep_ref[pl.ds(c0, 4), :] * (1.0 - killed4 * rowmask))

        t0 = (b + 1) // 4
        ntrips = (_NB // 4 - t0 + 1) // 2

        def push8(s, _):
            q = t0 + 2 * s
            push_chunk(q * 4)
            push_chunk(jnp.minimum(q + 1, _NB // 4 - 1) * 4)
            return 0

        jax.lax.fori_loop(0, ntrips, push8, 0)
        return 0

    jax.lax.fori_loop(0, _NB, nms_block, 0)


@functools.lru_cache(maxsize=None)
def _sc_kernels():
    mesh = plsc.VectorSubcoreMesh(core_axis_name="c", subcore_axis_name="s",
                                  num_cores=_NC, num_subcores=_NS)

    @functools.partial(
        pl.kernel,
        out_type=[jax.ShapeDtypeStruct((_NPAD,), jnp.float32)] * 4,
        mesh=mesh,
        compiler_params=pltpu.CompilerParams(needs_layout_passes=False),
        scratch_types=[pltpu.VMEM((_N * 4,), jnp.float32),
                       pltpu.VMEM((_NPAD,), jnp.int32),
                       pltpu.VMEM((_NPAD,), jnp.int32),
                       pltpu.VMEM((_CHUNK,), jnp.float32)],
    )
    def sc_sort_gather(boxesh, rankh,
                       ox1, oy1, ox2, oy2,
                       boxesv, rankv, invv, outv):
        wid = lax.axis_index("s") * _NC + lax.axis_index("c")
        base = wid * _CHUNK
        pltpu.sync_copy(rankh, rankv)
        pltpu.sync_copy(boxesh, boxesv)

        lane = lax.iota(jnp.int32, _L)

        def inv_body(j, _):
            idx = rankv[pl.ds(j * _L, _L)]
            plsc.store_scatter(invv, [idx], j * _L + lane)
            return 0

        lax.fori_loop(0, _NPAD // _L, inv_body, 0)

        nmax = jnp.full((_L,), _N - 1, jnp.int32)
        for d, dst in enumerate((ox1, oy1, ox2, oy2)):
            for j in range(_CHUNK // _L):
                idx = jnp.minimum(invv[pl.ds(base + j * _L, _L)], nmax)
                outv[pl.ds(j * _L, _L)] = plsc.load_gather(
                    boxesv, [idx * 4 + d])
            pltpu.sync_copy(outv, dst.at[pl.ds(base, _CHUNK)])

    @functools.partial(
        pl.kernel,
        out_type=jax.ShapeDtypeStruct((_NPAD,), jnp.float32),
        mesh=mesh,
        compiler_params=pltpu.CompilerParams(needs_layout_passes=False),
        scratch_types=[pltpu.VMEM((_NPAD,), jnp.float32),
                       pltpu.VMEM((_CHUNK,), jnp.int32),
                       pltpu.VMEM((_CHUNK,), jnp.float32),
                       pltpu.VMEM((_CHUNK,), jnp.float32)],
    )
    def sc_unsort_gather(keeph, rankh, sh, outh, keepv, rankv, sv, outv):
        wid = lax.axis_index("s") * _NC + lax.axis_index("c")
        base = wid * _CHUNK
        pltpu.sync_copy(keeph, keepv)
        pltpu.sync_copy(rankh.at[pl.ds(base, _CHUNK)], rankv)
        pltpu.sync_copy(sh.at[pl.ds(base, _CHUNK)], sv)
        for j in range(_CHUNK // _L):
            idx = rankv[pl.ds(j * _L, _L)]
            k = plsc.load_gather(keepv, [idx])
            outv[pl.ds(j * _L, _L)] = k * sv[pl.ds(j * _L, _L)]
        pltpu.sync_copy(outv, outh.at[pl.ds(base, _CHUNK)])

    return sc_sort_gather, sc_unsort_gather


def kernel(boxes, scores):
    pad = _NPAD - _N
    s = jnp.pad(scores, (0, pad), constant_values=-1.0)
    s2d = s.reshape(_NB, _B)

    rank2d = pl.pallas_call(
        _rank_kernel,
        out_shape=jax.ShapeDtypeStruct((_NB, _B), jnp.int32),
    )(s2d)

    sc_sort_gather, sc_unsort_gather = _sc_kernels()
    sx1, sy1, sx2, sy2 = sc_sort_gather(boxes.reshape(-1),
                                        rank2d.reshape(-1))

    keep2d = pl.pallas_call(
        _nms_kernel,
        out_shape=jax.ShapeDtypeStruct((_NB, _B), jnp.float32),
    )(sx1.reshape(_NB, _B), sy1.reshape(_NB, _B),
      sx2.reshape(_NB, _B), sy2.reshape(_NB, _B))

    out = sc_unsort_gather(keep2d.reshape(-1), rank2d.reshape(-1), s)
    return out[:_N]

# --- scband reference (transcript-rebuilt; emitter-appended) ---
"""Pipeline reference for scband-network-85005992722489 (READ-ONLY COPY).

The authoritative reference and input builder live on the scoring server;
editing this copy changes nothing except your own understanding.
"""

import jax, jax.numpy as jnp
import numpy as np

N = 5000
IOU_THRESH = 0.5


def setup_inputs(seed: int = 0) -> dict:
    key = jax.random.key(seed)
    k1, k2, k3 = jax.random.split(key, 3)
    xy = jax.random.uniform(k1, (N, 2), dtype=jnp.float32) * 1024.0
    wh = jax.random.uniform(k2, (N, 2), dtype=jnp.float32) * 128.0 + 1.0
    boxes = jnp.concatenate([xy, xy + wh], axis=1)  # valid x1<x2, y1<y2
    scores = jax.random.uniform(k3, (N,), dtype=jnp.float32)
    return {"boxes": boxes, "scores": scores}


def _pairwise_iou(b):
    x1, y1, x2, y2 = b[:, 0], b[:, 1], b[:, 2], b[:, 3]
    area = (x2 - x1) * (y2 - y1)
    xx1 = jnp.maximum(x1[:, None], x1[None, :])
    yy1 = jnp.maximum(y1[:, None], y1[None, :])
    xx2 = jnp.minimum(x2[:, None], x2[None, :])
    yy2 = jnp.minimum(y2[:, None], y2[None, :])
    w = jnp.maximum(xx2 - xx1, 0.0)
    h = jnp.maximum(yy2 - yy1, 0.0)
    inter = w * h
    union = area[:, None] + area[None, :] - inter
    return inter / (union + 1e-9)


def reference(boxes, scores):
    # Greedy hard NMS (faithful to detection post-processing in Faster R-CNN
    # proposal layers): sort by score desc, walk the list, suppress any
    # lower-scored box with IoU > IOU_THRESH against a kept box.
    n = scores.shape[0]
    order = jnp.argsort(-scores)
    b = boxes[order]
    iou = _pairwise_iou(b)
    idx = jnp.arange(n)

    def body(i, keep):
        cur = keep[i]
        sup = (iou[i] > IOU_THRESH) & (idx > i) & cur
        return keep & (~sup)

    keep_sorted = jax.lax.fori_loop(0, n, body, jnp.ones((n,), dtype=bool))
    keep = jnp.zeros((n,), dtype=bool).at[order].set(keep_sorted)
    # Return scores with suppressed detections zeroed (keep-mask applied).
    return scores * keep.astype(scores.dtype)

if __name__ == "__main__":
    import jax
    _d = setup_inputs()
    print(jax.jit(kernel)(*tuple(_d.values())))

</pallas_src>

<mosaic_0001>
#map = affine_map<(d0, d1) -> (0)>
module attributes {stable_mosaic.version = 14 : i64} {
  func.func @sc_sort_gather(%arg0: i32, %arg1: i32, %arg2: memref<20000xf32, #tpu.memory_space<hbm>>, %arg3: memref<5120xi32, #tpu.memory_space<hbm>>, %arg4: memref<5120xf32, #tpu.memory_space<hbm>>, %arg5: memref<5120xf32, #tpu.memory_space<hbm>>, %arg6: memref<5120xf32, #tpu.memory_space<hbm>>, %arg7: memref<5120xf32, #tpu.memory_space<hbm>>, %arg8: memref<20000xf32, #tpu.memory_space<vmem>>, %arg9: memref<5120xi32, #tpu.memory_space<vmem>>, %arg10: memref<5120xi32, #tpu.memory_space<vmem>>, %arg11: memref<160xf32, #tpu.memory_space<vmem>>) attributes {dimension_semantics = [#tpu.dimension_semantics<core_parallel>, #tpu.dimension_semantics<subcore_parallel>], iteration_bounds = array<i64: 2, 16>, scalar_prefetch = 0 : i64, scratch_operands = 4 : i64, tpu.core_type = #tpu.core_type<sc_vector_subcore>, window_params = [{transform_indices = #map}, {transform_indices = #map}, {transform_indices = #map}, {transform_indices = #map}, {transform_indices = #map}, {transform_indices = #map}]} {
    %mul3A = arith.constant 2 : i32
    %mul3A_0 = arith.muli %arg1, %mul3A : i32
    %add3A = arith.addi %mul3A_0, %arg0 : i32
    %mul3A_1 = arith.constant 160 : i32
    %mul3A_2 = arith.muli %add3A, %mul3A_1 : i32
    "tpu.region"() ({
      %run_scoped3A = tpu.sem_alloc : memref<!tpu.dma_semaphore, #tpu.memory_space<semaphore_mem>>
      tpu.enqueue_dma source(%arg3 : memref<5120xi32, #tpu.memory_space<hbm>>) target(%arg9 : memref<5120xi32, #tpu.memory_space<vmem>>) target_semaphore(%run_scoped3A : memref<!tpu.dma_semaphore, #tpu.memory_space<semaphore_mem>>)
      tpu.wait_dma2 semaphore(%run_scoped3A : memref<!tpu.dma_semaphore, #tpu.memory_space<semaphore_mem>>) src(%arg3 : memref<5120xi32, #tpu.memory_space<hbm>>) dst(%arg9 : memref<5120xi32, #tpu.memory_space<vmem>>)
      tpu.yield
    }) : () -> ()
    "tpu.region"() ({
      %run_scoped3A = tpu.sem_alloc : memref<!tpu.dma_semaphore, #tpu.memory_space<semaphore_mem>>
      tpu.enqueue_dma source(%arg2 : memref<20000xf32, #tpu.memory_space<hbm>>) target(%arg8 : memref<20000xf32, #tpu.memory_space<vmem>>) target_semaphore(%run_scoped3A : memref<!tpu.dma_semaphore, #tpu.memory_space<semaphore_mem>>)
      tpu.wait_dma2 semaphore(%run_scoped3A : memref<!tpu.dma_semaphore, #tpu.memory_space<semaphore_mem>>) src(%arg2 : memref<20000xf32, #tpu.memory_space<hbm>>) dst(%arg8 : memref<20000xf32, #tpu.memory_space<vmem>>)
      tpu.yield
    }) : () -> ()
    %iota3A = tpu.iota {dimensions = array<i32: 0>} : vector<16xi32>
    %scan3A = arith.constant 0 : i32
    %scan3A_3 = arith.constant 0 : i32
    %scan3A_4 = arith.constant 320 : i32
    %scan3A_5 = arith.addi %scan3A_3, %scan3A_4 : i32
    %scan3A_6 = arith.constant 1 : i32
    %scan3A_7 = scf.for %scan3A_566 = %scan3A_3 to %scan3A_5 step %scan3A_6 iter_args(%scan3A_567 = %scan3A) -> (i32)  : i32 {
      %mul3A_568 = arith.constant 16 : i32
      %mul3A_569 = arith.muli %scan3A_566, %mul3A_568 : i32
      %get3A_570 = arith.index_cast %mul3A_569 : i32 to index
      %get3A_571 = tpu.vector_load %arg9[%get3A_570] {strides = array<i32>} : memref<5120xi32, #tpu.memory_space<vmem>>, vector<16xi32>,
      %mul3A_572 = arith.constant 16 : i32
      %mul3A_573 = arith.muli %scan3A_566, %mul3A_572 : i32
      %add3A_574 = vector.broadcast %mul3A_573 : i32 to vector<16xi32>
      %add3A_575 = arith.addi %add3A_574, %iota3A : vector<16xi32>
      tpu.vector_store_idx %arg10[%get3A_571], %add3A_575 : memref<5120xi32, #tpu.memory_space<vmem>>[vector<16xi32>], vector<16xi32>,
      %scan3A_576 = arith.constant 0 : i32
      scf.yield %scan3A_576 : i32
    }
    %scan3A_8 = arith.constant 320 : i32
    %broadcast_in_dim3A = arith.constant 4999 : i32
    %broadcast_in_dim3A_9 = vector.broadcast %broadcast_in_dim3A : i32 to vector<16xi32>
    %add3A_10 = arith.constant 0 : i32
    %add3A_11 = arith.addi %mul3A_2, %add3A_10 : i32
    %get3A = arith.index_cast %add3A_11 : i32 to index
    %get3A_12 = tpu.vector_load %arg10[%get3A] {strides = array<i32>} : memref<5120xi32, #tpu.memory_space<vmem>>, vector<16xi32>,
    %min3A = arith.minsi %get3A_12, %broadcast_in_dim3A_9 : vector<16xi32>
    %mul3A_13 = arith.constant 4 : i32
    %mul3A_14 = vector.broadcast %mul3A_13 : i32 to vector<16xi32>
    %mul3A_15 = arith.muli %min3A, %mul3A_14 : vector<16xi32>
    %add3A_16 = arith.constant 0 : i32
    %add3A_17 = vector.broadcast %add3A_16 : i32 to vector<16xi32>
    %add3A_18 = arith.addi %mul3A_15, %add3A_17 : vector<16xi32>
    %gather3A = tpu.vector_load_idx %arg8[%add3A_18] : memref<20000xf32, #tpu.memory_space<vmem>>[vector<16xi32>], vector<16xf32>,
    %swap3A = arith.constant 0 : index
    %swap3A_19 = tpu.vector_load %arg11[%swap3A] {strides = array<i32>} : memref<160xf32, #tpu.memory_space<vmem>>, vector<16xf32>,
    tpu.vector_store %arg11[%swap3A], %gather3A {strides = array<i32>} : memref<160xf32, #tpu.memory_space<vmem>>, vector<16xf32>,
    %add3A_20 = arith.constant 16 : i32
    %add3A_21 = arith.addi %mul3A_2, %add3A_20 : i32
    %get3A_22 = arith.index_cast %add3A_21 : i32 to index
    %get3A_23 = tpu.vector_load %arg10[%get3A_22] {strides = array<i32>} : memref<5120xi32, #tpu.memory_space<vmem>>, vector<16xi32>,
    %min3A_24 = arith.minsi %get3A_23, %broadcast_in_dim3A_9 : vector<16xi32>
    %mul3A_25 = arith.constant 4 : i32
    %mul3A_26 = vector.broadcast %mul3A_25 : i32 to vector<16xi32>
    %mul3A_27 = arith.muli %min3A_24, %mul3A_26 : vector<16xi32>
    %add3A_28 = arith.constant 0 : i32
    %add3A_29 = vector.broadcast %add3A_28 : i32 to vector<16xi32>
    %add3A_30 = arith.addi %mul3A_27, %add3A_29 : vector<16xi32>
    %gather3A_31 = tpu.vector_load_idx %arg8[%add3A_30] : memref<20000xf32, #tpu.memory_space<vmem>>[vector<16xi32>], vector<16xf32>,
    %swap3A_32 = arith.constant 16 : index
    %swap3A_33 = tpu.vector_load %arg11[%swap3A_32] {strides = array<i32>} : memref<160xf32, #tpu.memory_space<vmem>>, vector<16xf32>,
    tpu.vector_store %arg11[%swap3A_32], %gather3A_31 {strides = array<i32>} : memref<160xf32, #tpu.memory_space<vmem>>, vector<16xf32>,
    %add3A_34 = arith.constant 32 : i32
    %add3A_35 = arith.addi %mul3A_2, %add3A_34 : i32
    %get3A_36 = arith.index_cast %add3A_35 : i32 to index
    %get3A_37 = tpu.vector_load %arg10[%get3A_36] {strides = array<i32>} : memref<5120xi32, #tpu.memory_space<vmem>>, vector<16xi32>,
    %min3A_38 = arith.minsi %get3A_37, %broadcast_in_dim3A_9 : vector<16xi32>
    %mul3A_39 = arith.constant 4 : i32
    %mul3A_40 = vector.broadcast %mul3A_39 : i32 to vector<16xi32>
    %mul3A_41 = arith.muli %min3A_38, %mul3A_40 : vector<16xi32>
    %add3A_42 = arith.constant 0 : i32
    %add3A_43 = vector.broadcast %add3A_42 : i32 to vector<16xi32>
    %add3A_44 = arith.addi %mul3A_41, %add3A_43 : vector<16xi32>
    %gather3A_45 = tpu.vector_load_idx %arg8[%add3A_44] : memref<20000xf32, #tpu.memory_space<vmem>>[vector<16xi32>], vector<16xf32>,
    %swap3A_46 = arith.constant 32 : index
    %swap3A_47 = tpu.vector_load %arg11[%swap3A_46] {strides = array<i32>} : memref<160xf32, #tpu.memory_space<vmem>>, vector<16xf32>,
    tpu.vector_store %arg11[%swap3A_46], %gather3A_45 {strides = array<i32>} : memref<160xf32, #tpu.memory_space<vmem>>, vector<16xf32>,
    %add3A_48 = arith.constant 48 : i32
    %add3A_49 = arith.addi %mul3A_2, %add3A_48 : i32
    %get3A_50 = arith.index_cast %add3A_49 : i32 to index
    %get3A_51 = tpu.vector_load %arg10[%get3A_50] {strides = array<i32>} : memref<5120xi32, #tpu.memory_space<vmem>>, vector<16xi32>,
    %min3A_52 = arith.minsi %get3A_51, %broadcast_in_dim3A_9 : vector<16xi32>
    %mul3A_53 = arith.constant 4 : i32
    %mul3A_54 = vector.broadcast %mul3A_53 : i32 to vector<16xi32>
    %mul3A_55 = arith.muli %min3A_52, %mul3A_54 : vector<16xi32>
    %add3A_56 = arith.constant 0 : i32
    %add3A_57 = vector.broadcast %add3A_56 : i32 to vector<16xi32>
    %add3A_58 = arith.addi %mul3A_55, %add3A_57 : vector<16xi32>
    %gather3A_59 = tpu.vector_load_idx %arg8[%add3A_58] : memref<20000xf32, #tpu.memory_space<vmem>>[vector<16xi32>], vector<16xf32>,
    %swap3A_60 = arith.constant 48 : index
    %swap3A_61 = tpu.vector_load %arg11[%swap3A_60] {strides = array<i32>} : memref<160xf32, #tpu.memory_space<vmem>>, vector<16xf32>,
    tpu.vector_store %arg11[%swap3A_60], %gather3A_59 {strides = array<i32>} : memref<160xf32, #tpu.memory_space<vmem>>, vector<16xf32>,
    %add3A_62 = arith.constant 64 : i32
    %add3A_63 = arith.addi %mul3A_2, %add3A_62 : i32
    %get3A_64 = arith.index_cast %add3A_63 : i32 to index
    %get3A_65 = tpu.vector_load %arg10[%get3A_64] {strides = array<i32>} : memref<5120xi32, #tpu.memory_space<vmem>>, vector<16xi32>,
    %min3A_66 = arith.minsi %get3A_65, %broadcast_in_dim3A_9 : vector<16xi32>
    %mul3A_67 = arith.constant 4 : i32
    %mul3A_68 = vector.broadcast %mul3A_67 : i32 to vector<16xi32>
    %mul3A_69 = arith.muli %min3A_66, %mul3A_68 : vector<16xi32>
    %add3A_70 = arith.constant 0 : i32
    %add3A_71 = vector.broadcast %add3A_70 : i32 to vector<16xi32>
    %add3A_72 = arith.addi %mul3A_69, %add3A_71 : vector<16xi32>
    %gather3A_73 = tpu.vector_load_idx %arg8[%add3A_72] : memref<20000xf32, #tpu.memory_space<vmem>>[vector<16xi32>], vector<16xf32>,
    %swap3A_74 = arith.constant 64 : index
    %swap3A_75 = tpu.vector_load %arg11[%swap3A_74] {strides = array<i32>} : memref<160xf32, #tpu.memory_space<vmem>>, vector<16xf32>,
    tpu.vector_store %arg11[%swap3A_74], %gather3A_73 {strides = array<i32>} : memref<160xf32, #tpu.memory_space<vmem>>, vector<16xf32>,
    %add3A_76 = arith.constant 80 : i32
    %add3A_77 = arith.addi %mul3A_2, %add3A_76 : i32
    %get3A_78 = arith.index_cast %add3A_77 : i32 to index
    %get3A_79 = tpu.vector_load %arg10[%get3A_78] {strides = array<i32>} : memref<5120xi32, #tpu.memory_space<vmem>>, vector<16xi32>,
    %min3A_80 = arith.minsi %get3A_79, %broadcast_in_dim3A_9 : vector<16xi32>
    %mul3A_81 = arith.constant 4 : i32
    %mul3A_82 = vector.broadcast %mul3A_81 : i32 to vector<16xi32>
    %mul3A_83 = arith.muli %min3A_80, %mul3A_82 : vector<16xi32>
    %add3A_84 = arith.constant 0 : i32
    %add3A_85 = vector.broadcast %add3A_84 : i32 to vector<16xi32>
    %add3A_86 = arith.addi %mul3A_83, %add3A_85 : vector<16xi32>
    %gather3A_87 = tpu.vector_load_idx %arg8[%add3A_86] : memref<20000xf32, #tpu.memory_space<vmem>>[vector<16xi32>], vector<16xf32>,
    %swap3A_88 = arith.constant 80 : index
    %swap3A_89 = tpu.vector_load %arg11[%swap3A_88] {strides = array<i32>} : memref<160xf32, #tpu.memory_space<vmem>>, vector<16xf32>,
    tpu.vector_store %arg11[%swap3A_88], %gather3A_87 {strides = array<i32>} : memref<160xf32, #tpu.memory_space<vmem>>, vector<16xf32>,
    %add3A_90 = arith.constant 96 : i32
    %add3A_91 = arith.addi %mul3A_2, %add3A_90 : i32
    %get3A_92 = arith.index_cast %add3A_91 : i32 to index
    %get3A_93 = tpu.vector_load %arg10[%get3A_92] {strides = array<i32>} : memref<5120xi32, #tpu.memory_space<vmem>>, vector<16xi32>,
    %min3A_94 = arith.minsi %get3A_93, %broadcast_in_dim3A_9 : vector<16xi32>
    %mul3A_95 = arith.constant 4 : i32
    %mul3A_96 = vector.broadcast %mul3A_95 : i32 to vector<16xi32>
    %mul3A_97 = arith.muli %min3A_94, %mul3A_96 : vector<16xi32>
    %add3A_98 = arith.constant 0 : i32
    %add3A_99 = vector.broadcast %add3A_98 : i32 to vector<16xi32>
    %add3A_100 = arith.addi %mul3A_97, %add3A_99 : vector<16xi32>
    %gather3A_101 = tpu.vector_load_idx %arg8[%add3A_100] : memref<20000xf32, #tpu.memory_space<vmem>>[vector<16xi32>], vector<16xf32>,
    %swap3A_102 = arith.constant 96 : index
    %swap3A_103 = tpu.vector_load %arg11[%swap3A_102] {strides = array<i32>} : memref<160xf32, #tpu.memory_space<vmem>>, vector<16xf32>,
    tpu.vector_store %arg11[%swap3A_102], %gather3A_101 {strides = array<i32>} : memref<160xf32, #tpu.memory_space<vmem>>, vector<16xf32>,
    %add3A_104 = arith.constant 112 : i32
    %add3A_105 = arith.addi %mul3A_2, %add3A_104 : i32
    %get3A_106 = arith.index_cast %add3A_105 : i32 to index
    %get3A_107 = tpu.vector_load %arg10[%get3A_106] {strides = array<i32>} : memref<5120xi32, #tpu.memory_space<vmem>>, vector<16xi32>,
    %min3A_108 = arith.minsi %get3A_107, %broadcast_in_dim3A_9 : vector<16xi32>
    %mul3A_109 = arith.constant 4 : i32
    %mul3A_110 = vector.broadcast %mul3A_109 : i32 to vector<16xi32>
    %mul3A_111 = arith.muli %min3A_108, %mul3A_110 : vector<16xi32>
    %add3A_112 = arith.constant 0 : i32
    %add3A_113 = vector.broadcast %add3A_112 : i32 to vector<16xi32>
    %add3A_114 = arith.addi %mul3A_111, %add3A_113 : vector<16xi32>
    %gather3A_115 = tpu.vector_load_idx %arg8[%add3A_114] : memref<20000xf32, #tpu.memory_space<vmem>>[vector<16xi32>], vector<16xf32>,
    %swap3A_116 = arith.constant 112 : index
    %swap3A_117 = tpu.vector_load %arg11[%swap3A_116] {strides = array<i32>} : memref<160xf32, #tpu.memory_space<vmem>>, vector<16xf32>,
    tpu.vector_store %arg11[%swap3A_116], %gather3A_115 {strides = array<i32>} : memref<160xf32, #tpu.memory_space<vmem>>, vector<16xf32>,
    %add3A_118 = arith.constant 128 : i32
    %add3A_119 = arith.addi %mul3A_2, %add3A_118 : i32
    %get3A_120 = arith.index_cast %add3A_119 : i32 to index
    %get3A_121 = tpu.vector_load %arg10[%get3A_120] {strides = array<i32>} : memref<5120xi32, #tpu.memory_space<vmem>>, vector<16xi32>,
    %min3A_122 = arith.minsi %get3A_121, %broadcast_in_dim3A_9 : vector<16xi32>
    %mul3A_123 = arith.constant 4 : i32
    %mul3A_124 = vector.broadcast %mul3A_123 : i32 to vector<16xi32>
    %mul3A_125 = arith.muli %min3A_122, %mul3A_124 : vector<16xi32>
    %add3A_126 = arith.constant 0 : i32
    %add3A_127 = vector.broadcast %add3A_126 : i32 to vector<16xi32>
    %add3A_128 = arith.addi %mul3A_125, %add3A_127 : vector<16xi32>
    %gather3A_129 = tpu.vector_load_idx %arg8[%add3A_128] : memref<20000xf32, #tpu.memory_space<vmem>>[vector<16xi32>], vector<16xf32>,
    %swap3A_130 = arith.constant 128 : index
    %swap3A_131 = tpu.vector_load %arg11[%swap3A_130] {strides = array<i32>} : memref<160xf32, #tpu.memory_space<vmem>>, vector<16xf32>,
    tpu.vector_store %arg11[%swap3A_130], %gather3A_129 {strides = array<i32>} : memref<160xf32, #tpu.memory_space<vmem>>, vector<16xf32>,
    %add3A_132 = arith.constant 144 : i32
    %add3A_133 = arith.addi %mul3A_2, %add3A_132 : i32
    %get3A_134 = arith.index_cast %add3A_133 : i32 to index
    %get3A_135 = tpu.vector_load %arg10[%get3A_134] {strides = array<i32>} : memref<5120xi32, #tpu.memory_space<vmem>>, vector<16xi32>,
    %min3A_136 = arith.minsi %get3A_135, %broadcast_in_dim3A_9 : vector<16xi32>
    %mul3A_137 = arith.constant 4 : i32
    %mul3A_138 = vector.broadcast %mul3A_137 : i32 to vector<16xi32>
    %mul3A_139 = arith.muli %min3A_136, %mul3A_138 : vector<16xi32>
    %add3A_140 = arith.constant 0 : i32
    %add3A_141 = vector.broadcast %add3A_140 : i32 to vector<16xi32>
    %add3A_142 = arith.addi %mul3A_139, %add3A_141 : vector<16xi32>
    %gather3A_143 = tpu.vector_load_idx %arg8[%add3A_142] : memref<20000xf32, #tpu.memory_space<vmem>>[vector<16xi32>], vector<16xf32>,
    %swap3A_144 = arith.constant 144 : index
    %swap3A_145 = tpu.vector_load %arg11[%swap3A_144] {strides = array<i32>} : memref<160xf32, #tpu.memory_space<vmem>>, vector<16xf32>,
    tpu.vector_store %arg11[%swap3A_144], %gather3A_143 {strides = array<i32>} : memref<160xf32, #tpu.memory_space<vmem>>, vector<16xf32>,
    "tpu.region"() ({
      %run_scoped3A = tpu.sem_alloc : memref<!tpu.dma_semaphore, #tpu.memory_space<semaphore_mem>>
      %dma_start3A = tpu.memref_slice %arg4[%mul3A_2] : memref<5120xf32, #tpu.memory_space<hbm>> -> memref<160xf32, #tpu.memory_space<hbm>>
      %dma_start3A_566 = tpu.memref_slice %arg4[%mul3A_2] : memref<5120xf32, #tpu.memory_space<hbm>> -> memref<160xf32, #tpu.memory_space<hbm>>
      tpu.enqueue_dma source(%arg11 : memref<160xf32, #tpu.memory_space<vmem>>) target(%dma_start3A_566 : memref<160xf32, #tpu.memory_space<hbm>>) target_semaphore(%run_scoped3A : memref<!tpu.dma_semaphore, #tpu.memory_space<semaphore_mem>>)
      %dma_wait3A = tpu.memref_slice %arg4[%mul3A_2] : memref<5120xf32, #tpu.memory_space<hbm>> -> memref<160xf32, #tpu.memory_space<hbm>>
      %dma_wait3A_567 = tpu.memref_slice %arg4[%mul3A_2] : memref<5120xf32, #tpu.memory_space<hbm>> -> memref<160xf32, #tpu.memory_space<hbm>>
      tpu.wait_dma2 semaphore(%run_scoped3A : memref<!tpu.dma_semaphore, #tpu.memory_space<semaphore_mem>>) src(%arg11 : memref<160xf32, #tpu.memory_space<vmem>>) dst(%dma_wait3A_567 : memref<160xf32, #tpu.memory_space<hbm>>)
      tpu.yield
    }) : () -> ()
    %add3A_146 = arith.constant 0 : i32
    %add3A_147 = arith.addi %mul3A_2, %add3A_146 : i32
    %get3A_148 = arith.index_cast %add3A_147 : i32 to index
    %get3A_149 = tpu.vector_load %arg10[%get3A_148] {strides = array<i32>} : memref<5120xi32, #tpu.memory_space<vmem>>, vector<16xi32>,
    %min3A_150 = arith.minsi %get3A_149, %broadcast_in_dim3A_9 : vector<16xi32>
    %mul3A_151 = arith.constant 4 : i32
    %mul3A_152 = vector.broadcast %mul3A_151 : i32 to vector<16xi32>
    %mul3A_153 = arith.muli %min3A_150, %mul3A_152 : vector<16xi32>
    %add3A_154 = arith.constant 1 : i32
    %add3A_155 = vector.broadcast %add3A_154 : i32 to vector<16xi32>
    %add3A_156 = arith.addi %mul3A_153, %add3A_155 : vector<16xi32>
    %gather3A_157 = tpu.vector_load_idx %arg8[%add3A_156] : memref<20000xf32, #tpu.memory_space<vmem>>[vector<16xi32>], vector<16xf32>,
    %swap3A_158 = arith.constant 0 : index
    %swap3A_159 = tpu.vector_load %arg11[%swap3A_158] {strides = array<i32>} : memref<160xf32, #tpu.memory_space<vmem>>, vector<16xf32>,
    tpu.vector_store %arg11[%swap3A_158], %gather3A_157 {strides = array<i32>} : memref<160xf32, #tpu.memory_space<vmem>>, vector<16xf32>,
    %add3A_160 = arith.constant 16 : i32
    %add3A_161 = arith.addi %mul3A_2, %add3A_160 : i32
    %get3A_162 = arith.index_cast %add3A_161 : i32 to index
    %get3A_163 = tpu.vector_load %arg10[%get3A_162] {strides = array<i32>} : memref<5120xi32, #tpu.memory_space<vmem>>, vector<16xi32>,
    %min3A_164 = arith.minsi %get3A_163, %broadcast_in_dim3A_9 : vector<16xi32>
    %mul3A_165 = arith.constant 4 : i32
    %mul3A_166 = vector.broadcast %mul3A_165 : i32 to vector<16xi32>
    %mul3A_167 = arith.muli %min3A_164, %mul3A_166 : vector<16xi32>
    %add3A_168 = arith.constant 1 : i32
    %add3A_169 = vector.broadcast %add3A_168 : i32 to vector<16xi32>
    %add3A_170 = arith.addi %mul3A_167, %add3A_169 : vector<16xi32>
    %gather3A_171 = tpu.vector_load_idx %arg8[%add3A_170] : memref<20000xf32, #tpu.memory_space<vmem>>[vector<16xi32>], vector<16xf32>,
    %swap3A_172 = arith.constant 16 : index
    %swap3A_173 = tpu.vector_load %arg11[%swap3A_172] {strides = array<i32>} : memref<160xf32, #tpu.memory_space<vmem>>, vector<16xf32>,
    tpu.vector_store %arg11[%swap3A_172], %gather3A_171 {strides = array<i32>} : memref<160xf32, #tpu.memory_space<vmem>>, vector<16xf32>,
    %add3A_174 = arith.constant 32 : i32
    %add3A_175 = arith.addi %mul3A_2, %add3A_174 : i32
    %get3A_176 = arith.index_cast %add3A_175 : i32 to index
    %get3A_177 = tpu.vector_load %arg10[%get3A_176] {strides = array<i32>} : memref<5120xi32, #tpu.memory_space<vmem>>, vector<16xi32>,
    %min3A_178 = arith.minsi %get3A_177, %broadcast_in_dim3A_9 : vector<16xi32>
    %mul3A_179 = arith.constant 4 : i32
    %mul3A_180 = vector.broadcast %mul3A_179 : i32 to vector<16xi32>
    %mul3A_181 = arith.muli %min3A_178, %mul3A_180 : vector<16xi32>
    %add3A_182 = arith.constant 1 : i32
    %add3A_183 = vector.broadcast %add3A_182 : i32 to vector<16xi32>
    %add3A_184 = arith.addi %mul3A_181, %add3A_183 : vector<16xi32>
    %gather3A_185 = tpu.vector_load_idx %arg8[%add3A_184] : memref<20000xf32, #tpu.memory_space<vmem>>[vector<16xi32>], vector<16xf32>,
    %swap3A_186 = arith.constant 32 : index
    %swap3A_187 = tpu.vector_load %arg11[%swap3A_186] {strides = array<i32>} : memref<160xf32, #tpu.memory_space<vmem>>, vector<16xf32>,
    tpu.vector_store %arg11[%swap3A_186], %gather3A_185 {strides = array<i32>} : memref<160xf32, #tpu.memory_space<vmem>>, vector<16xf32>,
    %add3A_188 = arith.constant 48 : i32
    %add3A_189 = arith.addi %mul3A_2, %add3A_188 : i32
    %get3A_190 = arith.index_cast %add3A_189 : i32 to index
    %get3A_191 = tpu.vector_load %arg10[%get3A_190] {strides = array<i32>} : memref<5120xi32, #tpu.memory_space<vmem>>, vector<16xi32>,
    %min3A_192 = arith.minsi %get3A_191, %broadcast_in_dim3A_9 : vector<16xi32>
    %mul3A_193 = arith.constant 4 : i32
    %mul3A_194 = vector.broadcast %mul3A_193 : i32 to vector<16xi32>
    %mul3A_195 = arith.muli %min3A_192, %mul3A_194 : vector<16xi32>
    %add3A_196 = arith.constant 1 : i32
    %add3A_197 = vector.broadcast %add3A_196 : i32 to vector<16xi32>
    %add3A_198 = arith.addi %mul3A_195, %add3A_197 : vector<16xi32>
    %gather3A_199 = tpu.vector_load_idx %arg8[%add3A_198] : memref<20000xf32, #tpu.memory_space<vmem>>[vector<16xi32>], vector<16xf32>,
    %swap3A_200 = arith.constant 48 : index
    %swap3A_201 = tpu.vector_load %arg11[%swap3A_200] {strides = array<i32>} : memref<160xf32, #tpu.memory_space<vmem>>, vector<16xf32>,
    tpu.vector_store %arg11[%swap3A_200], %gather3A_199 {strides = array<i32>} : memref<160xf32, #tpu.memory_space<vmem>>, vector<16xf32>,
    %add3A_202 = arith.constant 64 : i32
    %add3A_203 = arith.addi %mul3A_2, %add3A_202 : i32
    %get3A_204 = arith.index_cast %add3A_203 : i32 to index
    %get3A_205 = tpu.vector_load %arg10[%get3A_204] {strides = array<i32>} : memref<5120xi32, #tpu.memory_space<vmem>>, vector<16xi32>,
    %min3A_206 = arith.minsi %get3A_205, %broadcast_in_dim3A_9 : vector<16xi32>
    %mul3A_207 = arith.constant 4 : i32
    %mul3A_208 = vector.broadcast %mul3A_207 : i32 to vector<16xi32>
    %mul3A_209 = arith.muli %min3A_206, %mul3A_208 : vector<16xi32>
    %add3A_210 = arith.constant 1 : i32
    %add3A_211 = vector.broadcast %add3A_210 : i32 to vector<16xi32>
    %add3A_212 = arith.addi %mul3A_209, %add3A_211 : vector<16xi32>
    %gather3A_213 = tpu.vector_load_idx %arg8[%add3A_212] : memref<20000xf32, #tpu.memory_space<vmem>>[vector<16xi32>], vector<16xf32>,
    %swap3A_214 = arith.constant 64 : index
    %swap3A_215 = tpu.vector_load %arg11[%swap3A_214] {strides = array<i32>} : memref<160xf32, #tpu.memory_space<vmem>>, vector<16xf32>,
    tpu.vector_store %arg11[%swap3A_214], %gather3A_213 {strides = array<i32>} : memref<160xf32, #tpu.memory_space<vmem>>, vector<16xf32>,
    %add3A_216 = arith.constant 80 : i32
    %add3A_217 = arith.addi %mul3A_2, %add3A_216 : i32
    %get3A_218 = arith.index_cast %add3A_217 : i32 to index
    %get3A_219 = tpu.vector_load %arg10[%get3A_218] {strides = array<i32>} : memref<5120xi32, #tpu.memory_space<vmem>>, vector<16xi32>,
    %min3A_220 = arith.minsi %get3A_219, %broadcast_in_dim3A_9 : vector<16xi32>
    %mul3A_221 = arith.constant 4 : i32
    %mul3A_222 = vector.broadcast %mul3A_221 : i32 to vector<16xi32>
    %mul3A_223 = arith.muli %min3A_220, %mul3A_222 : vector<16xi32>
    %add3A_224 = arith.constant 1 : i32
    %add3A_225 = vector.broadcast %add3A_224 : i32 to vector<16xi32>
    %add3A_226 = arith.addi %mul3A_223, %add3A_225 : vector<16xi32>
    %gather3A_227 = tpu.vector_load_idx %arg8[%add3A_226] : memref<20000xf32, #tpu.memory_space<vmem>>[vector<16xi32>], vector<16xf32>,
    %swap3A_228 = arith.constant 80 : index
    %swap3A_229 = tpu.vector_load %arg11[%swap3A_228] {strides = array<i32>} : memref<160xf32, #tpu.memory_space<vmem>>, vector<16xf32>,
    tpu.vector_store %arg11[%swap3A_228], %gather3A_227 {strides = array<i32>} : memref<160xf32, #tpu.memory_space<vmem>>, vector<16xf32>,
    %add3A_230 = arith.constant 96 : i32
    %add3A_231 = arith.addi %mul3A_2, %add3A_230 : i32
    %get3A_232 = arith.index_cast %add3A_231 : i32 to index
    %get3A_233 = tpu.vector_load %arg10[%get3A_232] {strides = array<i32>} : memref<5120xi32, #tpu.memory_space<vmem>>, vector<16xi32>,
    %min3A_234 = arith.minsi %get3A_233, %broadcast_in_dim3A_9 : vector<16xi32>
    %mul3A_235 = arith.constant 4 : i32
    %mul3A_236 = vector.broadcast %mul3A_235 : i32 to vector<16xi32>
    %mul3A_237 = arith.muli %min3A_234, %mul3A_236 : vector<16xi32>
    %add3A_238 = arith.constant 1 : i32
    %add3A_239 = vector.broadcast %add3A_238 : i32 to vector<16xi32>
    %add3A_240 = arith.addi %mul3A_237, %add3A_239 : vector<16xi32>
    %gather3A_241 = tpu.vector_load_idx %arg8[%add3A_240] : memref<20000xf32, #tpu.memory_space<vmem>>[vector<16xi32>], vector<16xf32>,
    %swap3A_242 = arith.constant 96 : index
    %swap3A_243 = tpu.vector_load %arg11[%swap3A_242] {strides = array<i32>} : memref<160xf32, #tpu.memory_space<vmem>>, vector<16xf32>,
    tpu.vector_store %arg11[%swap3A_242], %gather3A_241 {strides = array<i32>} : memref<160xf32, #tpu.memory_space<vmem>>, vector<16xf32>,
    %add3A_244 = arith.constant 112 : i32
    %add3A_245 = arith.addi %mul3A_2, %add3A_244 : i32
    %get3A_246 = arith.index_cast %add3A_245 : i32 to index
    %get3A_247 = tpu.vector_load %arg10[%get3A_246] {strides = array<i32>} : memref<5120xi32, #tpu.memory_space<vmem>>, vector<16xi32>,
    %min3A_248 = arith.minsi %get3A_247, %broadcast_in_dim3A_9 : vector<16xi32>
    %mul3A_249 = arith.constant 4 : i32
    %mul3A_250 = vector.broadcast %mul3A_249 : i32 to vector<16xi32>
    %mul3A_251 = arith.muli %min3A_248, %mul3A_250 : vector<16xi32>
    %add3A_252 = arith.constant 1 : i32
    %add3A_253 = vector.broadcast %add3A_252 : i32 to vector<16xi32>
    %add3A_254 = arith.addi %mul3A_251, %add3A_253 : vector<16xi32>
    %gather3A_255 = tpu.vector_load_idx %arg8[%add3A_254] : memref<20000xf32, #tpu.memory_space<vmem>>[vector<16xi32>], vector<16xf32>,
    %swap3A_256 = arith.constant 112 : index
    %swap3A_257 = tpu.vector_load %arg11[%swap3A_256] {strides = array<i32>} : memref<160xf32, #tpu.memory_space<vmem>>, vector<16xf32>,
    tpu.vector_store %arg11[%swap3A_256], %gather3A_255 {strides = array<i32>} : memref<160xf32, #tpu.memory_space<vmem>>, vector<16xf32>,
    %add3A_258 = arith.constant 128 : i32
    %add3A_259 = arith.addi %mul3A_2, %add3A_258 : i32
    %get3A_260 = arith.index_cast %add3A_259 : i32 to index
    %get3A_261 = tpu.vector_load %arg10[%get3A_260] {strides = array<i32>} : memref<5120xi32, #tpu.memory_space<vmem>>, vector<16xi32>,
    %min3A_262 = arith.minsi %get3A_261, %broadcast_in_dim3A_9 : vector<16xi32>
    %mul3A_263 = arith.constant 4 : i32
    %mul3A_264 = vector.broadcast %mul3A_263 : i32 to vector<16xi32>
    %mul3A_265 = arith.muli %min3A_262, %mul3A_264 : vector<16xi32>
    %add3A_266 = arith.constant 1 : i32
    %add3A_267 = vector.broadcast %add3A_266 : i32 to vector<16xi32>
    %add3A_268 = arith.addi %mul3A_265, %add3A_267 : vector<16xi32>
    %gather3A_269 = tpu.vector_load_idx %arg8[%add3A_268] : memref<20000xf32, #tpu.memory_space<vmem>>[vector<16xi32>], vector<16xf32>,
    %swap3A_270 = arith.constant 128 : index
    %swap3A_271 = tpu.vector_load %arg11[%swap3A_270] {strides = array<i32>} : memref<160xf32, #tpu.memory_space<vmem>>, vector<16xf32>,
    tpu.vector_store %arg11[%swap3A_270], %gather3A_269 {strides = array<i32>} : memref<160xf32, #tpu.memory_space<vmem>>, vector<16xf32>,
    %add3A_272 = arith.constant 144 : i32
    %add3A_273 = arith.addi %mul3A_2, %add3A_272 : i32
    %get3A_274 = arith.index_cast %add3A_273 : i32 to index
    %get3A_275 = tpu.vector_load %arg10[%get3A_274] {strides = array<i32>} : memref<5120xi32, #tpu.memory_space<vmem>>, vector<16xi32>,
    %min3A_276 = arith.minsi %get3A_275, %broadcast_in_dim3A_9 : vector<16xi32>
    %mul3A_277 = arith.constant 4 : i32
    %mul3A_278 = vector.broadcast %mul3A_277 : i32 to vector<16xi32>
    %mul3A_279 = arith.muli %min3A_276, %mul3A_278 : vector<16xi32>
    %add3A_280 = arith.constant 1 : i32
    %add3A_281 = vector.broadcast %add3A_280 : i32 to vector<16xi32>
    %add3A_282 = arith.addi %mul3A_279, %add3A_281 : vector<16xi32>
    %gather3A_283 = tpu.vector_load_idx %arg8[%add3A_282] : memref<20000xf32, #tpu.memory_space<vmem>>[vector<16xi32>], vector<16xf32>,
    %swap3A_284 = arith.constant 144 : index
    %swap3A_285 = tpu.vector_load %arg11[%swap3A_284] {strides = array<i32>} : memref<160xf32, #tpu.memory_space<vmem>>, vector<16xf32>,
    tpu.vector_store %arg11[%swap3A_284], %gather3A_283 {strides = array<i32>} : memref<160xf32, #tpu.memory_space<vmem>>, vector<16xf32>,
    "tpu.region"() ({
      %run_scoped3A = tpu.sem_alloc : memref<!tpu.dma_semaphore, #tpu.memory_space<semaphore_mem>>
      %dma_start3A = tpu.memref_slice %arg5[%mul3A_2] : memref<5120xf32, #tpu.memory_space<hbm>> -> memref<160xf32, #tpu.memory_space<hbm>>
      %dma_start3A_566 = tpu.memref_slice %arg5[%mul3A_2] : memref<5120xf32, #tpu.memory_space<hbm>> -> memref<160xf32, #tpu.memory_space<hbm>>
      tpu.enqueue_dma source(%arg11 : memref<160xf32, #tpu.memory_space<vmem>>) target(%dma_start3A_566 : memref<160xf32, #tpu.memory_space<hbm>>) target_semaphore(%run_scoped3A : memref<!tpu.dma_semaphore, #tpu.memory_space<semaphore_mem>>)
      %dma_wait3A = tpu.memref_slice %arg5[%mul3A_2] : memref<5120xf32, #tpu.memory_space<hbm>> -> memref<160xf32, #tpu.memory_space<hbm>>
      %dma_wait3A_567 = tpu.memref_slice %arg5[%mul3A_2] : memref<5120xf32, #tpu.memory_space<hbm>> -> memref<160xf32, #tpu.memory_space<hbm>>
      tpu.wait_dma2 semaphore(%run_scoped3A : memref<!tpu.dma_semaphore, #tpu.memory_space<semaphore_mem>>) src(%arg11 : memref<160xf32, #tpu.memory_space<vmem>>) dst(%dma_wait3A_567 : memref<160xf32, #tpu.memory_space<hbm>>)
      tpu.yield
    }) : () -> ()
    %add3A_286 = arith.constant 0 : i32
    %add3A_287 = arith.addi %mul3A_2, %add3A_286 : i32
    %get3A_288 = arith.index_cast %add3A_287 : i32 to index
    %get3A_289 = tpu.vector_load %arg10[%get3A_288] {strides = array<i32>} : memref<5120xi32, #tpu.memory_space<vmem>>, vector<16xi32>,
    %min3A_290 = arith.minsi %get3A_289, %broadcast_in_dim3A_9 : vector<16xi32>
    %mul3A_291 = arith.constant 4 : i32
    %mul3A_292 = vector.broadcast %mul3A_291 : i32 to vector<16xi32>
    %mul3A_293 = arith.muli %min3A_290, %mul3A_292 : vector<16xi32>
    %add3A_294 = arith.constant 2 : i32
    %add3A_295 = vector.broadcast %add3A_294 : i32 to vector<16xi32>
    %add3A_296 = arith.addi %mul3A_293, %add3A_295 : vector<16xi32>
    %gather3A_297 = tpu.vector_load_idx %arg8[%add3A_296] : memref<20000xf32, #tpu.memory_space<vmem>>[vector<16xi32>], vector<16xf32>,
    %swap3A_298 = arith.constant 0 : index
    %swap3A_299 = tpu.vector_load %arg11[%swap3A_298] {strides = array<i32>} : memref<160xf32, #tpu.memory_space<vmem>>, vector<16xf32>,
    tpu.vector_store %arg11[%swap3A_298], %gather3A_297 {strides = array<i32>} : memref<160xf32, #tpu.memory_space<vmem>>, vector<16xf32>,
    %add3A_300 = arith.constant 16 : i32
    %add3A_301 = arith.addi %mul3A_2, %add3A_300 : i32
    %get3A_302 = arith.index_cast %add3A_301 : i32 to index
    %get3A_303 = tpu.vector_load %arg10[%get3A_302] {strides = array<i32>} : memref<5120xi32, #tpu.memory_space<vmem>>, vector<16xi32>,
    %min3A_304 = arith.minsi %get3A_303, %broadcast_in_dim3A_9 : vector<16xi32>
    %mul3A_305 = arith.constant 4 : i32
    %mul3A_306 = vector.broadcast %mul3A_305 : i32 to vector<16xi32>
    %mul3A_307 = arith.muli %min3A_304, %mul3A_306 : vector<16xi32>
    %add3A_308 = arith.constant 2 : i32
    %add3A_309 = vector.broadcast %add3A_308 : i32 to vector<16xi32>
    %add3A_310 = arith.addi %mul3A_307, %add3A_309 : vector<16xi32>
    %gather3A_311 = tpu.vector_load_idx %arg8[%add3A_310] : memref<20000xf32, #tpu.memory_space<vmem>>[vector<16xi32>], vector<16xf32>,
    %swap3A_312 = arith.constant 16 : index
    %swap3A_313 = tpu.vector_load %arg11[%swap3A_312] {strides = array<i32>} : memref<160xf32, #tpu.memory_space<vmem>>, vector<16xf32>,
    tpu.vector_store %arg11[%swap3A_312], %gather3A_311 {strides = array<i32>} : memref<160xf32, #tpu.memory_space<vmem>>, vector<16xf32>,
    %add3A_314 = arith.constant 32 : i32
    %add3A_315 = arith.addi %mul3A_2, %add3A_314 : i32
    %get3A_316 = arith.index_cast %add3A_315 : i32 to index
    %get3A_317 = tpu.vector_load %arg10[%get3A_316] {strides = array<i32>} : memref<5120xi32, #tpu.memory_space<vmem>>, vector<16xi32>,
    %min3A_318 = arith.minsi %get3A_317, %broadcast_in_dim3A_9 : vector<16xi32>
    %mul3A_319 = arith.constant 4 : i32
    %mul3A_320 = vector.broadcast %mul3A_319 : i32 to vector<16xi32>
    %mul3A_321 = arith.muli %min3A_318, %mul3A_320 : vector<16xi32>
    %add3A_322 = arith.constant 2 : i32
    %add3A_323 = vector.broadcast %add3A_322 : i32 to vector<16xi32>
    %add3A_324 = arith.addi %mul3A_321, %add3A_323 : vector<16xi32>
    %gather3A_325 = tpu.vector_load_idx %arg8[%add3A_324] : memref<20000xf32, #tpu.memory_space<vmem>>[vector<16xi32>], vector<16xf32>,
    %swap3A_326 = arith.constant 32 : index
    %swap3A_327 = tpu.vector_load %arg11[%swap3A_326] {strides = array<i32>} : memref<160xf32, #tpu.memory_space<vmem>>, vector<16xf32>,
    tpu.vector_store %arg11[%swap3A_326], %gather3A_325 {strides = array<i32>} : memref<160xf32, #tpu.memory_space<vmem>>, vector<16xf32>,
    %add3A_328 = arith.constant 48 : i32
    %add3A_329 = arith.addi %mul3A_2, %add3A_328 : i32
    %get3A_330 = arith.index_cast %add3A_329 : i32 to index
    %get3A_331 = tpu.vector_load %arg10[%get3A_330] {strides = array<i32>} : memref<5120xi32, #tpu.memory_space<vmem>>, vector<16xi32>,
    %min3A_332 = arith.minsi %get3A_331, %broadcast_in_dim3A_9 : vector<16xi32>
    %mul3A_333 = arith.constant 4 : i32
    %mul3A_334 = vector.broadcast %mul3A_333 : i32 to vector<16xi32>
    %mul3A_335 = arith.muli %min3A_332, %mul3A_334 : vector<16xi32>
    %add3A_336 = arith.constant 2 : i32
    %add3A_337 = vector.broadcast %add3A_336 : i32 to vector<16xi32>
    %add3A_338 = arith.addi %mul3A_335, %add3A_337 : vector<16xi32>
    %gather3A_339 = tpu.vector_load_idx %arg8[%add3A_338] : memref<20000xf32, #tpu.memory_space<vmem>>[vector<16xi32>], vector<16xf32>,
    %swap3A_340 = arith.constant 48 : index
    %swap3A_341 = tpu.vector_load %arg11[%swap3A_340] {strides = array<i32>} : memref<160xf32, #tpu.memory_space<vmem>>, vector<16xf32>,
    tpu.vector_store %arg11[%swap3A_340], %gather3A_339 {strides = array<i32>} : memref<160xf32, #tpu.memory_space<vmem>>, vector<16xf32>,
    %add3A_342 = arith.constant 64 : i32
    %add3A_343 = arith.addi %mul3A_2, %add3A_342 : i32
    %get3A_344 = arith.index_cast %add3A_343 : i32 to index
    %get3A_345 = tpu.vector_load %arg10[%get3A_344] {strides = array<i32>} : memref<5120xi32, #tpu.memory_space<vmem>>, vector<16xi32>,
    %min3A_346 = arith.minsi %get3A_345, %broadcast_in_dim3A_9 : vector<16xi32>
    %mul3A_347 = arith.constant 4 : i32
    %mul3A_348 = vector.broadcast %mul3A_347 : i32 to vector<16xi32>
    %mul3A_349 = arith.muli %min3A_346, %mul3A_348 : vector<16xi32>
    %add3A_350 = arith.constant 2 : i32
    %add3A_351 = vector.broadcast %add3A_350 : i32 to vector<16xi32>
    %add3A_352 = arith.addi %mul3A_349, %add3A_351 : vector<16xi32>
    %gather3A_353 = tpu.vector_load_idx %arg8[%add3A_352] : memref<20000xf32, #tpu.memory_space<vmem>>[vector<16xi32>], vector<16xf32>,
    %swap3A_354 = arith.constant 64 : index
    %swap3A_355 = tpu.vector_load %arg11[%swap3A_354] {strides = array<i32>} : memref<160xf32, #tpu.memory_space<vmem>>, vector<16xf32>,
    tpu.vector_store %arg11[%swap3A_354], %gather3A_353 {strides = array<i32>} : memref<160xf32, #tpu.memory_space<vmem>>, vector<16xf32>,
    %add3A_356 = arith.constant 80 : i32
    %add3A_357 = arith.addi %mul3A_2, %add3A_356 : i32
    %get3A_358 = arith.index_cast %add3A_357 : i32 to index
    %get3A_359 = tpu.vector_load %arg10[%get3A_358] {strides = array<i32>} : memref<5120xi32, #tpu.memory_space<vmem>>, vector<16xi32>,
    %min3A_360 = arith.minsi %get3A_359, %broadcast_in_dim3A_9 : vector<16xi32>
    %mul3A_361 = arith.constant 4 : i32
    %mul3A_362 = vector.broadcast %mul3A_361 : i32 to vector<16xi32>
    %mul3A_363 = arith.muli %min3A_360, %mul3A_362 : vector<16xi32>
    %add3A_364 = arith.constant 2 : i32
    %add3A_365 = vector.broadcast %add3A_364 : i32 to vector<16xi32>
    %add3A_366 = arith.addi %mul3A_363, %add3A_365 : vector<16xi32>
    %gather3A_367 = tpu.vector_load_idx %arg8[%add3A_366] : memref<20000xf32, #tpu.memory_space<vmem>>[vector<16xi32>], vector<16xf32>,
    %swap3A_368 = arith.constant 80 : index
    %swap3A_369 = tpu.vector_load %arg11[%swap3A_368] {strides = array<i32>} : memref<160xf32, #tpu.memory_space<vmem>>, vector<16xf32>,
    tpu.vector_store %arg11[%swap3A_368], %gather3A_367 {strides = array<i32>} : memref<160xf32, #tpu.memory_space<vmem>>, vector<16xf32>,
    %add3A_370 = arith.constant 96 : i32
    %add3A_371 = arith.addi %mul3A_2, %add3A_370 : i32
    %get3A_372 = arith.index_cast %add3A_371 : i32 to index
    %get3A_373 = tpu.vector_load %arg10[%get3A_372] {strides = array<i32>} : memref<5120xi32, #tpu.memory_space<vmem>>, vector<16xi32>,
    %min3A_374 = arith.minsi %get3A_373, %broadcast_in_dim3A_9 : vector<16xi32>
    %mul3A_375 = arith.constant 4 : i32
    %mul3A_376 = vector.broadcast %mul3A_375 : i32 to vector<16xi32>
    %mul3A_377 = arith.muli %min3A_374, %mul3A_376 : vector<16xi32>
    %add3A_378 = arith.constant 2 : i32
    %add3A_379 = vector.broadcast %add3A_378 : i32 to vector<16xi32>
    %add3A_380 = arith.addi %mul3A_377, %add3A_379 : vector<16xi32>
    %gather3A_381 = tpu.vector_load_idx %arg8[%add3A_380] : memref<20000xf32, #tpu.memory_space<vmem>>[vector<16xi32>], vector<16xf32>,
    %swap3A_382 = arith.constant 96 : index
    %swap3A_383 = tpu.vector_load %arg11[%swap3A_382] {strides = array<i32>} : memref<160xf32, #tpu.memory_space<vmem>>, vector<16xf32>,
    tpu.vector_store %arg11[%swap3A_382], %gather3A_381 {strides = array<i32>} : memref<160xf32, #tpu.memory_space<vmem>>, vector<16xf32>,
    %add3A_384 = arith.constant 112 : i32
    %add3A_385 = arith.addi %mul3A_2, %add3A_384 : i32
    %get3A_386 = arith.index_cast %add3A_385 : i32 to index
    %get3A_387 = tpu.vector_load %arg10[%get3A_386] {strides = array<i32>} : memref<5120xi32, #tpu.memory_space<vmem>>, vector<16xi32>,
    %min3A_388 = arith.minsi %get3A_387, %broadcast_in_dim3A_9 : vector<16xi32>
    %mul3A_389 = arith.constant 4 : i32
    %mul3A_390 = vector.broadcast %mul3A_389 : i32 to vector<16xi32>
    %mul3A_391 = arith.muli %min3A_388, %mul3A_390 : vector<16xi32>
    %add3A_392 = arith.constant 2 : i32
    %add3A_393 = vector.broadcast %add3A_392 : i32 to vector<16xi32>
    %add3A_394 = arith.addi %mul3A_391, %add3A_393 : vector<16xi32>
    %gather3A_395 = tpu.vector_load_idx %arg8[%add3A_394] : memref<20000xf32, #tpu.memory_space<vmem>>[vector<16xi32>], vector<16xf32>,
    %swap3A_396 = arith.constant 112 : index
    %swap3A_397 = tpu.vector_load %arg11[%swap3A_396] {strides = array<i32>} : memref<160xf32, #tpu.memory_space<vmem>>, vector<16xf32>,
    tpu.vector_store %arg11[%swap3A_396], %gather3A_395 {strides = array<i32>} : memref<160xf32, #tpu.memory_space<vmem>>, vector<16xf32>,
    %add3A_398 = arith.constant 128 : i32
    %add3A_399 = arith.addi %mul3A_2, %add3A_398 : i32
    %get3A_400 = arith.index_cast %add3A_399 : i32 to index
    %get3A_401 = tpu.vector_load %arg10[%get3A_400] {strides = array<i32>} : memref<5120xi32, #tpu.memory_space<vmem>>, vector<16xi32>,
    %min3A_402 = arith.minsi %get3A_401, %broadcast_in_dim3A_9 : vector<16xi32>
    %mul3A_403 = arith.constant 4 : i32
    %mul3A_404 = vector.broadcast %mul3A_403 : i32 to vector<16xi32>
    %mul3A_405 = arith.muli %min3A_402, %mul3A_404 : vector<16xi32>
    %add3A_406 = arith.constant 2 : i32
    %add3A_407 = vector.broadcast %add3A_406 : i32 to vector<16xi32>
    %add3A_408 = arith.addi %mul3A_405, %add3A_407 : vector<16xi32>
    %gather3A_409 = tpu.vector_load_idx %arg8[%add3A_408] : memref<20000xf32, #tpu.memory_space<vmem>>[vector<16xi32>], vector<16xf32>,
    %swap3A_410 = arith.constant 128 : index
    %swap3A_411 = tpu.vector_load %arg11[%swap3A_410] {strides = array<i32>} : memref<160xf32, #tpu.memory_space<vmem>>, vector<16xf32>,
    tpu.vector_store %arg11[%swap3A_410], %gather3A_409 {strides = array<i32>} : memref<160xf32, #tpu.memory_space<vmem>>, vector<16xf32>,
    %add3A_412 = arith.constant 144 : i32
    %add3A_413 = arith.addi %mul3A_2, %add3A_412 : i32
    %get3A_414 = arith.index_cast %add3A_413 : i32 to index
    %get3A_415 = tpu.vector_load %arg10[%get3A_414] {strides = array<i32>} : memref<5120xi32, #tpu.memory_space<vmem>>, vector<16xi32>,
    %min3A_416 = arith.minsi %get3A_415, %broadcast_in_dim3A_9 : vector<16xi32>
    %mul3A_417 = arith.constant 4 : i32
    %mul3A_418 = vector.broadcast %mul3A_417 : i32 to vector<16xi32>
    %mul3A_419 = arith.muli %min3A_416, %mul3A_418 : vector<16xi32>
    %add3A_420 = arith.constant 2 : i32
    %add3A_421 = vector.broadcast %add3A_420 : i32 to vector<16xi32>
    %add3A_422 = arith.addi %mul3A_419, %add3A_421 : vector<16xi32>
    %gather3A_423 = tpu.vector_load_idx %arg8[%add3A_422] : memref<20000xf32, #tpu.memory_space<vmem>>[vector<16xi32>], vector<16xf32>,
    %swap3A_424 = arith.constant 144 : index
    %swap3A_425 = tpu.vector_load %arg11[%swap3A_424] {strides = array<i32>} : memref<160xf32, #tpu.memory_space<vmem>>, vector<16xf32>,
    tpu.vector_store %arg11[%swap3A_424], %gather3A_423 {strides = array<i32>} : memref<160xf32, #tpu.memory_space<vmem>>, vector<16xf32>,
    "tpu.region"() ({
      %run_scoped3A = tpu.sem_alloc : memref<!tpu.dma_semaphore, #tpu.memory_space<semaphore_mem>>
      %dma_start3A = tpu.memref_slice %arg6[%mul3A_2] : memref<5120xf32, #tpu.memory_space<hbm>> -> memref<160xf32, #tpu.memory_space<hbm>>
      %dma_start3A_566 = tpu.memref_slice %arg6[%mul3A_2] : memref<5120xf32, #tpu.memory_space<hbm>> -> memref<160xf32, #tpu.memory_space<hbm>>
      tpu.enqueue_dma source(%arg11 : memref<160xf32, #tpu.memory_space<vmem>>) target(%dma_start3A_566 : memref<160xf32, #tpu.memory_space<hbm>>) target_semaphore(%run_scoped3A : memref<!tpu.dma_semaphore, #tpu.memory_space<semaphore_mem>>)
      %dma_wait3A = tpu.memref_slice %arg6[%mul3A_2] : memref<5120xf32, #tpu.memory_space<hbm>> -> memref<160xf32, #tpu.memory_space<hbm>>
      %dma_wait3A_567 = tpu.memref_slice %arg6[%mul3A_2] : memref<5120xf32, #tpu.memory_space<hbm>> -> memref<160xf32, #tpu.memory_space<hbm>>
      tpu.wait_dma2 semaphore(%run_scoped3A : memref<!tpu.dma_semaphore, #tpu.memory_space<semaphore_mem>>) src(%arg11 : memref<160xf32, #tpu.memory_space<vmem>>) dst(%dma_wait3A_567 : memref<160xf32, #tpu.memory_space<hbm>>)
      tpu.yield
    }) : () -> ()
    %add3A_426 = arith.constant 0 : i32
    %add3A_427 = arith.addi %mul3A_2, %add3A_426 : i32
    %get3A_428 = arith.index_cast %add3A_427 : i32 to index
    %get3A_429 = tpu.vector_load %arg10[%get3A_428] {strides = array<i32>} : memref<5120xi32, #tpu.memory_space<vmem>>, vector<16xi32>,
    %min3A_430 = arith.minsi %get3A_429, %broadcast_in_dim3A_9 : vector<16xi32>
    %mul3A_431 = arith.constant 4 : i32
    %mul3A_432 = vector.broadcast %mul3A_431 : i32 to vector<16xi32>
    %mul3A_433 = arith.muli %min3A_430, %mul3A_432 : vector<16xi32>
    %add3A_434 = arith.constant 3 : i32
    %add3A_435 = vector.broadcast %add3A_434 : i32 to vector<16xi32>
    %add3A_436 = arith.addi %mul3A_433, %add3A_435 : vector<16xi32>
    %gather3A_437 = tpu.vector_load_idx %arg8[%add3A_436] : memref<20000xf32, #tpu.memory_space<vmem>>[vector<16xi32>], vector<16xf32>,
    %swap3A_438 = arith.constant 0 : index
    %swap3A_439 = tpu.vector_load %arg11[%swap3A_438] {strides = array<i32>} : memref<160xf32, #tpu.memory_space<vmem>>, vector<16xf32>,
    tpu.vector_store %arg11[%swap3A_438], %gather3A_437 {strides = array<i32>} : memref<160xf32, #tpu.memory_space<vmem>>, vector<16xf32>,
    %add3A_440 = arith.constant 16 : i32
    %add3A_441 = arith.addi %mul3A_2, %add3A_440 : i32
    %get3A_442 = arith.index_cast %add3A_441 : i32 to index
    %get3A_443 = tpu.vector_load %arg10[%get3A_442] {strides = array<i32>} : memref<5120xi32, #tpu.memory_space<vmem>>, vector<16xi32>,
    %min3A_444 = arith.minsi %get3A_443, %broadcast_in_dim3A_9 : vector<16xi32>
    %mul3A_445 = arith.constant 4 : i32
    %mul3A_446 = vector.broadcast %mul3A_445 : i32 to vector<16xi32>
    %mul3A_447 = arith.muli %min3A_444, %mul3A_446 : vector<16xi32>
    %add3A_448 = arith.constant 3 : i32
    %add3A_449 = vector.broadcast %add3A_448 : i32 to vector<16xi32>
    %add3A_450 = arith.addi %mul3A_447, %add3A_449 : vector<16xi32>
    %gather3A_451 = tpu.vector_load_idx %arg8[%add3A_450] : memref<20000xf32, #tpu.memory_space<vmem>>[vector<16xi32>], vector<16xf32>,
    %swap3A_452 = arith.constant 16 : index
    %swap3A_453 = tpu.vector_load %arg11[%swap3A_452] {strides = array<i32>} : memref<160xf32, #tpu.memory_space<vmem>>, vector<16xf32>,
    tpu.vector_store %arg11[%swap3A_452], %gather3A_451 {strides = array<i32>} : memref<160xf32, #tpu.memory_space<vmem>>, vector<16xf32>,
    %add3A_454 = arith.constant 32 : i32
    %add3A_455 = arith.addi %mul3A_2, %add3A_454 : i32
    %get3A_456 = arith.index_cast %add3A_455 : i32 to index
    %get3A_457 = tpu.vector_load %arg10[%get3A_456] {strides = array<i32>} : memref<5120xi32, #tpu.memory_space<vmem>>, vector<16xi32>,
    %min3A_458 = arith.minsi %get3A_457, %broadcast_in_dim3A_9 : vector<16xi32>
    %mul3A_459 = arith.constant 4 : i32
    %mul3A_460 = vector.broadcast %mul3A_459 : i32 to vector<16xi32>
    %mul3A_461 = arith.muli %min3A_458, %mul3A_460 : vector<16xi32>
    %add3A_462 = arith.constant 3 : i32
    %add3A_463 = vector.broadcast %add3A_462 : i32 to vector<16xi32>
    %add3A_464 = arith.addi %mul3A_461, %add3A_463 : vector<16xi32>
    %gather3A_465 = tpu.vector_load_idx %arg8[%add3A_464] : memref<20000xf32, #tpu.memory_space<vmem>>[vector<16xi32>], vector<16xf32>,
    %swap3A_466 = arith.constant 32 : index
    %swap3A_467 = tpu.vector_load %arg11[%swap3A_466] {strides = array<i32>} : memref<160xf32, #tpu.memory_space<vmem>>, vector<16xf32>,
    tpu.vector_store %arg11[%swap3A_466], %gather3A_465 {strides = array<i32>} : memref<160xf32, #tpu.memory_space<vmem>>, vector<16xf32>,
    %add3A_468 = arith.constant 48 : i32
    %add3A_469 = arith.addi %mul3A_2, %add3A_468 : i32
    %get3A_470 = arith.index_cast %add3A_469 : i32 to index
    %get3A_471 = tpu.vector_load %arg10[%get3A_470] {strides = array<i32>} : memref<5120xi32, #tpu.memory_space<vmem>>, vector<16xi32>,
    %min3A_472 = arith.minsi %get3A_471, %broadcast_in_dim3A_9 : vector<16xi32>
    %mul3A_473 = arith.constant 4 : i32
    %mul3A_474 = vector.broadcast %mul3A_473 : i32 to vector<16xi32>
    %mul3A_475 = arith.muli %min3A_472, %mul3A_474 : vector<16xi32>
    %add3A_476 = arith.constant 3 : i32
    %add3A_477 = vector.broadcast %add3A_476 : i32 to vector<16xi32>
    %add3A_478 = arith.addi %mul3A_475, %add3A_477 : vector<16xi32>
    %gather3A_479 = tpu.vector_load_idx %arg8[%add3A_478] : memref<20000xf32, #tpu.memory_space<vmem>>[vector<16xi32>], vector<16xf32>,
    %swap3A_480 = arith.constant 48 : index
    %swap3A_481 = tpu.vector_load %arg11[%swap3A_480] {strides = array<i32>} : memref<160xf32, #tpu.memory_space<vmem>>, vector<16xf32>,
    tpu.vector_store %arg11[%swap3A_480], %gather3A_479 {strides = array<i32>} : memref<160xf32, #tpu.memory_space<vmem>>, vector<16xf32>,
    %add3A_482 = arith.constant 64 : i32
    %add3A_483 = arith.addi %mul3A_2, %add3A_482 : i32
    %get3A_484 = arith.index_cast %add3A_483 : i32 to index
    %get3A_485 = tpu.vector_load %arg10[%get3A_484] {strides = array<i32>} : memref<5120xi32, #tpu.memory_space<vmem>>, vector<16xi32>,
    %min3A_486 = arith.minsi %get3A_485, %broadcast_in_dim3A_9 : vector<16xi32>
    %mul3A_487 = arith.constant 4 : i32
    %mul3A_488 = vector.broadcast %mul3A_487 : i32 to vector<16xi32>
    %mul3A_489 = arith.muli %min3A_486, %mul3A_488 : vector<16xi32>
    %add3A_490 = arith.constant 3 : i32
    %add3A_491 = vector.broadcast %add3A_490 : i32 to vector<16xi32>
    %add3A_492 = arith.addi %mul3A_489, %add3A_491 : vector<16xi32>
    %gather3A_493 = tpu.vector_load_idx %arg8[%add3A_492] : memref<20000xf32, #tpu.memory_space<vmem>>[vector<16xi32>], vector<16xf32>,
    %swap3A_494 = arith.constant 64 : index
    %swap3A_495 = tpu.vector_load %arg11[%swap3A_494] {strides = array<i32>} : memref<160xf32, #tpu.memory_space<vmem>>, vector<16xf32>,
    tpu.vector_store %arg11[%swap3A_494], %gather3A_493 {strides = array<i32>} : memref<160xf32, #tpu.memory_space<vmem>>, vector<16xf32>,
    %add3A_496 = arith.constant 80 : i32
    %add3A_497 = arith.addi %mul3A_2, %add3A_496 : i32
    %get3A_498 = arith.index_cast %add3A_497 : i32 to index
    %get3A_499 = tpu.vector_load %arg10[%get3A_498] {strides = array<i32>} : memref<5120xi32, #tpu.memory_space<vmem>>, vector<16xi32>,
    %min3A_500 = arith.minsi %get3A_499, %broadcast_in_dim3A_9 : vector<16xi32>
    %mul3A_501 = arith.constant 4 : i32
    %mul3A_502 = vector.broadcast %mul3A_501 : i32 to vector<16xi32>
    %mul3A_503 = arith.muli %min3A_500, %mul3A_502 : vector<16xi32>
    %add3A_504 = arith.constant 3 : i32
    %add3A_505 = vector.broadcast %add3A_504 : i32 to vector<16xi32>
    %add3A_506 = arith.addi %mul3A_503, %add3A_505 : vector<16xi32>
    %gather3A_507 = tpu.vector_load_idx %arg8[%add3A_506] : memref<20000xf32, #tpu.memory_space<vmem>>[vector<16xi32>], vector<16xf32>,
    %swap3A_508 = arith.constant 80 : index
    %swap3A_509 = tpu.vector_load %arg11[%swap3A_508] {strides = array<i32>} : memref<160xf32, #tpu.memory_space<vmem>>, vector<16xf32>,
    tpu.vector_store %arg11[%swap3A_508], %gather3A_507 {strides = array<i32>} : memref<160xf32, #tpu.memory_space<vmem>>, vector<16xf32>,
    %add3A_510 = arith.constant 96 : i32
    %add3A_511 = arith.addi %mul3A_2, %add3A_510 : i32
    %get3A_512 = arith.index_cast %add3A_511 : i32 to index
    %get3A_513 = tpu.vector_load %arg10[%get3A_512] {strides = array<i32>} : memref<5120xi32, #tpu.memory_space<vmem>>, vector<16xi32>,
    %min3A_514 = arith.minsi %get3A_513, %broadcast_in_dim3A_9 : vector<16xi32>
    %mul3A_515 = arith.constant 4 : i32
    %mul3A_516 = vector.broadcast %mul3A_515 : i32 to vector<16xi32>
    %mul3A_517 = arith.muli %min3A_514, %mul3A_516 : vector<16xi32>
    %add3A_518 = arith.constant 3 : i32
    %add3A_519 = vector.broadcast %add3A_518 : i32 to vector<16xi32>
    %add3A_520 = arith.addi %mul3A_517, %add3A_519 : vector<16xi32>
    %gather3A_521 = tpu.vector_load_idx %arg8[%add3A_520] : memref<20000xf32, #tpu.memory_space<vmem>>[vector<16xi32>], vector<16xf32>,
    %swap3A_522 = arith.constant 96 : index
    %swap3A_523 = tpu.vector_load %arg11[%swap3A_522] {strides = array<i32>} : memref<160xf32, #tpu.memory_space<vmem>>, vector<16xf32>,
    tpu.vector_store %arg11[%swap3A_522], %gather3A_521 {strides = array<i32>} : memref<160xf32, #tpu.memory_space<vmem>>, vector<16xf32>,
    %add3A_524 = arith.constant 112 : i32
    %add3A_525 = arith.addi %mul3A_2, %add3A_524 : i32
    %get3A_526 = arith.index_cast %add3A_525 : i32 to index
    %get3A_527 = tpu.vector_load %arg10[%get3A_526] {strides = array<i32>} : memref<5120xi32, #tpu.memory_space<vmem>>, vector<16xi32>,
    %min3A_528 = arith.minsi %get3A_527, %broadcast_in_dim3A_9 : vector<16xi32>
    %mul3A_529 = arith.constant 4 : i32
    %mul3A_530 = vector.broadcast %mul3A_529 : i32 to vector<16xi32>
    %mul3A_531 = arith.muli %min3A_528, %mul3A_530 : vector<16xi32>
    %add3A_532 = arith.constant 3 : i32
    %add3A_533 = vector.broadcast %add3A_532 : i32 to vector<16xi32>
    %add3A_534 = arith.addi %mul3A_531, %add3A_533 : vector<16xi32>
    %gather3A_535 = tpu.vector_load_idx %arg8[%add3A_534] : memref<20000xf32, #tpu.memory_space<vmem>>[vector<16xi32>], vector<16xf32>,
    %swap3A_536 = arith.constant 112 : index
    %swap3A_537 = tpu.vector_load %arg11[%swap3A_536] {strides = array<i32>} : memref<160xf32, #tpu.memory_space<vmem>>, vector<16xf32>,
    tpu.vector_store %arg11[%swap3A_536], %gather3A_535 {strides = array<i32>} : memref<160xf32, #tpu.memory_space<vmem>>, vector<16xf32>,
    %add3A_538 = arith.constant 128 : i32
    %add3A_539 = arith.addi %mul3A_2, %add3A_538 : i32
    %get3A_540 = arith.index_cast %add3A_539 : i32 to index
    %get3A_541 = tpu.vector_load %arg10[%get3A_540] {strides = array<i32>} : memref<5120xi32, #tpu.memory_space<vmem>>, vector<16xi32>,
    %min3A_542 = arith.minsi %get3A_541, %broadcast_in_dim3A_9 : vector<16xi32>
    %mul3A_543 = arith.constant 4 : i32
    %mul3A_544 = vector.broadcast %mul3A_543 : i32 to vector<16xi32>
    %mul3A_545 = arith.muli %min3A_542, %mul3A_544 : vector<16xi32>
    %add3A_546 = arith.constant 3 : i32
    %add3A_547 = vector.broadcast %add3A_546 : i32 to vector<16xi32>
    %add3A_548 = arith.addi %mul3A_545, %add3A_547 : vector<16xi32>
    %gather3A_549 = tpu.vector_load_idx %arg8[%add3A_548] : memref<20000xf32, #tpu.memory_space<vmem>>[vector<16xi32>], vector<16xf32>,
    %swap3A_550 = arith.constant 128 : index
    %swap3A_551 = tpu.vector_load %arg11[%swap3A_550] {strides = array<i32>} : memref<160xf32, #tpu.memory_space<vmem>>, vector<16xf32>,
    tpu.vector_store %arg11[%swap3A_550], %gather3A_549 {strides = array<i32>} : memref<160xf32, #tpu.memory_space<vmem>>, vector<16xf32>,
    %add3A_552 = arith.constant 144 : i32
    %add3A_553 = arith.addi %mul3A_2, %add3A_552 : i32
    %get3A_554 = arith.index_cast %add3A_553 : i32 to index
    %get3A_555 = tpu.vector_load %arg10[%get3A_554] {strides = array<i32>} : memref<5120xi32, #tpu.memory_space<vmem>>, vector<16xi32>,
    %min3A_556 = arith.minsi %get3A_555, %broadcast_in_dim3A_9 : vector<16xi32>
    %mul3A_557 = arith.constant 4 : i32
    %mul3A_558 = vector.broadcast %mul3A_557 : i32 to vector<16xi32>
    %mul3A_559 = arith.muli %min3A_556, %mul3A_558 : vector<16xi32>
    %add3A_560 = arith.constant 3 : i32
    %add3A_561 = vector.broadcast %add3A_560 : i32 to vector<16xi32>
    %add3A_562 = arith.addi %mul3A_559, %add3A_561 : vector<16xi32>
    %gather3A_563 = tpu.vector_load_idx %arg8[%add3A_562] : memref<20000xf32, #tpu.memory_space<vmem>>[vector<16xi32>], vector<16xf32>,
    %swap3A_564 = arith.constant 144 : index
    %swap3A_565 = tpu.vector_load %arg11[%swap3A_564] {strides = array<i32>} : memref<160xf32, #tpu.memory_space<vmem>>, vector<16xf32>,
    tpu.vector_store %arg11[%swap3A_564], %gather3A_563 {strides = array<i32>} : memref<160xf32, #tpu.memory_space<vmem>>, vector<16xf32>,
    "tpu.region"() ({
      %run_scoped3A = tpu.sem_alloc : memref<!tpu.dma_semaphore, #tpu.memory_space<semaphore_mem>>
      %dma_start3A = tpu.memref_slice %arg7[%mul3A_2] : memref<5120xf32, #tpu.memory_space<hbm>> -> memref<160xf32, #tpu.memory_space<hbm>>
      %dma_start3A_566 = tpu.memref_slice %arg7[%mul3A_2] : memref<5120xf32, #tpu.memory_space<hbm>> -> memref<160xf32, #tpu.memory_space<hbm>>
      tpu.enqueue_dma source(%arg11 : memref<160xf32, #tpu.memory_space<vmem>>) target(%dma_start3A_566 : memref<160xf32, #tpu.memory_space<hbm>>) target_semaphore(%run_scoped3A : memref<!tpu.dma_semaphore, #tpu.memory_space<semaphore_mem>>)
      %dma_wait3A = tpu.memref_slice %arg7[%mul3A_2] : memref<5120xf32, #tpu.memory_space<hbm>> -> memref<160xf32, #tpu.memory_space<hbm>>
      %dma_wait3A_567 = tpu.memref_slice %arg7[%mul3A_2] : memref<5120xf32, #tpu.memory_space<hbm>> -> memref<160xf32, #tpu.memory_space<hbm>>
      tpu.wait_dma2 semaphore(%run_scoped3A : memref<!tpu.dma_semaphore, #tpu.memory_space<semaphore_mem>>) src(%arg11 : memref<160xf32, #tpu.memory_space<vmem>>) dst(%dma_wait3A_567 : memref<160xf32, #tpu.memory_space<hbm>>)
      tpu.yield
    }) : () -> ()
    return
  }
}

#map = affine_map<(d0, d1) -> (0)>
module attributes {stable_mosaic.version = 14 : i64} {
  func.func @sc_unsort_gather(%arg0: i32, %arg1: i32, %arg2: memref<5120xf32, #tpu.memory_space<hbm>>, %arg3: memref<5120xi32, #tpu.memory_space<hbm>>, %arg4: memref<5120xf32, #tpu.memory_space<hbm>>, %arg5: memref<5120xf32, #tpu.memory_space<hbm>>, %arg6: memref<5120xf32, #tpu.memory_space<vmem>>, %arg7: memref<160xi32, #tpu.memory_space<vmem>>, %arg8: memref<160xf32, #tpu.memory_space<vmem>>, %arg9: memref<160xf32, #tpu.memory_space<vmem>>) attributes {dimension_semantics = [#tpu.dimension_semantics<core_parallel>, #tpu.dimension_semantics<subcore_parallel>], iteration_bounds = array<i64: 2, 16>, scalar_prefetch = 0 : i64, scratch_operands = 4 : i64, tpu.core_type = #tpu.core_type<sc_vector_subcore>, window_params = [{transform_indices = #map}, {transform_indices = #map}, {transform_indices = #map}, {transform_indices = #map}]} {
    %mul3A = arith.constant 2 : i32
    %mul3A_0 = arith.muli %arg1, %mul3A : i32
    %add3A = arith.addi %mul3A_0, %arg0 : i32
    %mul3A_1 = arith.constant 160 : i32
    %mul3A_2 = arith.muli %add3A, %mul3A_1 : i32
    "tpu.region"() ({
      %run_scoped3A = tpu.sem_alloc : memref<!tpu.dma_semaphore, #tpu.memory_space<semaphore_mem>>
      tpu.enqueue_dma source(%arg2 : memref<5120xf32, #tpu.memory_space<hbm>>) target(%arg6 : memref<5120xf32, #tpu.memory_space<vmem>>) target_semaphore(%run_scoped3A : memref<!tpu.dma_semaphore, #tpu.memory_space<semaphore_mem>>)
      tpu.wait_dma2 semaphore(%run_scoped3A : memref<!tpu.dma_semaphore, #tpu.memory_space<semaphore_mem>>) src(%arg2 : memref<5120xf32, #tpu.memory_space<hbm>>) dst(%arg6 : memref<5120xf32, #tpu.memory_space<vmem>>)
      tpu.yield
    }) : () -> ()
    "tpu.region"() ({
      %run_scoped3A = tpu.sem_alloc : memref<!tpu.dma_semaphore, #tpu.memory_space<semaphore_mem>>
      %dma_start3A = tpu.memref_slice %arg3[%mul3A_2] : memref<5120xi32, #tpu.memory_space<hbm>> -> memref<160xi32, #tpu.memory_space<hbm>>
      %dma_start3A_80 = tpu.memref_slice %arg3[%mul3A_2] : memref<5120xi32, #tpu.memory_space<hbm>> -> memref<160xi32, #tpu.memory_space<hbm>>
      tpu.enqueue_dma source(%dma_start3A_80 : memref<160xi32, #tpu.memory_space<hbm>>) target(%arg7 : memref<160xi32, #tpu.memory_space<vmem>>) target_semaphore(%run_scoped3A : memref<!tpu.dma_semaphore, #tpu.memory_space<semaphore_mem>>)
      %dma_wait3A = tpu.memref_slice %arg3[%mul3A_2] : memref<5120xi32, #tpu.memory_space<hbm>> -> memref<160xi32, #tpu.memory_space<hbm>>
      %dma_wait3A_81 = tpu.memref_slice %arg3[%mul3A_2] : memref<5120xi32, #tpu.memory_space<hbm>> -> memref<160xi32, #tpu.memory_space<hbm>>
      tpu.wait_dma2 semaphore(%run_scoped3A : memref<!tpu.dma_semaphore, #tpu.memory_space<semaphore_mem>>) src(%dma_wait3A_81 : memref<160xi32, #tpu.memory_space<hbm>>) dst(%arg7 : memref<160xi32, #tpu.memory_space<vmem>>)
      tpu.yield
    }) : () -> ()
    "tpu.region"() ({
      %run_scoped3A = tpu.sem_alloc : memref<!tpu.dma_semaphore, #tpu.memory_space<semaphore_mem>>
      %dma_start3A = tpu.memref_slice %arg4[%mul3A_2] : memref<5120xf32, #tpu.memory_space<hbm>> -> memref<160xf32, #tpu.memory_space<hbm>>
      %dma_start3A_80 = tpu.memref_slice %arg4[%mul3A_2] : memref<5120xf32, #tpu.memory_space<hbm>> -> memref<160xf32, #tpu.memory_space<hbm>>
      tpu.enqueue_dma source(%dma_start3A_80 : memref<160xf32, #tpu.memory_space<hbm>>) target(%arg8 : memref<160xf32, #tpu.memory_space<vmem>>) target_semaphore(%run_scoped3A : memref<!tpu.dma_semaphore, #tpu.memory_space<semaphore_mem>>)
      %dma_wait3A = tpu.memref_slice %arg4[%mul3A_2] : memref<5120xf32, #tpu.memory_space<hbm>> -> memref<160xf32, #tpu.memory_space<hbm>>
      %dma_wait3A_81 = tpu.memref_slice %arg4[%mul3A_2] : memref<5120xf32, #tpu.memory_space<hbm>> -> memref<160xf32, #tpu.memory_space<hbm>>
      tpu.wait_dma2 semaphore(%run_scoped3A : memref<!tpu.dma_semaphore, #tpu.memory_space<semaphore_mem>>) src(%dma_wait3A_81 : memref<160xf32, #tpu.memory_space<hbm>>) dst(%arg8 : memref<160xf32, #tpu.memory_space<vmem>>)
      tpu.yield
    }) : () -> ()
    %get3A = arith.constant 0 : index
    %get3A_3 = tpu.vector_load %arg7[%get3A] {strides = array<i32>} : memref<160xi32, #tpu.memory_space<vmem>>, vector<16xi32>,
    %gather3A = tpu.vector_load_idx %arg6[%get3A_3] : memref<5120xf32, #tpu.memory_space<vmem>>[vector<16xi32>], vector<16xf32>,
    %get3A_4 = arith.constant 0 : index
    %get3A_5 = tpu.vector_load %arg8[%get3A_4] {strides = array<i32>} : memref<160xf32, #tpu.memory_space<vmem>>, vector<16xf32>,
    %mul3A_6 = arith.mulf %gather3A, %get3A_5 : vector<16xf32>
    %swap3A = arith.constant 0 : index
    %swap3A_7 = tpu.vector_load %arg9[%swap3A] {strides = array<i32>} : memref<160xf32, #tpu.memory_space<vmem>>, vector<16xf32>,
    tpu.vector_store %arg9[%swap3A], %mul3A_6 {strides = array<i32>} : memref<160xf32, #tpu.memory_space<vmem>>, vector<16xf32>,
    %get3A_8 = arith.constant 16 : index
    %get3A_9 = tpu.vector_load %arg7[%get3A_8] {strides = array<i32>} : memref<160xi32, #tpu.memory_space<vmem>>, vector<16xi32>,
    %gather3A_10 = tpu.vector_load_idx %arg6[%get3A_9] : memref<5120xf32, #tpu.memory_space<vmem>>[vector<16xi32>], vector<16xf32>,
    %get3A_11 = arith.constant 16 : index
    %get3A_12 = tpu.vector_load %arg8[%get3A_11] {strides = array<i32>} : memref<160xf32, #tpu.memory_space<vmem>>, vector<16xf32>,
    %mul3A_13 = arith.mulf %gather3A_10, %get3A_12 : vector<16xf32>
    %swap3A_14 = arith.constant 16 : index
    %swap3A_15 = tpu.vector_load %arg9[%swap3A_14] {strides = array<i32>} : memref<160xf32, #tpu.memory_space<vmem>>, vector<16xf32>,
    tpu.vector_store %arg9[%swap3A_14], %mul3A_13 {strides = array<i32>} : memref<160xf32, #tpu.memory_space<vmem>>, vector<16xf32>,
    %get3A_16 = arith.constant 32 : index
    %get3A_17 = tpu.vector_load %arg7[%get3A_16] {strides = array<i32>} : memref<160xi32, #tpu.memory_space<vmem>>, vector<16xi32>,
    %gather3A_18 = tpu.vector_load_idx %arg6[%get3A_17] : memref<5120xf32, #tpu.memory_space<vmem>>[vector<16xi32>], vector<16xf32>,
    %get3A_19 = arith.constant 32 : index
    %get3A_20 = tpu.vector_load %arg8[%get3A_19] {strides = array<i32>} : memref<160xf32, #tpu.memory_space<vmem>>, vector<16xf32>,
    %mul3A_21 = arith.mulf %gather3A_18, %get3A_20 : vector<16xf32>
    %swap3A_22 = arith.constant 32 : index
    %swap3A_23 = tpu.vector_load %arg9[%swap3A_22] {strides = array<i32>} : memref<160xf32, #tpu.memory_space<vmem>>, vector<16xf32>,
    tpu.vector_store %arg9[%swap3A_22], %mul3A_21 {strides = array<i32>} : memref<160xf32, #tpu.memory_space<vmem>>, vector<16xf32>,
    %get3A_24 = arith.constant 48 : index
    %get3A_25 = tpu.vector_load %arg7[%get3A_24] {strides = array<i32>} : memref<160xi32, #tpu.memory_space<vmem>>, vector<16xi32>,
    %gather3A_26 = tpu.vector_load_idx %arg6[%get3A_25] : memref<5120xf32, #tpu.memory_space<vmem>>[vector<16xi32>], vector<16xf32>,
    %get3A_27 = arith.constant 48 : index
    %get3A_28 = tpu.vector_load %arg8[%get3A_27] {strides = array<i32>} : memref<160xf32, #tpu.memory_space<vmem>>, vector<16xf32>,
    %mul3A_29 = arith.mulf %gather3A_26, %get3A_28 : vector<16xf32>
    %swap3A_30 = arith.constant 48 : index
    %swap3A_31 = tpu.vector_load %arg9[%swap3A_30] {strides = array<i32>} : memref<160xf32, #tpu.memory_space<vmem>>, vector<16xf32>,
    tpu.vector_store %arg9[%swap3A_30], %mul3A_29 {strides = array<i32>} : memref<160xf32, #tpu.memory_space<vmem>>, vector<16xf32>,
    %get3A_32 = arith.constant 64 : index
    %get3A_33 = tpu.vector_load %arg7[%get3A_32] {strides = array<i32>} : memref<160xi32, #tpu.memory_space<vmem>>, vector<16xi32>,
    %gather3A_34 = tpu.vector_load_idx %arg6[%get3A_33] : memref<5120xf32, #tpu.memory_space<vmem>>[vector<16xi32>], vector<16xf32>,
    %get3A_35 = arith.constant 64 : index
    %get3A_36 = tpu.vector_load %arg8[%get3A_35] {strides = array<i32>} : memref<160xf32, #tpu.memory_space<vmem>>, vector<16xf32>,
    %mul3A_37 = arith.mulf %gather3A_34, %get3A_36 : vector<16xf32>
    %swap3A_38 = arith.constant 64 : index
    %swap3A_39 = tpu.vector_load %arg9[%swap3A_38] {strides = array<i32>} : memref<160xf32, #tpu.memory_space<vmem>>, vector<16xf32>,
    tpu.vector_store %arg9[%swap3A_38], %mul3A_37 {strides = array<i32>} : memref<160xf32, #tpu.memory_space<vmem>>, vector<16xf32>,
    %get3A_40 = arith.constant 80 : index
    %get3A_41 = tpu.vector_load %arg7[%get3A_40] {strides = array<i32>} : memref<160xi32, #tpu.memory_space<vmem>>, vector<16xi32>,
    %gather3A_42 = tpu.vector_load_idx %arg6[%get3A_41] : memref<5120xf32, #tpu.memory_space<vmem>>[vector<16xi32>], vector<16xf32>,
    %get3A_43 = arith.constant 80 : index
    %get3A_44 = tpu.vector_load %arg8[%get3A_43] {strides = array<i32>} : memref<160xf32, #tpu.memory_space<vmem>>, vector<16xf32>,
    %mul3A_45 = arith.mulf %gather3A_42, %get3A_44 : vector<16xf32>
    %swap3A_46 = arith.constant 80 : index
    %swap3A_47 = tpu.vector_load %arg9[%swap3A_46] {strides = array<i32>} : memref<160xf32, #tpu.memory_space<vmem>>, vector<16xf32>,
    tpu.vector_store %arg9[%swap3A_46], %mul3A_45 {strides = array<i32>} : memref<160xf32, #tpu.memory_space<vmem>>, vector<16xf32>,
    %get3A_48 = arith.constant 96 : index
    %get3A_49 = tpu.vector_load %arg7[%get3A_48] {strides = array<i32>} : memref<160xi32, #tpu.memory_space<vmem>>, vector<16xi32>,
    %gather3A_50 = tpu.vector_load_idx %arg6[%get3A_49] : memref<5120xf32, #tpu.memory_space<vmem>>[vector<16xi32>], vector<16xf32>,
    %get3A_51 = arith.constant 96 : index
    %get3A_52 = tpu.vector_load %arg8[%get3A_51] {strides = array<i32>} : memref<160xf32, #tpu.memory_space<vmem>>, vector<16xf32>,
    %mul3A_53 = arith.mulf %gather3A_50, %get3A_52 : vector<16xf32>
    %swap3A_54 = arith.constant 96 : index
    %swap3A_55 = tpu.vector_load %arg9[%swap3A_54] {strides = array<i32>} : memref<160xf32, #tpu.memory_space<vmem>>, vector<16xf32>,
    tpu.vector_store %arg9[%swap3A_54], %mul3A_53 {strides = array<i32>} : memref<160xf32, #tpu.memory_space<vmem>>, vector<16xf32>,
    %get3A_56 = arith.constant 112 : index
    %get3A_57 = tpu.vector_load %arg7[%get3A_56] {strides = array<i32>} : memref<160xi32, #tpu.memory_space<vmem>>, vector<16xi32>,
    %gather3A_58 = tpu.vector_load_idx %arg6[%get3A_57] : memref<5120xf32, #tpu.memory_space<vmem>>[vector<16xi32>], vector<16xf32>,
    %get3A_59 = arith.constant 112 : index
    %get3A_60 = tpu.vector_load %arg8[%get3A_59] {strides = array<i32>} : memref<160xf32, #tpu.memory_space<vmem>>, vector<16xf32>,
    %mul3A_61 = arith.mulf %gather3A_58, %get3A_60 : vector<16xf32>
    %swap3A_62 = arith.constant 112 : index
    %swap3A_63 = tpu.vector_load %arg9[%swap3A_62] {strides = array<i32>} : memref<160xf32, #tpu.memory_space<vmem>>, vector<16xf32>,
    tpu.vector_store %arg9[%swap3A_62], %mul3A_61 {strides = array<i32>} : memref<160xf32, #tpu.memory_space<vmem>>, vector<16xf32>,
    %get3A_64 = arith.constant 128 : index
    %get3A_65 = tpu.vector_load %arg7[%get3A_64] {strides = array<i32>} : memref<160xi32, #tpu.memory_space<vmem>>, vector<16xi32>,
    %gather3A_66 = tpu.vector_load_idx %arg6[%get3A_65] : memref<5120xf32, #tpu.memory_space<vmem>>[vector<16xi32>], vector<16xf32>,
    %get3A_67 = arith.constant 128 : index
    %get3A_68 = tpu.vector_load %arg8[%get3A_67] {strides = array<i32>} : memref<160xf32, #tpu.memory_space<vmem>>, vector<16xf32>,
    %mul3A_69 = arith.mulf %gather3A_66, %get3A_68 : vector<16xf32>
    %swap3A_70 = arith.constant 128 : index
    %swap3A_71 = tpu.vector_load %arg9[%swap3A_70] {strides = array<i32>} : memref<160xf32, #tpu.memory_space<vmem>>, vector<16xf32>,
    tpu.vector_store %arg9[%swap3A_70], %mul3A_69 {strides = array<i32>} : memref<160xf32, #tpu.memory_space<vmem>>, vector<16xf32>,
    %get3A_72 = arith.constant 144 : index
    %get3A_73 = tpu.vector_load %arg7[%get3A_72] {strides = array<i32>} : memref<160xi32, #tpu.memory_space<vmem>>, vector<16xi32>,
    %gather3A_74 = tpu.vector_load_idx %arg6[%get3A_73] : memref<5120xf32, #tpu.memory_space<vmem>>[vector<16xi32>], vector<16xf32>,
    %get3A_75 = arith.constant 144 : index
    %get3A_76 = tpu.vector_load %arg8[%get3A_75] {strides = array<i32>} : memref<160xf32, #tpu.memory_space<vmem>>, vector<16xf32>,
    %mul3A_77 = arith.mulf %gather3A_74, %get3A_76 : vector<16xf32>
    %swap3A_78 = arith.constant 144 : index
    %swap3A_79 = tpu.vector_load %arg9[%swap3A_78] {strides = array<i32>} : memref<160xf32, #tpu.memory_space<vmem>>, vector<16xf32>,
    tpu.vector_store %arg9[%swap3A_78], %mul3A_77 {strides = array<i32>} : memref<160xf32, #tpu.memory_space<vmem>>, vector<16xf32>,
    "tpu.region"() ({
      %run_scoped3A = tpu.sem_alloc : memref<!tpu.dma_semaphore, #tpu.memory_space<semaphore_mem>>
      %dma_start3A = tpu.memref_slice %arg5[%mul3A_2] : memref<5120xf32, #tpu.memory_space<hbm>> -> memref<160xf32, #tpu.memory_space<hbm>>
      %dma_start3A_80 = tpu.memref_slice %arg5[%mul3A_2] : memref<5120xf32, #tpu.memory_space<hbm>> -> memref<160xf32, #tpu.memory_space<hbm>>
      tpu.enqueue_dma source(%arg9 : memref<160xf32, #tpu.memory_space<vmem>>) target(%dma_start3A_80 : memref<160xf32, #tpu.memory_space<hbm>>) target_semaphore(%run_scoped3A : memref<!tpu.dma_semaphore, #tpu.memory_space<semaphore_mem>>)
      %dma_wait3A = tpu.memref_slice %arg5[%mul3A_2] : memref<5120xf32, #tpu.memory_space<hbm>> -> memref<160xf32, #tpu.memory_space<hbm>>
      %dma_wait3A_81 = tpu.memref_slice %arg5[%mul3A_2] : memref<5120xf32, #tpu.memory_space<hbm>> -> memref<160xf32, #tpu.memory_space<hbm>>
      tpu.wait_dma2 semaphore(%run_scoped3A : memref<!tpu.dma_semaphore, #tpu.memory_space<semaphore_mem>>) src(%arg9 : memref<160xf32, #tpu.memory_space<vmem>>) dst(%dma_wait3A_81 : memref<160xf32, #tpu.memory_space<hbm>>)
      tpu.yield
    }) : () -> ()
    return
  }
}

module attributes {stable_mosaic.version = 14 : i64} {
  func.func @_rank_kernel(%arg0: memref<40x128xf32, #tpu.memory_space<vmem>>, %arg1: memref<40x128xi32, #tpu.memory_space<vmem>>) attributes {dimension_semantics = [], scalar_prefetch = 0 : i64, scratch_operands = 0 : i64, tpu.core_type = #tpu.core_type<tc>} {
    %iota3A = tpu.iota {dimensions = array<i32: 0>} : vector<128x128xi32>
    %iota3A_0 = tpu.iota {dimensions = array<i32: 1>} : vector<128x128xi32>
    %eq3A = arith.cmpi eq, %iota3A, %iota3A_0 : vector<128x128xi32>
    %convert_element_type3A = arith.extui %eq3A : vector<128x128xi1> to vector<128x128xi32>
    %convert_element_type3A_1 = arith.sitofp %convert_element_type3A : vector<128x128xi32> to vector<128x128xf32>
    %gt3A = arith.cmpi sgt, %iota3A, %iota3A_0 : vector<128x128xi32>
    %convert_element_type3A_2 = arith.extui %gt3A : vector<128x128xi1> to vector<128x128xi32>
    %convert_element_type3A_3 = arith.sitofp %convert_element_type3A_2 : vector<128x128xi32> to vector<128x128xf32>
    %scan3A = arith.constant 0 : i32
    %scan3A_4 = arith.constant 40 : i32
    %scan3A_5 = arith.addi %scan3A, %scan3A_4 : i32
    %scan3A_6 = arith.constant 1 : i32
    scf.for %scan3A_8 = %scan3A to %scan3A_5 step %scan3A_6  : i32 {
      %get3A = arith.index_cast %scan3A_8 : i32 to index
      %get3A_9 = arith.constant 0 : index
      %get3A_10 = vector.load %arg0[%get3A, %get3A_9] : memref<40x128xf32, #tpu.memory_space<vmem>>, vector<1x128xf32>
      %mul3A = vector.broadcast %get3A_10 : vector<1x128xf32> to vector<128x128xf32>
      %mul3A_11 = arith.mulf %mul3A, %convert_element_type3A_1 : vector<128x128xf32>
      %reduce_sum3A = arith.constant dense<0.000000e+00> : vector<128xf32>
      %reduce_sum3A_12 = vector.multi_reduction <add>, %mul3A_11, %reduce_sum3A [1] : vector<128x128xf32> to vector<128xf32>
      %broadcast_in_dim3A = vector.shape_cast %reduce_sum3A_12 : vector<128xf32> to vector<128x1xf32>
      %jit3A = arith.constant 4 : i32
      %div3A = arith.divsi %scan3A_8, %jit3A : i32
      %sign3A = arith.constant 0 : i32
      %sign3A_13 = arith.cmpi sgt, %scan3A_8, %sign3A : i32
      %sign3A_14 = arith.extui %sign3A_13 : i1 to i32
      %sign3A_15 = arith.constant 0 : i32
      %sign3A_16 = arith.cmpi slt, %scan3A_8, %sign3A_15 : i32
      %sign3A_17 = arith.extui %sign3A_16 : i1 to i32
      %sign3A_18 = arith.subi %sign3A_14, %sign3A_17 : i32
      %sign3A_19 = arith.constant 0 : i32
      %sign3A_20 = arith.cmpi sgt, %jit3A, %sign3A_19 : i32
      %sign3A_21 = arith.extui %sign3A_20 : i1 to i32
      %sign3A_22 = arith.constant 0 : i32
      %sign3A_23 = arith.cmpi slt, %jit3A, %sign3A_22 : i32
      %sign3A_24 = arith.extui %sign3A_23 : i1 to i32
      %sign3A_25 = arith.subi %sign3A_21, %sign3A_24 : i32
      %ne3A = arith.cmpi ne, %sign3A_18, %sign3A_25 : i32
      %rem3A = arith.remsi %scan3A_8, %jit3A : i32
      %ne3A_26 = arith.constant 0 : i32
      %ne3A_27 = arith.cmpi ne, %rem3A, %ne3A_26 : i32
      %and3A = arith.andi %ne3A, %ne3A_27 : i1
      %sub3A = arith.constant 1 : i32
      %sub3A_28 = arith.subi %div3A, %sub3A : i32
      %select_n3A = arith.select %and3A, %sub3A_28, %div3A : i32
      %broadcast_in_dim3A_29 = arith.constant 0.000000e+00 : f32
      %broadcast_in_dim3A_30 = vector.broadcast %broadcast_in_dim3A_29 : f32 to vector<128x128xf32>
      %while3A = arith.constant 0 : i32
      %while3A_31 = arith.subi %select_n3A, %while3A : i32
      %while3A_32 = arith.addi %while3A, %while3A_31 : i32
      %while3A_33 = arith.constant 1 : i32
      %while3A_34 = arith.divsi %while3A_31, %while3A_33 : i32
      %while3A_35 = arith.muli %while3A_34, %while3A_33 : i32
      %while3A_36 = arith.addi %while3A, %while3A_35 : i32
      %while3A_37 = arith.constant 1 : i32
      %while3A_38:2 = scf.for %while3A_163 = %while3A to %while3A_36 step %while3A_37 iter_args(%while3A_164 = %broadcast_in_dim3A_30, %while3A_165 = %broadcast_in_dim3A_30) -> (vector<128x128xf32>, vector<128x128xf32>)  : i32 {
        %mul3A_166 = arith.constant 4 : i32
        %mul3A_167 = arith.muli %while3A_163, %mul3A_166 : i32
        %get3A_168 = arith.index_cast %mul3A_167 : i32 to index
        %get3A_169 = arith.constant 0 : index
        %get3A_170 = vector.load %arg0[%get3A_168, %get3A_169] : memref<40x128xf32, #tpu.memory_space<vmem>>, vector<4x128xf32>
        %slice3A_171 = vector.extract_strided_slice %get3A_170 {offsets = [0, 0], sizes = [1, 128], strides = [1, 1]} : vector<4x128xf32> to vector<1x128xf32>
        %ge3A = vector.broadcast %slice3A_171 : vector<1x128xf32> to vector<128x128xf32>
        %ge3A_172 = vector.broadcast %broadcast_in_dim3A : vector<128x1xf32> to vector<128x128xf32>
        %ge3A_173 = arith.cmpf oge, %ge3A, %ge3A_172 : vector<128x128xf32>
        %convert_element_type3A_174 = arith.extui %ge3A_173 : vector<128x128xi1> to vector<128x128xi32>
        %convert_element_type3A_175 = arith.sitofp %convert_element_type3A_174 : vector<128x128xi32> to vector<128x128xf32>
        %add3A_176 = arith.addf %while3A_164, %convert_element_type3A_175 : vector<128x128xf32>
        %slice3A_177 = vector.extract_strided_slice %get3A_170 {offsets = [1, 0], sizes = [1, 128], strides = [1, 1]} : vector<4x128xf32> to vector<1x128xf32>
        %ge3A_178 = vector.broadcast %slice3A_177 : vector<1x128xf32> to vector<128x128xf32>
        %ge3A_179 = vector.broadcast %broadcast_in_dim3A : vector<128x1xf32> to vector<128x128xf32>
        %ge3A_180 = arith.cmpf oge, %ge3A_178, %ge3A_179 : vector<128x128xf32>
        %convert_element_type3A_181 = arith.extui %ge3A_180 : vector<128x128xi1> to vector<128x128xi32>
        %convert_element_type3A_182 = arith.sitofp %convert_element_type3A_181 : vector<128x128xi32> to vector<128x128xf32>
        %add3A_183 = arith.addf %while3A_165, %convert_element_type3A_182 : vector<128x128xf32>
        %slice3A_184 = vector.extract_strided_slice %get3A_170 {offsets = [2, 0], sizes = [1, 128], strides = [1, 1]} : vector<4x128xf32> to vector<1x128xf32>
        %ge3A_185 = vector.broadcast %slice3A_184 : vector<1x128xf32> to vector<128x128xf32>
        %ge3A_186 = vector.broadcast %broadcast_in_dim3A : vector<128x1xf32> to vector<128x128xf32>
        %ge3A_187 = arith.cmpf oge, %ge3A_185, %ge3A_186 : vector<128x128xf32>
        %convert_element_type3A_188 = arith.extui %ge3A_187 : vector<128x128xi1> to vector<128x128xi32>
        %convert_element_type3A_189 = arith.sitofp %convert_element_type3A_188 : vector<128x128xi32> to vector<128x128xf32>
        %add3A_190 = arith.addf %add3A_176, %convert_element_type3A_189 : vector<128x128xf32>
        %slice3A_191 = vector.extract_strided_slice %get3A_170 {offsets = [3, 0], sizes = [1, 128], strides = [1, 1]} : vector<4x128xf32> to vector<1x128xf32>
        %ge3A_192 = vector.broadcast %slice3A_191 : vector<1x128xf32> to vector<128x128xf32>
        %ge3A_193 = vector.broadcast %broadcast_in_dim3A : vector<128x1xf32> to vector<128x128xf32>
        %ge3A_194 = arith.cmpf oge, %ge3A_192, %ge3A_193 : vector<128x128xf32>
        %convert_element_type3A_195 = arith.extui %ge3A_194 : vector<128x128xi1> to vector<128x128xi32>
        %convert_element_type3A_196 = arith.sitofp %convert_element_type3A_195 : vector<128x128xi32> to vector<128x128xf32>
        %add3A_197 = arith.addf %add3A_183, %convert_element_type3A_196 : vector<128x128xf32>
        scf.yield %add3A_190, %add3A_197 : vector<128x128xf32>, vector<128x128xf32>
      }
      %while3A_39 = arith.constant 1 : i32
      %while3A_40:2 = scf.for %while3A_163 = %while3A_36 to %while3A_32 step %while3A_39 iter_args(%while3A_164 = %while3A_38#0, %while3A_165 = %while3A_38#1) -> (vector<128x128xf32>, vector<128x128xf32>)  : i32 {
        %mul3A_166 = arith.constant 4 : i32
        %mul3A_167 = arith.muli %while3A_163, %mul3A_166 : i32
        %get3A_168 = arith.index_cast %mul3A_167 : i32 to index
        %get3A_169 = arith.constant 0 : index
        %get3A_170 = vector.load %arg0[%get3A_168, %get3A_169] : memref<40x128xf32, #tpu.memory_space<vmem>>, vector<4x128xf32>
        %slice3A_171 = vector.extract_strided_slice %get3A_170 {offsets = [0, 0], sizes = [1, 128], strides = [1, 1]} : vector<4x128xf32> to vector<1x128xf32>
        %ge3A = vector.broadcast %slice3A_171 : vector<1x128xf32> to vector<128x128xf32>
        %ge3A_172 = vector.broadcast %broadcast_in_dim3A : vector<128x1xf32> to vector<128x128xf32>
        %ge3A_173 = arith.cmpf oge, %ge3A, %ge3A_172 : vector<128x128xf32>
        %convert_element_type3A_174 = arith.extui %ge3A_173 : vector<128x128xi1> to vector<128x128xi32>
        %convert_element_type3A_175 = arith.sitofp %convert_element_type3A_174 : vector<128x128xi32> to vector<128x128xf32>
        %add3A_176 = arith.addf %while3A_164, %convert_element_type3A_175 : vector<128x128xf32>
        %slice3A_177 = vector.extract_strided_slice %get3A_170 {offsets = [1, 0], sizes = [1, 128], strides = [1, 1]} : vector<4x128xf32> to vector<1x128xf32>
        %ge3A_178 = vector.broadcast %slice3A_177 : vector<1x128xf32> to vector<128x128xf32>
        %ge3A_179 = vector.broadcast %broadcast_in_dim3A : vector<128x1xf32> to vector<128x128xf32>
        %ge3A_180 = arith.cmpf oge, %ge3A_178, %ge3A_179 : vector<128x128xf32>
        %convert_element_type3A_181 = arith.extui %ge3A_180 : vector<128x128xi1> to vector<128x128xi32>
        %convert_element_type3A_182 = arith.sitofp %convert_element_type3A_181 : vector<128x128xi32> to vector<128x128xf32>
        %add3A_183 = arith.addf %while3A_165, %convert_element_type3A_182 : vector<128x128xf32>
        %slice3A_184 = vector.extract_strided_slice %get3A_170 {offsets = [2, 0], sizes = [1, 128], strides = [1, 1]} : vector<4x128xf32> to vector<1x128xf32>
        %ge3A_185 = vector.broadcast %slice3A_184 : vector<1x128xf32> to vector<128x128xf32>
        %ge3A_186 = vector.broadcast %broadcast_in_dim3A : vector<128x1xf32> to vector<128x128xf32>
        %ge3A_187 = arith.cmpf oge, %ge3A_185, %ge3A_186 : vector<128x128xf32>
        %convert_element_type3A_188 = arith.extui %ge3A_187 : vector<128x128xi1> to vector<128x128xi32>
        %convert_element_type3A_189 = arith.sitofp %convert_element_type3A_188 : vector<128x128xi32> to vector<128x128xf32>
        %add3A_190 = arith.addf %add3A_176, %convert_element_type3A_189 : vector<128x128xf32>
        %slice3A_191 = vector.extract_strided_slice %get3A_170 {offsets = [3, 0], sizes = [1, 128], strides = [1, 1]} : vector<4x128xf32> to vector<1x128xf32>
        %ge3A_192 = vector.broadcast %slice3A_191 : vector<1x128xf32> to vector<128x128xf32>
        %ge3A_193 = vector.broadcast %broadcast_in_dim3A : vector<128x1xf32> to vector<128x128xf32>
        %ge3A_194 = arith.cmpf oge, %ge3A_192, %ge3A_193 : vector<128x128xf32>
        %convert_element_type3A_195 = arith.extui %ge3A_194 : vector<128x128xi1> to vector<128x128xi32>
        %convert_element_type3A_196 = arith.sitofp %convert_element_type3A_195 : vector<128x128xi32> to vector<128x128xf32>
        %add3A_197 = arith.addf %add3A_183, %convert_element_type3A_196 : vector<128x128xf32>
        scf.yield %add3A_190, %add3A_197 : vector<128x128xf32>, vector<128x128xf32>
      }
      %add3A = arith.constant 1 : i32
      %add3A_41 = arith.addi %select_n3A, %add3A : i32
      %while3A_42 = arith.constant 10 : i32
      %while3A_43 = arith.subi %while3A_42, %add3A_41 : i32
      %while3A_44 = arith.addi %add3A_41, %while3A_43 : i32
      %while3A_45 = arith.constant 1 : i32
      %while3A_46 = arith.divsi %while3A_43, %while3A_45 : i32
      %while3A_47 = arith.muli %while3A_46, %while3A_45 : i32
      %while3A_48 = arith.addi %add3A_41, %while3A_47 : i32
      %while3A_49 = arith.constant 1 : i32
      %while3A_50:2 = scf.for %while3A_163 = %add3A_41 to %while3A_48 step %while3A_49 iter_args(%while3A_164 = %while3A_40#0, %while3A_165 = %while3A_40#1) -> (vector<128x128xf32>, vector<128x128xf32>)  : i32 {
        %mul3A_166 = arith.constant 4 : i32
        %mul3A_167 = arith.muli %while3A_163, %mul3A_166 : i32
        %get3A_168 = arith.index_cast %mul3A_167 : i32 to index
        %get3A_169 = arith.constant 0 : index
        %get3A_170 = vector.load %arg0[%get3A_168, %get3A_169] : memref<40x128xf32, #tpu.memory_space<vmem>>, vector<4x128xf32>
        %slice3A_171 = vector.extract_strided_slice %get3A_170 {offsets = [0, 0], sizes = [1, 128], strides = [1, 1]} : vector<4x128xf32> to vector<1x128xf32>
        %gt3A_172 = vector.broadcast %slice3A_171 : vector<1x128xf32> to vector<128x128xf32>
        %gt3A_173 = vector.broadcast %broadcast_in_dim3A : vector<128x1xf32> to vector<128x128xf32>
        %gt3A_174 = arith.cmpf ogt, %gt3A_172, %gt3A_173 : vector<128x128xf32>
        %convert_element_type3A_175 = arith.extui %gt3A_174 : vector<128x128xi1> to vector<128x128xi32>
        %convert_element_type3A_176 = arith.sitofp %convert_element_type3A_175 : vector<128x128xi32> to vector<128x128xf32>
        %add3A_177 = arith.addf %while3A_164, %convert_element_type3A_176 : vector<128x128xf32>
        %slice3A_178 = vector.extract_strided_slice %get3A_170 {offsets = [1, 0], sizes = [1, 128], strides = [1, 1]} : vector<4x128xf32> to vector<1x128xf32>
        %gt3A_179 = vector.broadcast %slice3A_178 : vector<1x128xf32> to vector<128x128xf32>
        %gt3A_180 = vector.broadcast %broadcast_in_dim3A : vector<128x1xf32> to vector<128x128xf32>
        %gt3A_181 = arith.cmpf ogt, %gt3A_179, %gt3A_180 : vector<128x128xf32>
        %convert_element_type3A_182 = arith.extui %gt3A_181 : vector<128x128xi1> to vector<128x128xi32>
        %convert_element_type3A_183 = arith.sitofp %convert_element_type3A_182 : vector<128x128xi32> to vector<128x128xf32>
        %add3A_184 = arith.addf %while3A_165, %convert_element_type3A_183 : vector<128x128xf32>
        %slice3A_185 = vector.extract_strided_slice %get3A_170 {offsets = [2, 0], sizes = [1, 128], strides = [1, 1]} : vector<4x128xf32> to vector<1x128xf32>
        %gt3A_186 = vector.broadcast %slice3A_185 : vector<1x128xf32> to vector<128x128xf32>
        %gt3A_187 = vector.broadcast %broadcast_in_dim3A : vector<128x1xf32> to vector<128x128xf32>
        %gt3A_188 = arith.cmpf ogt, %gt3A_186, %gt3A_187 : vector<128x128xf32>
        %convert_element_type3A_189 = arith.extui %gt3A_188 : vector<128x128xi1> to vector<128x128xi32>
        %convert_element_type3A_190 = arith.sitofp %convert_element_type3A_189 : vector<128x128xi32> to vector<128x128xf32>
        %add3A_191 = arith.addf %add3A_177, %convert_element_type3A_190 : vector<128x128xf32>
        %slice3A_192 = vector.extract_strided_slice %get3A_170 {offsets = [3, 0], sizes = [1, 128], strides = [1, 1]} : vector<4x128xf32> to vector<1x128xf32>
        %gt3A_193 = vector.broadcast %slice3A_192 : vector<1x128xf32> to vector<128x128xf32>
        %gt3A_194 = vector.broadcast %broadcast_in_dim3A : vector<128x1xf32> to vector<128x128xf32>
        %gt3A_195 = arith.cmpf ogt, %gt3A_193, %gt3A_194 : vector<128x128xf32>
        %convert_element_type3A_196 = arith.extui %gt3A_195 : vector<128x128xi1> to vector<128x128xi32>
        %convert_element_type3A_197 = arith.sitofp %convert_element_type3A_196 : vector<128x128xi32> to vector<128x128xf32>
        %add3A_198 = arith.addf %add3A_184, %convert_element_type3A_197 : vector<128x128xf32>
        scf.yield %add3A_191, %add3A_198 : vector<128x128xf32>, vector<128x128xf32>
      }
      %while3A_51 = arith.constant 1 : i32
      %while3A_52:2 = scf.for %while3A_163 = %while3A_48 to %while3A_44 step %while3A_51 iter_args(%while3A_164 = %while3A_50#0, %while3A_165 = %while3A_50#1) -> (vector<128x128xf32>, vector<128x128xf32>)  : i32 {
        %mul3A_166 = arith.constant 4 : i32
        %mul3A_167 = arith.muli %while3A_163, %mul3A_166 : i32
        %get3A_168 = arith.index_cast %mul3A_167 : i32 to index
        %get3A_169 = arith.constant 0 : index
        %get3A_170 = vector.load %arg0[%get3A_168, %get3A_169] : memref<40x128xf32, #tpu.memory_space<vmem>>, vector<4x128xf32>
        %slice3A_171 = vector.extract_strided_slice %get3A_170 {offsets = [0, 0], sizes = [1, 128], strides = [1, 1]} : vector<4x128xf32> to vector<1x128xf32>
        %gt3A_172 = vector.broadcast %slice3A_171 : vector<1x128xf32> to vector<128x128xf32>
        %gt3A_173 = vector.broadcast %broadcast_in_dim3A : vector<128x1xf32> to vector<128x128xf32>
        %gt3A_174 = arith.cmpf ogt, %gt3A_172, %gt3A_173 : vector<128x128xf32>
        %convert_element_type3A_175 = arith.extui %gt3A_174 : vector<128x128xi1> to vector<128x128xi32>
        %convert_element_type3A_176 = arith.sitofp %convert_element_type3A_175 : vector<128x128xi32> to vector<128x128xf32>
        %add3A_177 = arith.addf %while3A_164, %convert_element_type3A_176 : vector<128x128xf32>
        %slice3A_178 = vector.extract_strided_slice %get3A_170 {offsets = [1, 0], sizes = [1, 128], strides = [1, 1]} : vector<4x128xf32> to vector<1x128xf32>
        %gt3A_179 = vector.broadcast %slice3A_178 : vector<1x128xf32> to vector<128x128xf32>
        %gt3A_180 = vector.broadcast %broadcast_in_dim3A : vector<128x1xf32> to vector<128x128xf32>
        %gt3A_181 = arith.cmpf ogt, %gt3A_179, %gt3A_180 : vector<128x128xf32>
        %convert_element_type3A_182 = arith.extui %gt3A_181 : vector<128x128xi1> to vector<128x128xi32>
        %convert_element_type3A_183 = arith.sitofp %convert_element_type3A_182 : vector<128x128xi32> to vector<128x128xf32>
        %add3A_184 = arith.addf %while3A_165, %convert_element_type3A_183 : vector<128x128xf32>
        %slice3A_185 = vector.extract_strided_slice %get3A_170 {offsets = [2, 0], sizes = [1, 128], strides = [1, 1]} : vector<4x128xf32> to vector<1x128xf32>
        %gt3A_186 = vector.broadcast %slice3A_185 : vector<1x128xf32> to vector<128x128xf32>
        %gt3A_187 = vector.broadcast %broadcast_in_dim3A : vector<128x1xf32> to vector<128x128xf32>
        %gt3A_188 = arith.cmpf ogt, %gt3A_186, %gt3A_187 : vector<128x128xf32>
        %convert_element_type3A_189 = arith.extui %gt3A_188 : vector<128x128xi1> to vector<128x128xi32>
        %convert_element_type3A_190 = arith.sitofp %convert_element_type3A_189 : vector<128x128xi32> to vector<128x128xf32>
        %add3A_191 = arith.addf %add3A_177, %convert_element_type3A_190 : vector<128x128xf32>
        %slice3A_192 = vector.extract_strided_slice %get3A_170 {offsets = [3, 0], sizes = [1, 128], strides = [1, 1]} : vector<4x128xf32> to vector<1x128xf32>
        %gt3A_193 = vector.broadcast %slice3A_192 : vector<1x128xf32> to vector<128x128xf32>
        %gt3A_194 = vector.broadcast %broadcast_in_dim3A : vector<128x1xf32> to vector<128x128xf32>
        %gt3A_195 = arith.cmpf ogt, %gt3A_193, %gt3A_194 : vector<128x128xf32>
        %convert_element_type3A_196 = arith.extui %gt3A_195 : vector<128x128xi1> to vector<128x128xi32>
        %convert_element_type3A_197 = arith.sitofp %convert_element_type3A_196 : vector<128x128xi32> to vector<128x128xf32>
        %add3A_198 = arith.addf %add3A_184, %convert_element_type3A_197 : vector<128x128xf32>
        scf.yield %add3A_191, %add3A_198 : vector<128x128xf32>, vector<128x128xf32>
      }
      %mul3A_53 = arith.constant 4 : i32
      %mul3A_54 = arith.muli %select_n3A, %mul3A_53 : i32
      %get3A_55 = arith.index_cast %mul3A_54 : i32 to index
      %get3A_56 = arith.constant 0 : index
      %get3A_57 = vector.load %arg0[%get3A_55, %get3A_56] : memref<40x128xf32, #tpu.memory_space<vmem>>, vector<4x128xf32>
      %slice3A = vector.extract_strided_slice %get3A_57 {offsets = [0, 0], sizes = [1, 128], strides = [1, 1]} : vector<4x128xf32> to vector<1x128xf32>
      %gt3A_58 = vector.broadcast %slice3A : vector<1x128xf32> to vector<128x128xf32>
      %gt3A_59 = vector.broadcast %broadcast_in_dim3A : vector<128x1xf32> to vector<128x128xf32>
      %gt3A_60 = arith.cmpf ogt, %gt3A_58, %gt3A_59 : vector<128x128xf32>
      %convert_element_type3A_61 = arith.extui %gt3A_60 : vector<128x128xi1> to vector<128x128xi32>
      %convert_element_type3A_62 = arith.sitofp %convert_element_type3A_61 : vector<128x128xi32> to vector<128x128xf32>
      %eq3A_63 = vector.broadcast %slice3A : vector<1x128xf32> to vector<128x128xf32>
      %eq3A_64 = vector.broadcast %broadcast_in_dim3A : vector<128x1xf32> to vector<128x128xf32>
      %eq3A_65 = arith.cmpf oeq, %eq3A_63, %eq3A_64 : vector<128x128xf32>
      %convert_element_type3A_66 = arith.extui %eq3A_65 : vector<128x128xi1> to vector<128x128xi32>
      %convert_element_type3A_67 = arith.sitofp %convert_element_type3A_66 : vector<128x128xi32> to vector<128x128xf32>
      %mul3A_68 = arith.constant 4 : i32
      %mul3A_69 = arith.muli %select_n3A, %mul3A_68 : i32
      %add3A_70 = arith.constant 0 : i32
      %add3A_71 = arith.addi %mul3A_69, %add3A_70 : i32
      %lt3A = arith.cmpi slt, %add3A_71, %scan3A_8 : i32
      %convert_element_type3A_72 = arith.extui %lt3A : i1 to i32
      %convert_element_type3A_73 = arith.sitofp %convert_element_type3A_72 : i32 to f32
      %add3A_74 = arith.addf %while3A_52#0, %convert_element_type3A_62 : vector<128x128xf32>
      %mul3A_75 = vector.broadcast %convert_element_type3A_73 : f32 to vector<128x128xf32>
      %mul3A_76 = arith.mulf %convert_element_type3A_67, %mul3A_75 : vector<128x128xf32>
      %add3A_77 = arith.addf %add3A_74, %mul3A_76 : vector<128x128xf32>
      %slice3A_78 = vector.extract_strided_slice %get3A_57 {offsets = [1, 0], sizes = [1, 128], strides = [1, 1]} : vector<4x128xf32> to vector<1x128xf32>
      %gt3A_79 = vector.broadcast %slice3A_78 : vector<1x128xf32> to vector<128x128xf32>
      %gt3A_80 = vector.broadcast %broadcast_in_dim3A : vector<128x1xf32> to vector<128x128xf32>
      %gt3A_81 = arith.cmpf ogt, %gt3A_79, %gt3A_80 : vector<128x128xf32>
      %convert_element_type3A_82 = arith.extui %gt3A_81 : vector<128x128xi1> to vector<128x128xi32>
      %convert_element_type3A_83 = arith.sitofp %convert_element_type3A_82 : vector<128x128xi32> to vector<128x128xf32>
      %eq3A_84 = vector.broadcast %slice3A_78 : vector<1x128xf32> to vector<128x128xf32>
      %eq3A_85 = vector.broadcast %broadcast_in_dim3A : vector<128x1xf32> to vector<128x128xf32>
      %eq3A_86 = arith.cmpf oeq, %eq3A_84, %eq3A_85 : vector<128x128xf32>
      %convert_element_type3A_87 = arith.extui %eq3A_86 : vector<128x128xi1> to vector<128x128xi32>
      %convert_element_type3A_88 = arith.sitofp %convert_element_type3A_87 : vector<128x128xi32> to vector<128x128xf32>
      %mul3A_89 = arith.constant 4 : i32
      %mul3A_90 = arith.muli %select_n3A, %mul3A_89 : i32
      %add3A_91 = arith.constant 1 : i32
      %add3A_92 = arith.addi %mul3A_90, %add3A_91 : i32
      %lt3A_93 = arith.cmpi slt, %add3A_92, %scan3A_8 : i32
      %convert_element_type3A_94 = arith.extui %lt3A_93 : i1 to i32
      %convert_element_type3A_95 = arith.sitofp %convert_element_type3A_94 : i32 to f32
      %add3A_96 = arith.addf %add3A_77, %convert_element_type3A_83 : vector<128x128xf32>
      %mul3A_97 = vector.broadcast %convert_element_type3A_95 : f32 to vector<128x128xf32>
      %mul3A_98 = arith.mulf %convert_element_type3A_88, %mul3A_97 : vector<128x128xf32>
      %add3A_99 = arith.addf %add3A_96, %mul3A_98 : vector<128x128xf32>
      %slice3A_100 = vector.extract_strided_slice %get3A_57 {offsets = [2, 0], sizes = [1, 128], strides = [1, 1]} : vector<4x128xf32> to vector<1x128xf32>
      %gt3A_101 = vector.broadcast %slice3A_100 : vector<1x128xf32> to vector<128x128xf32>
      %gt3A_102 = vector.broadcast %broadcast_in_dim3A : vector<128x1xf32> to vector<128x128xf32>
      %gt3A_103 = arith.cmpf ogt, %gt3A_101, %gt3A_102 : vector<128x128xf32>
      %convert_element_type3A_104 = arith.extui %gt3A_103 : vector<128x128xi1> to vector<128x128xi32>
      %convert_element_type3A_105 = arith.sitofp %convert_element_type3A_104 : vector<128x128xi32> to vector<128x128xf32>
      %eq3A_106 = vector.broadcast %slice3A_100 : vector<1x128xf32> to vector<128x128xf32>
      %eq3A_107 = vector.broadcast %broadcast_in_dim3A : vector<128x1xf32> to vector<128x128xf32>
      %eq3A_108 = arith.cmpf oeq, %eq3A_106, %eq3A_107 : vector<128x128xf32>
      %convert_element_type3A_109 = arith.extui %eq3A_108 : vector<128x128xi1> to vector<128x128xi32>
      %convert_element_type3A_110 = arith.sitofp %convert_element_type3A_109 : vector<128x128xi32> to vector<128x128xf32>
      %mul3A_111 = arith.constant 4 : i32
      %mul3A_112 = arith.muli %select_n3A, %mul3A_111 : i32
      %add3A_113 = arith.constant 2 : i32
      %add3A_114 = arith.addi %mul3A_112, %add3A_113 : i32
      %lt3A_115 = arith.cmpi slt, %add3A_114, %scan3A_8 : i32
      %convert_element_type3A_116 = arith.extui %lt3A_115 : i1 to i32
      %convert_element_type3A_117 = arith.sitofp %convert_element_type3A_116 : i32 to f32
      %add3A_118 = arith.addf %add3A_99, %convert_element_type3A_105 : vector<128x128xf32>
      %mul3A_119 = vector.broadcast %convert_element_type3A_117 : f32 to vector<128x128xf32>
      %mul3A_120 = arith.mulf %convert_element_type3A_110, %mul3A_119 : vector<128x128xf32>
      %add3A_121 = arith.addf %add3A_118, %mul3A_120 : vector<128x128xf32>
      %slice3A_122 = vector.extract_strided_slice %get3A_57 {offsets = [3, 0], sizes = [1, 128], strides = [1, 1]} : vector<4x128xf32> to vector<1x128xf32>
      %gt3A_123 = vector.broadcast %slice3A_122 : vector<1x128xf32> to vector<128x128xf32>
      %gt3A_124 = vector.broadcast %broadcast_in_dim3A : vector<128x1xf32> to vector<128x128xf32>
      %gt3A_125 = arith.cmpf ogt, %gt3A_123, %gt3A_124 : vector<128x128xf32>
      %convert_element_type3A_126 = arith.extui %gt3A_125 : vector<128x128xi1> to vector<128x128xi32>
      %convert_element_type3A_127 = arith.sitofp %convert_element_type3A_126 : vector<128x128xi32> to vector<128x128xf32>
      %eq3A_128 = vector.broadcast %slice3A_122 : vector<1x128xf32> to vector<128x128xf32>
      %eq3A_129 = vector.broadcast %broadcast_in_dim3A : vector<128x1xf32> to vector<128x128xf32>
      %eq3A_130 = arith.cmpf oeq, %eq3A_128, %eq3A_129 : vector<128x128xf32>
      %convert_element_type3A_131 = arith.extui %eq3A_130 : vector<128x128xi1> to vector<128x128xi32>
      %convert_element_type3A_132 = arith.sitofp %convert_element_type3A_131 : vector<128x128xi32> to vector<128x128xf32>
      %mul3A_133 = arith.constant 4 : i32
      %mul3A_134 = arith.muli %select_n3A, %mul3A_133 : i32
      %add3A_135 = arith.constant 3 : i32
      %add3A_136 = arith.addi %mul3A_134, %add3A_135 : i32
      %lt3A_137 = arith.cmpi slt, %add3A_136, %scan3A_8 : i32
      %convert_element_type3A_138 = arith.extui %lt3A_137 : i1 to i32
      %convert_element_type3A_139 = arith.sitofp %convert_element_type3A_138 : i32 to f32
      %add3A_140 = arith.addf %add3A_121, %convert_element_type3A_127 : vector<128x128xf32>
      %mul3A_141 = vector.broadcast %convert_element_type3A_139 : f32 to vector<128x128xf32>
      %mul3A_142 = arith.mulf %convert_element_type3A_132, %mul3A_141 : vector<128x128xf32>
      %add3A_143 = arith.addf %add3A_140, %mul3A_142 : vector<128x128xf32>
      %eq3A_144 = vector.broadcast %get3A_10 : vector<1x128xf32> to vector<128x128xf32>
      %eq3A_145 = vector.broadcast %broadcast_in_dim3A : vector<128x1xf32> to vector<128x128xf32>
      %eq3A_146 = arith.cmpf oeq, %eq3A_144, %eq3A_145 : vector<128x128xf32>
      %convert_element_type3A_147 = arith.extui %eq3A_146 : vector<128x128xi1> to vector<128x128xi32>
      %convert_element_type3A_148 = arith.sitofp %convert_element_type3A_147 : vector<128x128xi32> to vector<128x128xf32>
      %add3A_149 = arith.addf %add3A_143, %while3A_52#1 : vector<128x128xf32>
      %mul3A_150 = arith.mulf %convert_element_type3A_148, %convert_element_type3A_3 : vector<128x128xf32>
      %add3A_151 = arith.addf %add3A_149, %mul3A_150 : vector<128x128xf32>
      %reduce_sum3A_152 = arith.constant dense<0.000000e+00> : vector<128xf32>
      %reduce_sum3A_153 = vector.multi_reduction <add>, %add3A_151, %reduce_sum3A_152 [1] : vector<128x128xf32> to vector<128xf32>
      %broadcast_in_dim3A_154 = vector.shape_cast %reduce_sum3A_153 : vector<128xf32> to vector<128x1xf32>
      %mul3A_155 = vector.broadcast %broadcast_in_dim3A_154 : vector<128x1xf32> to vector<128x128xf32>
      %mul3A_156 = arith.mulf %mul3A_155, %convert_element_type3A_1 : vector<128x128xf32>
      %reduce_sum3A_157 = arith.constant dense<0.000000e+00> : vector<128xf32>
      %reduce_sum3A_158 = vector.multi_reduction <add>, %mul3A_156, %reduce_sum3A_157 [0] : vector<128x128xf32> to vector<128xf32>
      %broadcast_in_dim3A_159 = vector.shape_cast %reduce_sum3A_158 : vector<128xf32> to vector<1x128xf32>
      %convert_element_type3A_160 = arith.fptosi %broadcast_in_dim3A_159 : vector<1x128xf32> to vector<1x128xi32>
      %swap3A = arith.index_cast %scan3A_8 : i32 to index
      %swap3A_161 = arith.constant 0 : index
      %swap3A_162 = vector.load %arg1[%swap3A, %swap3A_161] : memref<40x128xi32, #tpu.memory_space<vmem>>, vector<1x128xi32>
      tpu.vector_store %arg1[%swap3A, %swap3A_161], %convert_element_type3A_160 {strides = array<i32>} : memref<40x128xi32, #tpu.memory_space<vmem>>, vector<1x128xi32>,
    }
    %scan3A_7 = arith.constant 40 : i32
    return
  }
}

module attributes {stable_mosaic.version = 14 : i64} {
  func.func @_nms_kernel(%arg0: memref<40x128xf32, #tpu.memory_space<vmem>>, %arg1: memref<40x128xf32, #tpu.memory_space<vmem>>, %arg2: memref<40x128xf32, #tpu.memory_space<vmem>>, %arg3: memref<40x128xf32, #tpu.memory_space<vmem>>, %arg4: memref<40x128xf32, #tpu.memory_space<vmem>>) attributes {dimension_semantics = [], scalar_prefetch = 0 : i64, scratch_operands = 0 : i64, tpu.core_type = #tpu.core_type<tc>} {
    %iota3A = tpu.iota {dimensions = array<i32: 0>} : vector<128x128xi32>
    %iota3A_0 = tpu.iota {dimensions = array<i32: 1>} : vector<128x128xi32>
    %eq3A = arith.cmpi eq, %iota3A, %iota3A_0 : vector<128x128xi32>
    %convert_element_type3A = arith.extui %eq3A : vector<128x128xi1> to vector<128x128xi32>
    %convert_element_type3A_1 = arith.sitofp %convert_element_type3A : vector<128x128xi32> to vector<128x128xf32>
    %lt3A = arith.cmpi slt, %iota3A, %iota3A_0 : vector<128x128xi32>
    %convert_element_type3A_2 = arith.extui %lt3A : vector<128x128xi1> to vector<128x128xi32>
    %convert_element_type3A_3 = arith.sitofp %convert_element_type3A_2 : vector<128x128xi32> to vector<128x128xf32>
    %iota3A_4 = tpu.iota {dimensions = array<i32: 0>} : vector<4x1xi32>
    %broadcast_in_dim3A = arith.constant 1.000000e+00 : f32
    %broadcast_in_dim3A_5 = vector.broadcast %broadcast_in_dim3A : f32 to vector<40x128xf32>
    %swap3A = arith.constant 0 : index
    %swap3A_6 = arith.constant 0 : index
    %swap3A_7 = vector.load %arg4[%swap3A, %swap3A_6] : memref<40x128xf32, #tpu.memory_space<vmem>>, vector<40x128xf32>
    tpu.vector_store %arg4[%swap3A, %swap3A_6], %broadcast_in_dim3A_5 {strides = array<i32>} : memref<40x128xf32, #tpu.memory_space<vmem>>, vector<40x128xf32>,
    %scan3A = arith.constant 0 : i32
    %scan3A_8 = arith.constant 40 : i32
    %scan3A_9 = arith.addi %scan3A, %scan3A_8 : i32
    %scan3A_10 = arith.constant 1 : i32
    scf.for %scan3A_12 = %scan3A to %scan3A_9 step %scan3A_10  : i32 {
      %get3A = arith.index_cast %scan3A_12 : i32 to index
      %get3A_13 = arith.constant 0 : index
      %get3A_14 = vector.load %arg0[%get3A, %get3A_13] : memref<40x128xf32, #tpu.memory_space<vmem>>, vector<1x128xf32>
      %get3A_15 = arith.index_cast %scan3A_12 : i32 to index
      %get3A_16 = arith.constant 0 : index
      %get3A_17 = vector.load %arg1[%get3A_15, %get3A_16] : memref<40x128xf32, #tpu.memory_space<vmem>>, vector<1x128xf32>
      %get3A_18 = arith.index_cast %scan3A_12 : i32 to index
      %get3A_19 = arith.constant 0 : index
      %get3A_20 = vector.load %arg2[%get3A_18, %get3A_19] : memref<40x128xf32, #tpu.memory_space<vmem>>, vector<1x128xf32>
      %get3A_21 = arith.index_cast %scan3A_12 : i32 to index
      %get3A_22 = arith.constant 0 : index
      %get3A_23 = vector.load %arg3[%get3A_21, %get3A_22] : memref<40x128xf32, #tpu.memory_space<vmem>>, vector<1x128xf32>
      %sub3A = arith.subf %get3A_20, %get3A_14 : vector<1x128xf32>
      %sub3A_24 = arith.subf %get3A_23, %get3A_17 : vector<1x128xf32>
      %mul3A = arith.mulf %sub3A, %sub3A_24 : vector<1x128xf32>
      %mul3A_25 = vector.broadcast %get3A_14 : vector<1x128xf32> to vector<128x128xf32>
      %mul3A_26 = arith.mulf %mul3A_25, %convert_element_type3A_1 : vector<128x128xf32>
      %reduce_sum3A = arith.constant dense<0.000000e+00> : vector<128xf32>
      %reduce_sum3A_27 = vector.multi_reduction <add>, %mul3A_26, %reduce_sum3A [1] : vector<128x128xf32> to vector<128xf32>
      %broadcast_in_dim3A_28 = vector.shape_cast %reduce_sum3A_27 : vector<128xf32> to vector<128x1xf32>
      %mul3A_29 = vector.broadcast %get3A_17 : vector<1x128xf32> to vector<128x128xf32>
      %mul3A_30 = arith.mulf %mul3A_29, %convert_element_type3A_1 : vector<128x128xf32>
      %reduce_sum3A_31 = arith.constant dense<0.000000e+00> : vector<128xf32>
      %reduce_sum3A_32 = vector.multi_reduction <add>, %mul3A_30, %reduce_sum3A_31 [1] : vector<128x128xf32> to vector<128xf32>
      %broadcast_in_dim3A_33 = vector.shape_cast %reduce_sum3A_32 : vector<128xf32> to vector<128x1xf32>
      %mul3A_34 = vector.broadcast %get3A_20 : vector<1x128xf32> to vector<128x128xf32>
      %mul3A_35 = arith.mulf %mul3A_34, %convert_element_type3A_1 : vector<128x128xf32>
      %reduce_sum3A_36 = arith.constant dense<0.000000e+00> : vector<128xf32>
      %reduce_sum3A_37 = vector.multi_reduction <add>, %mul3A_35, %reduce_sum3A_36 [1] : vector<128x128xf32> to vector<128xf32>
      %broadcast_in_dim3A_38 = vector.shape_cast %reduce_sum3A_37 : vector<128xf32> to vector<128x1xf32>
      %mul3A_39 = vector.broadcast %get3A_23 : vector<1x128xf32> to vector<128x128xf32>
      %mul3A_40 = arith.mulf %mul3A_39, %convert_element_type3A_1 : vector<128x128xf32>
      %reduce_sum3A_41 = arith.constant dense<0.000000e+00> : vector<128xf32>
      %reduce_sum3A_42 = vector.multi_reduction <add>, %mul3A_40, %reduce_sum3A_41 [1] : vector<128x128xf32> to vector<128xf32>
      %broadcast_in_dim3A_43 = vector.shape_cast %reduce_sum3A_42 : vector<128xf32> to vector<128x1xf32>
      %mul3A_44 = vector.broadcast %mul3A : vector<1x128xf32> to vector<128x128xf32>
      %mul3A_45 = arith.mulf %mul3A_44, %convert_element_type3A_1 : vector<128x128xf32>
      %reduce_sum3A_46 = arith.constant dense<0.000000e+00> : vector<128xf32>
      %reduce_sum3A_47 = vector.multi_reduction <add>, %mul3A_45, %reduce_sum3A_46 [1] : vector<128x128xf32> to vector<128xf32>
      %broadcast_in_dim3A_48 = vector.shape_cast %reduce_sum3A_47 : vector<128xf32> to vector<128x1xf32>
      %max3A = vector.broadcast %broadcast_in_dim3A_28 : vector<128x1xf32> to vector<128x128xf32>
      %max3A_49 = vector.broadcast %get3A_14 : vector<1x128xf32> to vector<128x128xf32>
      %max3A_50 = arith.maximumf %max3A, %max3A_49 : vector<128x128xf32>
      %max3A_51 = vector.broadcast %broadcast_in_dim3A_33 : vector<128x1xf32> to vector<128x128xf32>
      %max3A_52 = vector.broadcast %get3A_17 : vector<1x128xf32> to vector<128x128xf32>
      %max3A_53 = arith.maximumf %max3A_51, %max3A_52 : vector<128x128xf32>
      %min3A = vector.broadcast %broadcast_in_dim3A_38 : vector<128x1xf32> to vector<128x128xf32>
      %min3A_54 = vector.broadcast %get3A_20 : vector<1x128xf32> to vector<128x128xf32>
      %min3A_55 = arith.minimumf %min3A, %min3A_54 : vector<128x128xf32>
      %min3A_56 = vector.broadcast %broadcast_in_dim3A_43 : vector<128x1xf32> to vector<128x128xf32>
      %min3A_57 = vector.broadcast %get3A_23 : vector<1x128xf32> to vector<128x128xf32>
      %min3A_58 = arith.minimumf %min3A_56, %min3A_57 : vector<128x128xf32>
      %sub3A_59 = arith.subf %min3A_55, %max3A_50 : vector<128x128xf32>
      %max3A_60 = arith.constant 0.000000e+00 : f32
      %max3A_61 = vector.broadcast %max3A_60 : f32 to vector<128x128xf32>
      %max3A_62 = arith.maximumf %sub3A_59, %max3A_61 : vector<128x128xf32>
      %sub3A_63 = arith.subf %min3A_58, %max3A_53 : vector<128x128xf32>
      %max3A_64 = arith.constant 0.000000e+00 : f32
      %max3A_65 = vector.broadcast %max3A_64 : f32 to vector<128x128xf32>
      %max3A_66 = arith.maximumf %sub3A_63, %max3A_65 : vector<128x128xf32>
      %mul3A_67 = arith.mulf %max3A_62, %max3A_66 : vector<128x128xf32>
      %add3A = vector.broadcast %broadcast_in_dim3A_48 : vector<128x1xf32> to vector<128x128xf32>
      %add3A_68 = vector.broadcast %mul3A : vector<1x128xf32> to vector<128x128xf32>
      %add3A_69 = arith.addf %add3A, %add3A_68 : vector<128x128xf32>
      %sub3A_70 = arith.subf %add3A_69, %mul3A_67 : vector<128x128xf32>
      %add3A_71 = arith.constant 9.99999971E-10 : f32
      %add3A_72 = vector.broadcast %add3A_71 : f32 to vector<128x128xf32>
      %add3A_73 = arith.addf %sub3A_70, %add3A_72 : vector<128x128xf32>
      %div3A = arith.divf %mul3A_67, %add3A_73 : vector<128x128xf32>
      %gt3A = arith.constant 5.000000e-01 : f32
      %gt3A_74 = vector.broadcast %gt3A : f32 to vector<128x128xf32>
      %gt3A_75 = arith.cmpf ogt, %div3A, %gt3A_74 : vector<128x128xf32>
      %convert_element_type3A_76 = arith.extui %gt3A_75 : vector<128x128xi1> to vector<128x128xi32>
      %convert_element_type3A_77 = arith.sitofp %convert_element_type3A_76 : vector<128x128xi32> to vector<128x128xf32>
      %mul3A_78 = arith.mulf %convert_element_type3A_77, %convert_element_type3A_3 : vector<128x128xf32>
      %get3A_79 = arith.index_cast %scan3A_12 : i32 to index
      %get3A_80 = arith.constant 0 : index
      %get3A_81 = vector.load %arg4[%get3A_79, %get3A_80] : memref<40x128xf32, #tpu.memory_space<vmem>>, vector<1x128xf32>
      %while3A = arith.constant true
      %while3A_82:2 = scf.while (%while3A_151 = %get3A_81, %while3A_152 = %while3A) : (vector<1x128xf32>, i1) -> (vector<1x128xf32>, i1) {
        scf.condition(%while3A_152) %while3A_151, %while3A_152 : vector<1x128xf32>, i1
      } do {
      ^bb0(%while3A_151: vector<1x128xf32>, %while3A_152: i1):
        %mul3A_153 = vector.broadcast %while3A_151 : vector<1x128xf32> to vector<128x128xf32>
        %mul3A_154 = arith.mulf %mul3A_153, %convert_element_type3A_1 : vector<128x128xf32>
        %reduce_sum3A_155 = arith.constant dense<0.000000e+00> : vector<128xf32>
        %reduce_sum3A_156 = vector.multi_reduction <add>, %mul3A_154, %reduce_sum3A_155 [1] : vector<128x128xf32> to vector<128xf32>
        %broadcast_in_dim3A_157 = vector.shape_cast %reduce_sum3A_156 : vector<128xf32> to vector<128x1xf32>
        %mul3A_158 = vector.broadcast %broadcast_in_dim3A_157 : vector<128x1xf32> to vector<128x128xf32>
        %mul3A_159 = arith.mulf %mul3A_78, %mul3A_158 : vector<128x128xf32>
        %reduce_max3A = arith.constant dense<0xFF800000> : vector<128xf32>
        %reduce_max3A_160 = vector.multi_reduction <maximumf>, %mul3A_159, %reduce_max3A [0] : vector<128x128xf32> to vector<128xf32>
        %broadcast_in_dim3A_161 = vector.shape_cast %reduce_max3A_160 : vector<128xf32> to vector<1x128xf32>
        %sub3A_162 = arith.constant 1.000000e+00 : f32
        %sub3A_163 = vector.broadcast %sub3A_162 : f32 to vector<1x128xf32>
        %sub3A_164 = arith.subf %sub3A_163, %broadcast_in_dim3A_161 : vector<1x128xf32>
        %mul3A_165 = arith.mulf %get3A_81, %sub3A_164 : vector<1x128xf32>
        %ne3A_166 = arith.cmpf one, %mul3A_165, %while3A_151 : vector<1x128xf32>
        %reduce_or3A = arith.constant 1.000000e+00 : f32
        %reduce_or3A_167 = arith.constant 0.000000e+00 : f32
        %reduce_or3A_168 = vector.broadcast %reduce_or3A : f32 to vector<1x128xf32>
        %reduce_or3A_169 = vector.broadcast %reduce_or3A_167 : f32 to vector<1x128xf32>
        %reduce_or3A_170 = arith.select %ne3A_166, %reduce_or3A_168, %reduce_or3A_169 : vector<1x128xi1>, vector<1x128xf32>
        %reduce_or3A_171 = vector.shape_cast %reduce_or3A_170 : vector<1x128xf32> to vector<1x1x128xf32>
        %reduce_or3A_172 = arith.constant dense<0xFF800000> : vector<1xf32>
        %reduce_or3A_173 = vector.multi_reduction <maximumf>, %reduce_or3A_171, %reduce_or3A_172 [1, 2] : vector<1x1x128xf32> to vector<1xf32>
        %reduce_or3A_174 = vector.shape_cast %reduce_or3A_173 : vector<1xf32> to vector<1x1x1xf32>
        %reduce_or3A_175 = vector.extract %reduce_or3A_174[0, 0, 0] : f32 from vector<1x1x1xf32>
        %reduce_or3A_176 = arith.constant 0.000000e+00 : f32
        %reduce_or3A_177 = arith.cmpf ogt, %reduce_or3A_175, %reduce_or3A_176 : f32
        scf.yield %mul3A_165, %reduce_or3A_177 : vector<1x128xf32>, i1
      }
      %swap3A_83 = arith.index_cast %scan3A_12 : i32 to index
      %swap3A_84 = arith.constant 0 : index
      %swap3A_85 = vector.load %arg4[%swap3A_83, %swap3A_84] : memref<40x128xf32, #tpu.memory_space<vmem>>, vector<1x128xf32>
      tpu.vector_store %arg4[%swap3A_83, %swap3A_84], %while3A_82#0 {strides = array<i32>} : memref<40x128xf32, #tpu.memory_space<vmem>>, vector<1x128xf32>,
      %mul3A_86 = vector.broadcast %while3A_82#0 : vector<1x128xf32> to vector<128x128xf32>
      %mul3A_87 = arith.mulf %mul3A_86, %convert_element_type3A_1 : vector<128x128xf32>
      %reduce_sum3A_88 = arith.constant dense<0.000000e+00> : vector<128xf32>
      %reduce_sum3A_89 = vector.multi_reduction <add>, %mul3A_87, %reduce_sum3A_88 [1] : vector<128x128xf32> to vector<128xf32>
      %broadcast_in_dim3A_90 = vector.shape_cast %reduce_sum3A_89 : vector<128xf32> to vector<128x1xf32>
      %add3A_91 = arith.constant 1 : i32
      %add3A_92 = arith.addi %scan3A_12, %add3A_91 : i32
      %jit3A = arith.constant 4 : i32
      %div3A_93 = arith.divsi %add3A_92, %jit3A : i32
      %sign3A = arith.constant 0 : i32
      %sign3A_94 = arith.cmpi sgt, %add3A_92, %sign3A : i32
      %sign3A_95 = arith.extui %sign3A_94 : i1 to i32
      %sign3A_96 = arith.constant 0 : i32
      %sign3A_97 = arith.cmpi slt, %add3A_92, %sign3A_96 : i32
      %sign3A_98 = arith.extui %sign3A_97 : i1 to i32
      %sign3A_99 = arith.subi %sign3A_95, %sign3A_98 : i32
      %sign3A_100 = arith.constant 0 : i32
      %sign3A_101 = arith.cmpi sgt, %jit3A, %sign3A_100 : i32
      %sign3A_102 = arith.extui %sign3A_101 : i1 to i32
      %sign3A_103 = arith.constant 0 : i32
      %sign3A_104 = arith.cmpi slt, %jit3A, %sign3A_103 : i32
      %sign3A_105 = arith.extui %sign3A_104 : i1 to i32
      %sign3A_106 = arith.subi %sign3A_102, %sign3A_105 : i32
      %ne3A = arith.cmpi ne, %sign3A_99, %sign3A_106 : i32
      %rem3A = arith.remsi %add3A_92, %jit3A : i32
      %ne3A_107 = arith.constant 0 : i32
      %ne3A_108 = arith.cmpi ne, %rem3A, %ne3A_107 : i32
      %and3A = arith.andi %ne3A, %ne3A_108 : i1
      %sub3A_109 = arith.constant 1 : i32
      %sub3A_110 = arith.subi %div3A_93, %sub3A_109 : i32
      %select_n3A = arith.select %and3A, %sub3A_110, %div3A_93 : i32
      %sub3A_111 = arith.constant 10 : i32
      %sub3A_112 = arith.subi %sub3A_111, %select_n3A : i32
      %add3A_113 = arith.constant 1 : i32
      %add3A_114 = arith.addi %sub3A_112, %add3A_113 : i32
      %jit3A_115 = arith.constant 2 : i32
      %div3A_116 = arith.divsi %add3A_114, %jit3A_115 : i32
      %sign3A_117 = arith.constant 0 : i32
      %sign3A_118 = arith.cmpi sgt, %add3A_114, %sign3A_117 : i32
      %sign3A_119 = arith.extui %sign3A_118 : i1 to i32
      %sign3A_120 = arith.constant 0 : i32
      %sign3A_121 = arith.cmpi slt, %add3A_114, %sign3A_120 : i32
      %sign3A_122 = arith.extui %sign3A_121 : i1 to i32
      %sign3A_123 = arith.subi %sign3A_119, %sign3A_122 : i32
      %sign3A_124 = arith.constant 0 : i32
      %sign3A_125 = arith.cmpi sgt, %jit3A_115, %sign3A_124 : i32
      %sign3A_126 = arith.extui %sign3A_125 : i1 to i32
      %sign3A_127 = arith.constant 0 : i32
      %sign3A_128 = arith.cmpi slt, %jit3A_115, %sign3A_127 : i32
      %sign3A_129 = arith.extui %sign3A_128 : i1 to i32
      %sign3A_130 = arith.subi %sign3A_126, %sign3A_129 : i32
      %ne3A_131 = arith.cmpi ne, %sign3A_123, %sign3A_130 : i32
      %rem3A_132 = arith.remsi %add3A_114, %jit3A_115 : i32
      %ne3A_133 = arith.constant 0 : i32
      %ne3A_134 = arith.cmpi ne, %rem3A_132, %ne3A_133 : i32
      %and3A_135 = arith.andi %ne3A_131, %ne3A_134 : i1
      %sub3A_136 = arith.constant 1 : i32
      %sub3A_137 = arith.subi %div3A_116, %sub3A_136 : i32
      %select_n3A_138 = arith.select %and3A_135, %sub3A_137, %div3A_116 : i32
      %while3A_139 = arith.constant 0 : i32
      %while3A_140 = arith.constant 0 : i32
      %while3A_141 = arith.subi %select_n3A_138, %while3A_139 : i32
      %while3A_142 = arith.addi %while3A_139, %while3A_141 : i32
      %while3A_143 = arith.constant 1 : i32
      %while3A_144 = arith.divsi %while3A_141, %while3A_143 : i32
      %while3A_145 = arith.muli %while3A_144, %while3A_143 : i32
      %while3A_146 = arith.addi %while3A_139, %while3A_145 : i32
      %while3A_147 = arith.constant 1 : i32
      %while3A_148 = scf.for %while3A_151 = %while3A_139 to %while3A_146 step %while3A_147 iter_args(%while3A_152 = %while3A_140) -> (i32)  : i32 {
        %mul3A_153 = arith.constant 2 : i32
        %mul3A_154 = arith.muli %mul3A_153, %while3A_151 : i32
        %add3A_155 = arith.addi %select_n3A, %mul3A_154 : i32
        %mul3A_156 = arith.constant 4 : i32
        %mul3A_157 = arith.muli %add3A_155, %mul3A_156 : i32
        %get3A_158 = arith.index_cast %mul3A_157 : i32 to index
        %get3A_159 = arith.constant 0 : index
        %get3A_160 = vector.load %arg0[%get3A_158, %get3A_159] : memref<40x128xf32, #tpu.memory_space<vmem>>, vector<4x128xf32>
        %get3A_161 = arith.index_cast %mul3A_157 : i32 to index
        %get3A_162 = arith.constant 0 : index
        %get3A_163 = vector.load %arg1[%get3A_161, %get3A_162] : memref<40x128xf32, #tpu.memory_space<vmem>>, vector<4x128xf32>
        %get3A_164 = arith.index_cast %mul3A_157 : i32 to index
        %get3A_165 = arith.constant 0 : index
        %get3A_166 = vector.load %arg2[%get3A_164, %get3A_165] : memref<40x128xf32, #tpu.memory_space<vmem>>, vector<4x128xf32>
        %get3A_167 = arith.index_cast %mul3A_157 : i32 to index
        %get3A_168 = arith.constant 0 : index
        %get3A_169 = vector.load %arg3[%get3A_167, %get3A_168] : memref<40x128xf32, #tpu.memory_space<vmem>>, vector<4x128xf32>
        %slice3A = vector.extract_strided_slice %get3A_160 {offsets = [0, 0], sizes = [1, 128], strides = [1, 1]} : vector<4x128xf32> to vector<1x128xf32>
        %slice3A_170 = vector.extract_strided_slice %get3A_163 {offsets = [0, 0], sizes = [1, 128], strides = [1, 1]} : vector<4x128xf32> to vector<1x128xf32>
        %slice3A_171 = vector.extract_strided_slice %get3A_166 {offsets = [0, 0], sizes = [1, 128], strides = [1, 1]} : vector<4x128xf32> to vector<1x128xf32>
        %slice3A_172 = vector.extract_strided_slice %get3A_169 {offsets = [0, 0], sizes = [1, 128], strides = [1, 1]} : vector<4x128xf32> to vector<1x128xf32>
        %sub3A_173 = arith.subf %slice3A_171, %slice3A : vector<1x128xf32>
        %sub3A_174 = arith.subf %slice3A_172, %slice3A_170 : vector<1x128xf32>
        %mul3A_175 = arith.mulf %sub3A_173, %sub3A_174 : vector<1x128xf32>
        %max3A_176 = vector.broadcast %broadcast_in_dim3A_28 : vector<128x1xf32> to vector<128x128xf32>
        %max3A_177 = vector.broadcast %slice3A : vector<1x128xf32> to vector<128x128xf32>
        %max3A_178 = arith.maximumf %max3A_176, %max3A_177 : vector<128x128xf32>
        %max3A_179 = vector.broadcast %broadcast_in_dim3A_33 : vector<128x1xf32> to vector<128x128xf32>
        %max3A_180 = vector.broadcast %slice3A_170 : vector<1x128xf32> to vector<128x128xf32>
        %max3A_181 = arith.maximumf %max3A_179, %max3A_180 : vector<128x128xf32>
        %min3A_182 = vector.broadcast %broadcast_in_dim3A_38 : vector<128x1xf32> to vector<128x128xf32>
        %min3A_183 = vector.broadcast %slice3A_171 : vector<1x128xf32> to vector<128x128xf32>
        %min3A_184 = arith.minimumf %min3A_182, %min3A_183 : vector<128x128xf32>
        %min3A_185 = vector.broadcast %broadcast_in_dim3A_43 : vector<128x1xf32> to vector<128x128xf32>
        %min3A_186 = vector.broadcast %slice3A_172 : vector<1x128xf32> to vector<128x128xf32>
        %min3A_187 = arith.minimumf %min3A_185, %min3A_186 : vector<128x128xf32>
        %sub3A_188 = arith.subf %min3A_184, %max3A_178 : vector<128x128xf32>
        %max3A_189 = arith.constant 0.000000e+00 : f32
        %max3A_190 = vector.broadcast %max3A_189 : f32 to vector<128x128xf32>
        %max3A_191 = arith.maximumf %sub3A_188, %max3A_190 : vector<128x128xf32>
        %sub3A_192 = arith.subf %min3A_187, %max3A_181 : vector<128x128xf32>
        %max3A_193 = arith.constant 0.000000e+00 : f32
        %max3A_194 = vector.broadcast %max3A_193 : f32 to vector<128x128xf32>
        %max3A_195 = arith.maximumf %sub3A_192, %max3A_194 : vector<128x128xf32>
        %mul3A_196 = arith.mulf %max3A_191, %max3A_195 : vector<128x128xf32>
        %add3A_197 = vector.broadcast %broadcast_in_dim3A_48 : vector<128x1xf32> to vector<128x128xf32>
        %add3A_198 = vector.broadcast %mul3A_175 : vector<1x128xf32> to vector<128x128xf32>
        %add3A_199 = arith.addf %add3A_197, %add3A_198 : vector<128x128xf32>
        %sub3A_200 = arith.subf %add3A_199, %mul3A_196 : vector<128x128xf32>
        %add3A_201 = arith.constant 9.99999971E-10 : f32
        %add3A_202 = vector.broadcast %add3A_201 : f32 to vector<128x128xf32>
        %add3A_203 = arith.addf %sub3A_200, %add3A_202 : vector<128x128xf32>
        %div3A_204 = arith.divf %mul3A_196, %add3A_203 : vector<128x128xf32>
        %mul3A_205 = vector.broadcast %broadcast_in_dim3A_90 : vector<128x1xf32> to vector<128x128xf32>
        %mul3A_206 = arith.mulf %div3A_204, %mul3A_205 : vector<128x128xf32>
        %reduce_max3A = arith.constant dense<0xFF800000> : vector<128xf32>
        %reduce_max3A_207 = vector.multi_reduction <maximumf>, %mul3A_206, %reduce_max3A [0] : vector<128x128xf32> to vector<128xf32>
        %broadcast_in_dim3A_208 = vector.shape_cast %reduce_max3A_207 : vector<128xf32> to vector<1x128xf32>
        %gt3A_209 = arith.constant 5.000000e-01 : f32
        %gt3A_210 = vector.broadcast %gt3A_209 : f32 to vector<1x128xf32>
        %gt3A_211 = arith.cmpf ogt, %broadcast_in_dim3A_208, %gt3A_210 : vector<1x128xf32>
        %convert_element_type3A_212 = arith.extui %gt3A_211 : vector<1x128xi1> to vector<1x128xi32>
        %convert_element_type3A_213 = arith.sitofp %convert_element_type3A_212 : vector<1x128xi32> to vector<1x128xf32>
        %slice3A_214 = vector.extract_strided_slice %get3A_160 {offsets = [1, 0], sizes = [1, 128], strides = [1, 1]} : vector<4x128xf32> to vector<1x128xf32>
        %slice3A_215 = vector.extract_strided_slice %get3A_163 {offsets = [1, 0], sizes = [1, 128], strides = [1, 1]} : vector<4x128xf32> to vector<1x128xf32>
        %slice3A_216 = vector.extract_strided_slice %get3A_166 {offsets = [1, 0], sizes = [1, 128], strides = [1, 1]} : vector<4x128xf32> to vector<1x128xf32>
        %slice3A_217 = vector.extract_strided_slice %get3A_169 {offsets = [1, 0], sizes = [1, 128], strides = [1, 1]} : vector<4x128xf32> to vector<1x128xf32>
        %sub3A_218 = arith.subf %slice3A_216, %slice3A_214 : vector<1x128xf32>
        %sub3A_219 = arith.subf %slice3A_217, %slice3A_215 : vector<1x128xf32>
        %mul3A_220 = arith.mulf %sub3A_218, %sub3A_219 : vector<1x128xf32>
        %max3A_221 = vector.broadcast %broadcast_in_dim3A_28 : vector<128x1xf32> to vector<128x128xf32>
        %max3A_222 = vector.broadcast %slice3A_214 : vector<1x128xf32> to vector<128x128xf32>
        %max3A_223 = arith.maximumf %max3A_221, %max3A_222 : vector<128x128xf32>
        %max3A_224 = vector.broadcast %broadcast_in_dim3A_33 : vector<128x1xf32> to vector<128x128xf32>
        %max3A_225 = vector.broadcast %slice3A_215 : vector<1x128xf32> to vector<128x128xf32>
        %max3A_226 = arith.maximumf %max3A_224, %max3A_225 : vector<128x128xf32>
        %min3A_227 = vector.broadcast %broadcast_in_dim3A_38 : vector<128x1xf32> to vector<128x128xf32>
        %min3A_228 = vector.broadcast %slice3A_216 : vector<1x128xf32> to vector<128x128xf32>
        %min3A_229 = arith.minimumf %min3A_227, %min3A_228 : vector<128x128xf32>
        %min3A_230 = vector.broadcast %broadcast_in_dim3A_43 : vector<128x1xf32> to vector<128x128xf32>
        %min3A_231 = vector.broadcast %slice3A_217 : vector<1x128xf32> to vector<128x128xf32>
        %min3A_232 = arith.minimumf %min3A_230, %min3A_231 : vector<128x128xf32>
        %sub3A_233 = arith.subf %min3A_229, %max3A_223 : vector<128x128xf32>
        %max3A_234 = arith.constant 0.000000e+00 : f32
        %max3A_235 = vector.broadcast %max3A_234 : f32 to vector<128x128xf32>
        %max3A_236 = arith.maximumf %sub3A_233, %max3A_235 : vector<128x128xf32>
        %sub3A_237 = arith.subf %min3A_232, %max3A_226 : vector<128x128xf32>
        %max3A_238 = arith.constant 0.000000e+00 : f32
        %max3A_239 = vector.broadcast %max3A_238 : f32 to vector<128x128xf32>
        %max3A_240 = arith.maximumf %sub3A_237, %max3A_239 : vector<128x128xf32>
        %mul3A_241 = arith.mulf %max3A_236, %max3A_240 : vector<128x128xf32>
        %add3A_242 = vector.broadcast %broadcast_in_dim3A_48 : vector<128x1xf32> to vector<128x128xf32>
        %add3A_243 = vector.broadcast %mul3A_220 : vector<1x128xf32> to vector<128x128xf32>
        %add3A_244 = arith.addf %add3A_242, %add3A_243 : vector<128x128xf32>
        %sub3A_245 = arith.subf %add3A_244, %mul3A_241 : vector<128x128xf32>
        %add3A_246 = arith.constant 9.99999971E-10 : f32
        %add3A_247 = vector.broadcast %add3A_246 : f32 to vector<128x128xf32>
        %add3A_248 = arith.addf %sub3A_245, %add3A_247 : vector<128x128xf32>
        %div3A_249 = arith.divf %mul3A_241, %add3A_248 : vector<128x128xf32>
        %mul3A_250 = vector.broadcast %broadcast_in_dim3A_90 : vector<128x1xf32> to vector<128x128xf32>
        %mul3A_251 = arith.mulf %div3A_249, %mul3A_250 : vector<128x128xf32>
        %reduce_max3A_252 = arith.constant dense<0xFF800000> : vector<128xf32>
        %reduce_max3A_253 = vector.multi_reduction <maximumf>, %mul3A_251, %reduce_max3A_252 [0] : vector<128x128xf32> to vector<128xf32>
        %broadcast_in_dim3A_254 = vector.shape_cast %reduce_max3A_253 : vector<128xf32> to vector<1x128xf32>
        %gt3A_255 = arith.constant 5.000000e-01 : f32
        %gt3A_256 = vector.broadcast %gt3A_255 : f32 to vector<1x128xf32>
        %gt3A_257 = arith.cmpf ogt, %broadcast_in_dim3A_254, %gt3A_256 : vector<1x128xf32>
        %convert_element_type3A_258 = arith.extui %gt3A_257 : vector<1x128xi1> to vector<1x128xi32>
        %convert_element_type3A_259 = arith.sitofp %convert_element_type3A_258 : vector<1x128xi32> to vector<1x128xf32>
        %slice3A_260 = vector.extract_strided_slice %get3A_160 {offsets = [2, 0], sizes = [1, 128], strides = [1, 1]} : vector<4x128xf32> to vector<1x128xf32>
        %slice3A_261 = vector.extract_strided_slice %get3A_163 {offsets = [2, 0], sizes = [1, 128], strides = [1, 1]} : vector<4x128xf32> to vector<1x128xf32>
        %slice3A_262 = vector.extract_strided_slice %get3A_166 {offsets = [2, 0], sizes = [1, 128], strides = [1, 1]} : vector<4x128xf32> to vector<1x128xf32>
        %slice3A_263 = vector.extract_strided_slice %get3A_169 {offsets = [2, 0], sizes = [1, 128], strides = [1, 1]} : vector<4x128xf32> to vector<1x128xf32>
        %sub3A_264 = arith.subf %slice3A_262, %slice3A_260 : vector<1x128xf32>
        %sub3A_265 = arith.subf %slice3A_263, %slice3A_261 : vector<1x128xf32>
        %mul3A_266 = arith.mulf %sub3A_264, %sub3A_265 : vector<1x128xf32>
        %max3A_267 = vector.broadcast %broadcast_in_dim3A_28 : vector<128x1xf32> to vector<128x128xf32>
        %max3A_268 = vector.broadcast %slice3A_260 : vector<1x128xf32> to vector<128x128xf32>
        %max3A_269 = arith.maximumf %max3A_267, %max3A_268 : vector<128x128xf32>
        %max3A_270 = vector.broadcast %broadcast_in_dim3A_33 : vector<128x1xf32> to vector<128x128xf32>
        %max3A_271 = vector.broadcast %slice3A_261 : vector<1x128xf32> to vector<128x128xf32>
        %max3A_272 = arith.maximumf %max3A_270, %max3A_271 : vector<128x128xf32>
        %min3A_273 = vector.broadcast %broadcast_in_dim3A_38 : vector<128x1xf32> to vector<128x128xf32>
        %min3A_274 = vector.broadcast %slice3A_262 : vector<1x128xf32> to vector<128x128xf32>
        %min3A_275 = arith.minimumf %min3A_273, %min3A_274 : vector<128x128xf32>
        %min3A_276 = vector.broadcast %broadcast_in_dim3A_43 : vector<128x1xf32> to vector<128x128xf32>
        %min3A_277 = vector.broadcast %slice3A_263 : vector<1x128xf32> to vector<128x128xf32>
        %min3A_278 = arith.minimumf %min3A_276, %min3A_277 : vector<128x128xf32>
        %sub3A_279 = arith.subf %min3A_275, %max3A_269 : vector<128x128xf32>
        %max3A_280 = arith.constant 0.000000e+00 : f32
        %max3A_281 = vector.broadcast %max3A_280 : f32 to vector<128x128xf32>
        %max3A_282 = arith.maximumf %sub3A_279, %max3A_281 : vector<128x128xf32>
        %sub3A_283 = arith.subf %min3A_278, %max3A_272 : vector<128x128xf32>
        %max3A_284 = arith.constant 0.000000e+00 : f32
        %max3A_285 = vector.broadcast %max3A_284 : f32 to vector<128x128xf32>
        %max3A_286 = arith.maximumf %sub3A_283, %max3A_285 : vector<128x128xf32>
        %mul3A_287 = arith.mulf %max3A_282, %max3A_286 : vector<128x128xf32>
        %add3A_288 = vector.broadcast %broadcast_in_dim3A_48 : vector<128x1xf32> to vector<128x128xf32>
        %add3A_289 = vector.broadcast %mul3A_266 : vector<1x128xf32> to vector<128x128xf32>
        %add3A_290 = arith.addf %add3A_288, %add3A_289 : vector<128x128xf32>
        %sub3A_291 = arith.subf %add3A_290, %mul3A_287 : vector<128x128xf32>
        %add3A_292 = arith.constant 9.99999971E-10 : f32
        %add3A_293 = vector.broadcast %add3A_292 : f32 to vector<128x128xf32>
        %add3A_294 = arith.addf %sub3A_291, %add3A_293 : vector<128x128xf32>
        %div3A_295 = arith.divf %mul3A_287, %add3A_294 : vector<128x128xf32>
        %mul3A_296 = vector.broadcast %broadcast_in_dim3A_90 : vector<128x1xf32> to vector<128x128xf32>
        %mul3A_297 = arith.mulf %div3A_295, %mul3A_296 : vector<128x128xf32>
        %reduce_max3A_298 = arith.constant dense<0xFF800000> : vector<128xf32>
        %reduce_max3A_299 = vector.multi_reduction <maximumf>, %mul3A_297, %reduce_max3A_298 [0] : vector<128x128xf32> to vector<128xf32>
        %broadcast_in_dim3A_300 = vector.shape_cast %reduce_max3A_299 : vector<128xf32> to vector<1x128xf32>
        %gt3A_301 = arith.constant 5.000000e-01 : f32
        %gt3A_302 = vector.broadcast %gt3A_301 : f32 to vector<1x128xf32>
        %gt3A_303 = arith.cmpf ogt, %broadcast_in_dim3A_300, %gt3A_302 : vector<1x128xf32>
        %convert_element_type3A_304 = arith.extui %gt3A_303 : vector<1x128xi1> to vector<1x128xi32>
        %convert_element_type3A_305 = arith.sitofp %convert_element_type3A_304 : vector<1x128xi32> to vector<1x128xf32>
        %slice3A_306 = vector.extract_strided_slice %get3A_160 {offsets = [3, 0], sizes = [1, 128], strides = [1, 1]} : vector<4x128xf32> to vector<1x128xf32>
        %slice3A_307 = vector.extract_strided_slice %get3A_163 {offsets = [3, 0], sizes = [1, 128], strides = [1, 1]} : vector<4x128xf32> to vector<1x128xf32>
        %slice3A_308 = vector.extract_strided_slice %get3A_166 {offsets = [3, 0], sizes = [1, 128], strides = [1, 1]} : vector<4x128xf32> to vector<1x128xf32>
        %slice3A_309 = vector.extract_strided_slice %get3A_169 {offsets = [3, 0], sizes = [1, 128], strides = [1, 1]} : vector<4x128xf32> to vector<1x128xf32>
        %sub3A_310 = arith.subf %slice3A_308, %slice3A_306 : vector<1x128xf32>
        %sub3A_311 = arith.subf %slice3A_309, %slice3A_307 : vector<1x128xf32>
        %mul3A_312 = arith.mulf %sub3A_310, %sub3A_311 : vector<1x128xf32>
        %max3A_313 = vector.broadcast %broadcast_in_dim3A_28 : vector<128x1xf32> to vector<128x128xf32>
        %max3A_314 = vector.broadcast %slice3A_306 : vector<1x128xf32> to vector<128x128xf32>
        %max3A_315 = arith.maximumf %max3A_313, %max3A_314 : vector<128x128xf32>
        %max3A_316 = vector.broadcast %broadcast_in_dim3A_33 : vector<128x1xf32> to vector<128x128xf32>
        %max3A_317 = vector.broadcast %slice3A_307 : vector<1x128xf32> to vector<128x128xf32>
        %max3A_318 = arith.maximumf %max3A_316, %max3A_317 : vector<128x128xf32>
        %min3A_319 = vector.broadcast %broadcast_in_dim3A_38 : vector<128x1xf32> to vector<128x128xf32>
        %min3A_320 = vector.broadcast %slice3A_308 : vector<1x128xf32> to vector<128x128xf32>
        %min3A_321 = arith.minimumf %min3A_319, %min3A_320 : vector<128x128xf32>
        %min3A_322 = vector.broadcast %broadcast_in_dim3A_43 : vector<128x1xf32> to vector<128x128xf32>
        %min3A_323 = vector.broadcast %slice3A_309 : vector<1x128xf32> to vector<128x128xf32>
        %min3A_324 = arith.minimumf %min3A_322, %min3A_323 : vector<128x128xf32>
        %sub3A_325 = arith.subf %min3A_321, %max3A_315 : vector<128x128xf32>
        %max3A_326 = arith.constant 0.000000e+00 : f32
        %max3A_327 = vector.broadcast %max3A_326 : f32 to vector<128x128xf32>
        %max3A_328 = arith.maximumf %sub3A_325, %max3A_327 : vector<128x128xf32>
        %sub3A_329 = arith.subf %min3A_324, %max3A_318 : vector<128x128xf32>
        %max3A_330 = arith.constant 0.000000e+00 : f32
        %max3A_331 = vector.broadcast %max3A_330 : f32 to vector<128x128xf32>
        %max3A_332 = arith.maximumf %sub3A_329, %max3A_331 : vector<128x128xf32>
        %mul3A_333 = arith.mulf %max3A_328, %max3A_332 : vector<128x128xf32>
        %add3A_334 = vector.broadcast %broadcast_in_dim3A_48 : vector<128x1xf32> to vector<128x128xf32>
        %add3A_335 = vector.broadcast %mul3A_312 : vector<1x128xf32> to vector<128x128xf32>
        %add3A_336 = arith.addf %add3A_334, %add3A_335 : vector<128x128xf32>
        %sub3A_337 = arith.subf %add3A_336, %mul3A_333 : vector<128x128xf32>
        %add3A_338 = arith.constant 9.99999971E-10 : f32
        %add3A_339 = vector.broadcast %add3A_338 : f32 to vector<128x128xf32>
        %add3A_340 = arith.addf %sub3A_337, %add3A_339 : vector<128x128xf32>
        %div3A_341 = arith.divf %mul3A_333, %add3A_340 : vector<128x128xf32>
        %mul3A_342 = vector.broadcast %broadcast_in_dim3A_90 : vector<128x1xf32> to vector<128x128xf32>
        %mul3A_343 = arith.mulf %div3A_341, %mul3A_342 : vector<128x128xf32>
        %reduce_max3A_344 = arith.constant dense<0xFF800000> : vector<128xf32>
        %reduce_max3A_345 = vector.multi_reduction <maximumf>, %mul3A_343, %reduce_max3A_344 [0] : vector<128x128xf32> to vector<128xf32>
        %broadcast_in_dim3A_346 = vector.shape_cast %reduce_max3A_345 : vector<128xf32> to vector<1x128xf32>
        %gt3A_347 = arith.constant 5.000000e-01 : f32
        %gt3A_348 = vector.broadcast %gt3A_347 : f32 to vector<1x128xf32>
        %gt3A_349 = arith.cmpf ogt, %broadcast_in_dim3A_346, %gt3A_348 : vector<1x128xf32>
        %convert_element_type3A_350 = arith.extui %gt3A_349 : vector<1x128xi1> to vector<1x128xi32>
        %convert_element_type3A_351 = arith.sitofp %convert_element_type3A_350 : vector<1x128xi32> to vector<1x128xf32>
        %concatenate3A = tpu.concatenate %convert_element_type3A_213, %convert_element_type3A_259, %convert_element_type3A_305, %convert_element_type3A_351 in 0 : vector<1x128xf32>, vector<1x128xf32>, vector<1x128xf32>, vector<1x128xf32> -> vector<4x128xf32>
        %add3A_352 = vector.broadcast %mul3A_157 : i32 to vector<4x1xi32>
        %add3A_353 = arith.addi %add3A_352, %iota3A_4 : vector<4x1xi32>
        %gt3A_354 = vector.broadcast %scan3A_12 : i32 to vector<4x1xi32>
        %gt3A_355 = arith.cmpi sgt, %add3A_353, %gt3A_354 : vector<4x1xi32>
        %convert_element_type3A_356 = arith.extui %gt3A_355 : vector<4x1xi1> to vector<4x1xi32>
        %convert_element_type3A_357 = arith.sitofp %convert_element_type3A_356 : vector<4x1xi32> to vector<4x1xf32>
        %get3A_358 = arith.index_cast %mul3A_157 : i32 to index
        %get3A_359 = arith.constant 0 : index
        %get3A_360 = vector.load %arg4[%get3A_358, %get3A_359] : memref<40x128xf32, #tpu.memory_space<vmem>>, vector<4x128xf32>
        %mul3A_361 = vector.broadcast %convert_element_type3A_357 : vector<4x1xf32> to vector<4x128xf32>
        %mul3A_362 = arith.mulf %concatenate3A, %mul3A_361 : vector<4x128xf32>
        %sub3A_363 = arith.constant 1.000000e+00 : f32
        %sub3A_364 = vector.broadcast %sub3A_363 : f32 to vector<4x128xf32>
        %sub3A_365 = arith.subf %sub3A_364, %mul3A_362 : vector<4x128xf32>
        %mul3A_366 = arith.mulf %get3A_360, %sub3A_365 : vector<4x128xf32>
        %swap3A_367 = arith.index_cast %mul3A_157 : i32 to index
        %swap3A_368 = arith.constant 0 : index
        %swap3A_369 = vector.load %arg4[%swap3A_367, %swap3A_368] : memref<40x128xf32, #tpu.memory_space<vmem>>, vector<4x128xf32>
        tpu.vector_store %arg4[%swap3A_367, %swap3A_368], %mul3A_366 {strides = array<i32>} : memref<40x128xf32, #tpu.memory_space<vmem>>, vector<4x128xf32>,
        %add3A_370 = arith.constant 1 : i32
        %add3A_371 = arith.addi %add3A_155, %add3A_370 : i32
        %min3A_372 = arith.constant 9 : i32
        %min3A_373 = arith.minsi %add3A_371, %min3A_372 : i32
        %mul3A_374 = arith.constant 4 : i32
        %mul3A_375 = arith.muli %min3A_373, %mul3A_374 : i32
        %get3A_376 = arith.index_cast %mul3A_375 : i32 to index
        %get3A_377 = arith.constant 0 : index
        %get3A_378 = vector.load %arg0[%get3A_376, %get3A_377] : memref<40x128xf32, #tpu.memory_space<vmem>>, vector<4x128xf32>
        %get3A_379 = arith.index_cast %mul3A_375 : i32 to index
        %get3A_380 = arith.constant 0 : index
        %get3A_381 = vector.load %arg1[%get3A_379, %get3A_380] : memref<40x128xf32, #tpu.memory_space<vmem>>, vector<4x128xf32>
        %get3A_382 = arith.index_cast %mul3A_375 : i32 to index
        %get3A_383 = arith.constant 0 : index
        %get3A_384 = vector.load %arg2[%get3A_382, %get3A_383] : memref<40x128xf32, #tpu.memory_space<vmem>>, vector<4x128xf32>
        %get3A_385 = arith.index_cast %mul3A_375 : i32 to index
        %get3A_386 = arith.constant 0 : index
        %get3A_387 = vector.load %arg3[%get3A_385, %get3A_386] : memref<40x128xf32, #tpu.memory_space<vmem>>, vector<4x128xf32>
        %slice3A_388 = vector.extract_strided_slice %get3A_378 {offsets = [0, 0], sizes = [1, 128], strides = [1, 1]} : vector<4x128xf32> to vector<1x128xf32>
        %slice3A_389 = vector.extract_strided_slice %get3A_381 {offsets = [0, 0], sizes = [1, 128], strides = [1, 1]} : vector<4x128xf32> to vector<1x128xf32>
        %slice3A_390 = vector.extract_strided_slice %get3A_384 {offsets = [0, 0], sizes = [1, 128], strides = [1, 1]} : vector<4x128xf32> to vector<1x128xf32>
        %slice3A_391 = vector.extract_strided_slice %get3A_387 {offsets = [0, 0], sizes = [1, 128], strides = [1, 1]} : vector<4x128xf32> to vector<1x128xf32>
        %sub3A_392 = arith.subf %slice3A_390, %slice3A_388 : vector<1x128xf32>
        %sub3A_393 = arith.subf %slice3A_391, %slice3A_389 : vector<1x128xf32>
        %mul3A_394 = arith.mulf %sub3A_392, %sub3A_393 : vector<1x128xf32>
        %max3A_395 = vector.broadcast %broadcast_in_dim3A_28 : vector<128x1xf32> to vector<128x128xf32>
        %max3A_396 = vector.broadcast %slice3A_388 : vector<1x128xf32> to vector<128x128xf32>
        %max3A_397 = arith.maximumf %max3A_395, %max3A_396 : vector<128x128xf32>
        %max3A_398 = vector.broadcast %broadcast_in_dim3A_33 : vector<128x1xf32> to vector<128x128xf32>
        %max3A_399 = vector.broadcast %slice3A_389 : vector<1x128xf32> to vector<128x128xf32>
        %max3A_400 = arith.maximumf %max3A_398, %max3A_399 : vector<128x128xf32>
        %min3A_401 = vector.broadcast %broadcast_in_dim3A_38 : vector<128x1xf32> to vector<128x128xf32>
        %min3A_402 = vector.broadcast %slice3A_390 : vector<1x128xf32> to vector<128x128xf32>
        %min3A_403 = arith.minimumf %min3A_401, %min3A_402 : vector<128x128xf32>
        %min3A_404 = vector.broadcast %broadcast_in_dim3A_43 : vector<128x1xf32> to vector<128x128xf32>
        %min3A_405 = vector.broadcast %slice3A_391 : vector<1x128xf32> to vector<128x128xf32>
        %min3A_406 = arith.minimumf %min3A_404, %min3A_405 : vector<128x128xf32>
        %sub3A_407 = arith.subf %min3A_403, %max3A_397 : vector<128x128xf32>
        %max3A_408 = arith.constant 0.000000e+00 : f32
        %max3A_409 = vector.broadcast %max3A_408 : f32 to vector<128x128xf32>
        %max3A_410 = arith.maximumf %sub3A_407, %max3A_409 : vector<128x128xf32>
        %sub3A_411 = arith.subf %min3A_406, %max3A_400 : vector<128x128xf32>
        %max3A_412 = arith.constant 0.000000e+00 : f32
        %max3A_413 = vector.broadcast %max3A_412 : f32 to vector<128x128xf32>
        %max3A_414 = arith.maximumf %sub3A_411, %max3A_413 : vector<128x128xf32>
        %mul3A_415 = arith.mulf %max3A_410, %max3A_414 : vector<128x128xf32>
        %add3A_416 = vector.broadcast %broadcast_in_dim3A_48 : vector<128x1xf32> to vector<128x128xf32>
        %add3A_417 = vector.broadcast %mul3A_394 : vector<1x128xf32> to vector<128x128xf32>
        %add3A_418 = arith.addf %add3A_416, %add3A_417 : vector<128x128xf32>
        %sub3A_419 = arith.subf %add3A_418, %mul3A_415 : vector<128x128xf32>
        %add3A_420 = arith.constant 9.99999971E-10 : f32
        %add3A_421 = vector.broadcast %add3A_420 : f32 to vector<128x128xf32>
        %add3A_422 = arith.addf %sub3A_419, %add3A_421 : vector<128x128xf32>
        %div3A_423 = arith.divf %mul3A_415, %add3A_422 : vector<128x128xf32>
        %mul3A_424 = vector.broadcast %broadcast_in_dim3A_90 : vector<128x1xf32> to vector<128x128xf32>
        %mul3A_425 = arith.mulf %div3A_423, %mul3A_424 : vector<128x128xf32>
        %reduce_max3A_426 = arith.constant dense<0xFF800000> : vector<128xf32>
        %reduce_max3A_427 = vector.multi_reduction <maximumf>, %mul3A_425, %reduce_max3A_426 [0] : vector<128x128xf32> to vector<128xf32>
        %broadcast_in_dim3A_428 = vector.shape_cast %reduce_max3A_427 : vector<128xf32> to vector<1x128xf32>
        %gt3A_429 = arith.constant 5.000000e-01 : f32
        %gt3A_430 = vector.broadcast %gt3A_429 : f32 to vector<1x128xf32>
        %gt3A_431 = arith.cmpf ogt, %broadcast_in_dim3A_428, %gt3A_430 : vector<1x128xf32>
        %convert_element_type3A_432 = arith.extui %gt3A_431 : vector<1x128xi1> to vector<1x128xi32>
        %convert_element_type3A_433 = arith.sitofp %convert_element_type3A_432 : vector<1x128xi32> to vector<1x128xf32>
        %slice3A_434 = vector.extract_strided_slice %get3A_378 {offsets = [1, 0], sizes = [1, 128], strides = [1, 1]} : vector<4x128xf32> to vector<1x128xf32>
        %slice3A_435 = vector.extract_strided_slice %get3A_381 {offsets = [1, 0], sizes = [1, 128], strides = [1, 1]} : vector<4x128xf32> to vector<1x128xf32>
        %slice3A_436 = vector.extract_strided_slice %get3A_384 {offsets = [1, 0], sizes = [1, 128], strides = [1, 1]} : vector<4x128xf32> to vector<1x128xf32>
        %slice3A_437 = vector.extract_strided_slice %get3A_387 {offsets = [1, 0], sizes = [1, 128], strides = [1, 1]} : vector<4x128xf32> to vector<1x128xf32>
        %sub3A_438 = arith.subf %slice3A_436, %slice3A_434 : vector<1x128xf32>
        %sub3A_439 = arith.subf %slice3A_437, %slice3A_435 : vector<1x128xf32>
        %mul3A_440 = arith.mulf %sub3A_438, %sub3A_439 : vector<1x128xf32>
        %max3A_441 = vector.broadcast %broadcast_in_dim3A_28 : vector<128x1xf32> to vector<128x128xf32>
        %max3A_442 = vector.broadcast %slice3A_434 : vector<1x128xf32> to vector<128x128xf32>
        %max3A_443 = arith.maximumf %max3A_441, %max3A_442 : vector<128x128xf32>
        %max3A_444 = vector.broadcast %broadcast_in_dim3A_33 : vector<128x1xf32> to vector<128x128xf32>
        %max3A_445 = vector.broadcast %slice3A_435 : vector<1x128xf32> to vector<128x128xf32>
        %max3A_446 = arith.maximumf %max3A_444, %max3A_445 : vector<128x128xf32>
        %min3A_447 = vector.broadcast %broadcast_in_dim3A_38 : vector<128x1xf32> to vector<128x128xf32>
        %min3A_448 = vector.broadcast %slice3A_436 : vector<1x128xf32> to vector<128x128xf32>
        %min3A_449 = arith.minimumf %min3A_447, %min3A_448 : vector<128x128xf32>
        %min3A_450 = vector.broadcast %broadcast_in_dim3A_43 : vector<128x1xf32> to vector<128x128xf32>
        %min3A_451 = vector.broadcast %slice3A_437 : vector<1x128xf32> to vector<128x128xf32>
        %min3A_452 = arith.minimumf %min3A_450, %min3A_451 : vector<128x128xf32>
        %sub3A_453 = arith.subf %min3A_449, %max3A_443 : vector<128x128xf32>
        %max3A_454 = arith.constant 0.000000e+00 : f32
        %max3A_455 = vector.broadcast %max3A_454 : f32 to vector<128x128xf32>
        %max3A_456 = arith.maximumf %sub3A_453, %max3A_455 : vector<128x128xf32>
        %sub3A_457 = arith.subf %min3A_452, %max3A_446 : vector<128x128xf32>
        %max3A_458 = arith.constant 0.000000e+00 : f32
        %max3A_459 = vector.broadcast %max3A_458 : f32 to vector<128x128xf32>
        %max3A_460 = arith.maximumf %sub3A_457, %max3A_459 : vector<128x128xf32>
        %mul3A_461 = arith.mulf %max3A_456, %max3A_460 : vector<128x128xf32>
        %add3A_462 = vector.broadcast %broadcast_in_dim3A_48 : vector<128x1xf32> to vector<128x128xf32>
        %add3A_463 = vector.broadcast %mul3A_440 : vector<1x128xf32> to vector<128x128xf32>
        %add3A_464 = arith.addf %add3A_462, %add3A_463 : vector<128x128xf32>
        %sub3A_465 = arith.subf %add3A_464, %mul3A_461 : vector<128x128xf32>
        %add3A_466 = arith.constant 9.99999971E-10 : f32
        %add3A_467 = vector.broadcast %add3A_466 : f32 to vector<128x128xf32>
        %add3A_468 = arith.addf %sub3A_465, %add3A_467 : vector<128x128xf32>
        %div3A_469 = arith.divf %mul3A_461, %add3A_468 : vector<128x128xf32>
        %mul3A_470 = vector.broadcast %broadcast_in_dim3A_90 : vector<128x1xf32> to vector<128x128xf32>
        %mul3A_471 = arith.mulf %div3A_469, %mul3A_470 : vector<128x128xf32>
        %reduce_max3A_472 = arith.constant dense<0xFF800000> : vector<128xf32>
        %reduce_max3A_473 = vector.multi_reduction <maximumf>, %mul3A_471, %reduce_max3A_472 [0] : vector<128x128xf32> to vector<128xf32>
        %broadcast_in_dim3A_474 = vector.shape_cast %reduce_max3A_473 : vector<128xf32> to vector<1x128xf32>
        %gt3A_475 = arith.constant 5.000000e-01 : f32
        %gt3A_476 = vector.broadcast %gt3A_475 : f32 to vector<1x128xf32>
        %gt3A_477 = arith.cmpf ogt, %broadcast_in_dim3A_474, %gt3A_476 : vector<1x128xf32>
        %convert_element_type3A_478 = arith.extui %gt3A_477 : vector<1x128xi1> to vector<1x128xi32>
        %convert_element_type3A_479 = arith.sitofp %convert_element_type3A_478 : vector<1x128xi32> to vector<1x128xf32>
        %slice3A_480 = vector.extract_strided_slice %get3A_378 {offsets = [2, 0], sizes = [1, 128], strides = [1, 1]} : vector<4x128xf32> to vector<1x128xf32>
        %slice3A_481 = vector.extract_strided_slice %get3A_381 {offsets = [2, 0], sizes = [1, 128], strides = [1, 1]} : vector<4x128xf32> to vector<1x128xf32>
        %slice3A_482 = vector.extract_strided_slice %get3A_384 {offsets = [2, 0], sizes = [1, 128], strides = [1, 1]} : vector<4x128xf32> to vector<1x128xf32>
        %slice3A_483 = vector.extract_strided_slice %get3A_387 {offsets = [2, 0], sizes = [1, 128], strides = [1, 1]} : vector<4x128xf32> to vector<1x128xf32>
        %sub3A_484 = arith.subf %slice3A_482, %slice3A_480 : vector<1x128xf32>
        %sub3A_485 = arith.subf %slice3A_483, %slice3A_481 : vector<1x128xf32>
        %mul3A_486 = arith.mulf %sub3A_484, %sub3A_485 : vector<1x128xf32>
        %max3A_487 = vector.broadcast %broadcast_in_dim3A_28 : vector<128x1xf32> to vector<128x128xf32>
        %max3A_488 = vector.broadcast %slice3A_480 : vector<1x128xf32> to vector<128x128xf32>
        %max3A_489 = arith.maximumf %max3A_487, %max3A_488 : vector<128x128xf32>
        %max3A_490 = vector.broadcast %broadcast_in_dim3A_33 : vector<128x1xf32> to vector<128x128xf32>
        %max3A_491 = vector.broadcast %slice3A_481 : vector<1x128xf32> to vector<128x128xf32>
        %max3A_492 = arith.maximumf %max3A_490, %max3A_491 : vector<128x128xf32>
        %min3A_493 = vector.broadcast %broadcast_in_dim3A_38 : vector<128x1xf32> to vector<128x128xf32>
        %min3A_494 = vector.broadcast %slice3A_482 : vector<1x128xf32> to vector<128x128xf32>
        %min3A_495 = arith.minimumf %min3A_493, %min3A_494 : vector<128x128xf32>
        %min3A_496 = vector.broadcast %broadcast_in_dim3A_43 : vector<128x1xf32> to vector<128x128xf32>
        %min3A_497 = vector.broadcast %slice3A_483 : vector<1x128xf32> to vector<128x128xf32>
        %min3A_498 = arith.minimumf %min3A_496, %min3A_497 : vector<128x128xf32>
        %sub3A_499 = arith.subf %min3A_495, %max3A_489 : vector<128x128xf32>
        %max3A_500 = arith.constant 0.000000e+00 : f32
        %max3A_501 = vector.broadcast %max3A_500 : f32 to vector<128x128xf32>
        %max3A_502 = arith.maximumf %sub3A_499, %max3A_501 : vector<128x128xf32>
        %sub3A_503 = arith.subf %min3A_498, %max3A_492 : vector<128x128xf32>
        %max3A_504 = arith.constant 0.000000e+00 : f32
        %max3A_505 = vector.broadcast %max3A_504 : f32 to vector<128x128xf32>
        %max3A_506 = arith.maximumf %sub3A_503, %max3A_505 : vector<128x128xf32>
        %mul3A_507 = arith.mulf %max3A_502, %max3A_506 : vector<128x128xf32>
        %add3A_508 = vector.broadcast %broadcast_in_dim3A_48 : vector<128x1xf32> to vector<128x128xf32>
        %add3A_509 = vector.broadcast %mul3A_486 : vector<1x128xf32> to vector<128x128xf32>
        %add3A_510 = arith.addf %add3A_508, %add3A_509 : vector<128x128xf32>
        %sub3A_511 = arith.subf %add3A_510, %mul3A_507 : vector<128x128xf32>
        %add3A_512 = arith.constant 9.99999971E-10 : f32
        %add3A_513 = vector.broadcast %add3A_512 : f32 to vector<128x128xf32>
        %add3A_514 = arith.addf %sub3A_511, %add3A_513 : vector<128x128xf32>
        %div3A_515 = arith.divf %mul3A_507, %add3A_514 : vector<128x128xf32>
        %mul3A_516 = vector.broadcast %broadcast_in_dim3A_90 : vector<128x1xf32> to vector<128x128xf32>
        %mul3A_517 = arith.mulf %div3A_515, %mul3A_516 : vector<128x128xf32>
        %reduce_max3A_518 = arith.constant dense<0xFF800000> : vector<128xf32>
        %reduce_max3A_519 = vector.multi_reduction <maximumf>, %mul3A_517, %reduce_max3A_518 [0] : vector<128x128xf32> to vector<128xf32>
        %broadcast_in_dim3A_520 = vector.shape_cast %reduce_max3A_519 : vector<128xf32> to vector<1x128xf32>
        %gt3A_521 = arith.constant 5.000000e-01 : f32
        %gt3A_522 = vector.broadcast %gt3A_521 : f32 to vector<1x128xf32>
        %gt3A_523 = arith.cmpf ogt, %broadcast_in_dim3A_520, %gt3A_522 : vector<1x128xf32>
        %convert_element_type3A_524 = arith.extui %gt3A_523 : vector<1x128xi1> to vector<1x128xi32>
        %convert_element_type3A_525 = arith.sitofp %convert_element_type3A_524 : vector<1x128xi32> to vector<1x128xf32>
        %slice3A_526 = vector.extract_strided_slice %get3A_378 {offsets = [3, 0], sizes = [1, 128], strides = [1, 1]} : vector<4x128xf32> to vector<1x128xf32>
        %slice3A_527 = vector.extract_strided_slice %get3A_381 {offsets = [3, 0], sizes = [1, 128], strides = [1, 1]} : vector<4x128xf32> to vector<1x128xf32>
        %slice3A_528 = vector.extract_strided_slice %get3A_384 {offsets = [3, 0], sizes = [1, 128], strides = [1, 1]} : vector<4x128xf32> to vector<1x128xf32>
        %slice3A_529 = vector.extract_strided_slice %get3A_387 {offsets = [3, 0], sizes = [1, 128], strides = [1, 1]} : vector<4x128xf32> to vector<1x128xf32>
        %sub3A_530 = arith.subf %slice3A_528, %slice3A_526 : vector<1x128xf32>
        %sub3A_531 = arith.subf %slice3A_529, %slice3A_527 : vector<1x128xf32>
        %mul3A_532 = arith.mulf %sub3A_530, %sub3A_531 : vector<1x128xf32>
        %max3A_533 = vector.broadcast %broadcast_in_dim3A_28 : vector<128x1xf32> to vector<128x128xf32>
        %max3A_534 = vector.broadcast %slice3A_526 : vector<1x128xf32> to vector<128x128xf32>
        %max3A_535 = arith.maximumf %max3A_533, %max3A_534 : vector<128x128xf32>
        %max3A_536 = vector.broadcast %broadcast_in_dim3A_33 : vector<128x1xf32> to vector<128x128xf32>
        %max3A_537 = vector.broadcast %slice3A_527 : vector<1x128xf32> to vector<128x128xf32>
        %max3A_538 = arith.maximumf %max3A_536, %max3A_537 : vector<128x128xf32>
        %min3A_539 = vector.broadcast %broadcast_in_dim3A_38 : vector<128x1xf32> to vector<128x128xf32>
        %min3A_540 = vector.broadcast %slice3A_528 : vector<1x128xf32> to vector<128x128xf32>
        %min3A_541 = arith.minimumf %min3A_539, %min3A_540 : vector<128x128xf32>
        %min3A_542 = vector.broadcast %broadcast_in_dim3A_43 : vector<128x1xf32> to vector<128x128xf32>
        %min3A_543 = vector.broadcast %slice3A_529 : vector<1x128xf32> to vector<128x128xf32>
        %min3A_544 = arith.minimumf %min3A_542, %min3A_543 : vector<128x128xf32>
        %sub3A_545 = arith.subf %min3A_541, %max3A_535 : vector<128x128xf32>
        %max3A_546 = arith.constant 0.000000e+00 : f32
        %max3A_547 = vector.broadcast %max3A_546 : f32 to vector<128x128xf32>
        %max3A_548 = arith.maximumf %sub3A_545, %max3A_547 : vector<128x128xf32>
        %sub3A_549 = arith.subf %min3A_544, %max3A_538 : vector<128x128xf32>
        %max3A_550 = arith.constant 0.000000e+00 : f32
        %max3A_551 = vector.broadcast %max3A_550 : f32 to vector<128x128xf32>
        %max3A_552 = arith.maximumf %sub3A_549, %max3A_551 : vector<128x128xf32>
        %mul3A_553 = arith.mulf %max3A_548, %max3A_552 : vector<128x128xf32>
        %add3A_554 = vector.broadcast %broadcast_in_dim3A_48 : vector<128x1xf32> to vector<128x128xf32>
        %add3A_555 = vector.broadcast %mul3A_532 : vector<1x128xf32> to vector<128x128xf32>
        %add3A_556 = arith.addf %add3A_554, %add3A_555 : vector<128x128xf32>
        %sub3A_557 = arith.subf %add3A_556, %mul3A_553 : vector<128x128xf32>
        %add3A_558 = arith.constant 9.99999971E-10 : f32
        %add3A_559 = vector.broadcast %add3A_558 : f32 to vector<128x128xf32>
        %add3A_560 = arith.addf %sub3A_557, %add3A_559 : vector<128x128xf32>
        %div3A_561 = arith.divf %mul3A_553, %add3A_560 : vector<128x128xf32>
        %mul3A_562 = vector.broadcast %broadcast_in_dim3A_90 : vector<128x1xf32> to vector<128x128xf32>
        %mul3A_563 = arith.mulf %div3A_561, %mul3A_562 : vector<128x128xf32>
        %reduce_max3A_564 = arith.constant dense<0xFF800000> : vector<128xf32>
        %reduce_max3A_565 = vector.multi_reduction <maximumf>, %mul3A_563, %reduce_max3A_564 [0] : vector<128x128xf32> to vector<128xf32>
        %broadcast_in_dim3A_566 = vector.shape_cast %reduce_max3A_565 : vector<128xf32> to vector<1x128xf32>
        %gt3A_567 = arith.constant 5.000000e-01 : f32
        %gt3A_568 = vector.broadcast %gt3A_567 : f32 to vector<1x128xf32>
        %gt3A_569 = arith.cmpf ogt, %broadcast_in_dim3A_566, %gt3A_568 : vector<1x128xf32>
        %convert_element_type3A_570 = arith.extui %gt3A_569 : vector<1x128xi1> to vector<1x128xi32>
        %convert_element_type3A_571 = arith.sitofp %convert_element_type3A_570 : vector<1x128xi32> to vector<1x128xf32>
        %concatenate3A_572 = tpu.concatenate %convert_element_type3A_433, %convert_element_type3A_479, %convert_element_type3A_525, %convert_element_type3A_571 in 0 : vector<1x128xf32>, vector<1x128xf32>, vector<1x128xf32>, vector<1x128xf32> -> vector<4x128xf32>
        %add3A_573 = vector.broadcast %mul3A_375 : i32 to vector<4x1xi32>
        %add3A_574 = arith.addi %add3A_573, %iota3A_4 : vector<4x1xi32>
        %gt3A_575 = vector.broadcast %scan3A_12 : i32 to vector<4x1xi32>
        %gt3A_576 = arith.cmpi sgt, %add3A_574, %gt3A_575 : vector<4x1xi32>
        %convert_element_type3A_577 = arith.extui %gt3A_576 : vector<4x1xi1> to vector<4x1xi32>
        %convert_element_type3A_578 = arith.sitofp %convert_element_type3A_577 : vector<4x1xi32> to vector<4x1xf32>
        %get3A_579 = arith.index_cast %mul3A_375 : i32 to index
        %get3A_580 = arith.constant 0 : index
        %get3A_581 = vector.load %arg4[%get3A_579, %get3A_580] : memref<40x128xf32, #tpu.memory_space<vmem>>, vector<4x128xf32>
        %mul3A_582 = vector.broadcast %convert_element_type3A_578 : vector<4x1xf32> to vector<4x128xf32>
        %mul3A_583 = arith.mulf %concatenate3A_572, %mul3A_582 : vector<4x128xf32>
        %sub3A_584 = arith.constant 1.000000e+00 : f32
        %sub3A_585 = vector.broadcast %sub3A_584 : f32 to vector<4x128xf32>
        %sub3A_586 = arith.subf %sub3A_585, %mul3A_583 : vector<4x128xf32>
        %mul3A_587 = arith.mulf %get3A_581, %sub3A_586 : vector<4x128xf32>
        %swap3A_588 = arith.index_cast %mul3A_375 : i32 to index
        %swap3A_589 = arith.constant 0 : index
        %swap3A_590 = vector.load %arg4[%swap3A_588, %swap3A_589] : memref<40x128xf32, #tpu.memory_space<vmem>>, vector<4x128xf32>
        tpu.vector_store %arg4[%swap3A_588, %swap3A_589], %mul3A_587 {strides = array<i32>} : memref<40x128xf32, #tpu.memory_space<vmem>>, vector<4x128xf32>,
        %while3A_591 = arith.constant 0 : i32
        scf.yield %while3A_591 : i32
      }
      %while3A_149 = arith.constant 1 : i32
      %while3A_150 = scf.for %while3A_151 = %while3A_146 to %while3A_142 step %while3A_149 iter_args(%while3A_152 = %while3A_148) -> (i32)  : i32 {
        %mul3A_153 = arith.constant 2 : i32
        %mul3A_154 = arith.muli %mul3A_153, %while3A_151 : i32
        %add3A_155 = arith.addi %select_n3A, %mul3A_154 : i32
        %mul3A_156 = arith.constant 4 : i32
        %mul3A_157 = arith.muli %add3A_155, %mul3A_156 : i32
        %get3A_158 = arith.index_cast %mul3A_157 : i32 to index
        %get3A_159 = arith.constant 0 : index
        %get3A_160 = vector.load %arg0[%get3A_158, %get3A_159] : memref<40x128xf32, #tpu.memory_space<vmem>>, vector<4x128xf32>
        %get3A_161 = arith.index_cast %mul3A_157 : i32 to index
        %get3A_162 = arith.constant 0 : index
        %get3A_163 = vector.load %arg1[%get3A_161, %get3A_162] : memref<40x128xf32, #tpu.memory_space<vmem>>, vector<4x128xf32>
        %get3A_164 = arith.index_cast %mul3A_157 : i32 to index
        %get3A_165 = arith.constant 0 : index
        %get3A_166 = vector.load %arg2[%get3A_164, %get3A_165] : memref<40x128xf32, #tpu.memory_space<vmem>>, vector<4x128xf32>
        %get3A_167 = arith.index_cast %mul3A_157 : i32 to index
        %get3A_168 = arith.constant 0 : index
        %get3A_169 = vector.load %arg3[%get3A_167, %get3A_168] : memref<40x128xf32, #tpu.memory_space<vmem>>, vector<4x128xf32>
        %slice3A = vector.extract_strided_slice %get3A_160 {offsets = [0, 0], sizes = [1, 128], strides = [1, 1]} : vector<4x128xf32> to vector<1x128xf32>
        %slice3A_170 = vector.extract_strided_slice %get3A_163 {offsets = [0, 0], sizes = [1, 128], strides = [1, 1]} : vector<4x128xf32> to vector<1x128xf32>
        %slice3A_171 = vector.extract_strided_slice %get3A_166 {offsets = [0, 0], sizes = [1, 128], strides = [1, 1]} : vector<4x128xf32> to vector<1x128xf32>
        %slice3A_172 = vector.extract_strided_slice %get3A_169 {offsets = [0, 0], sizes = [1, 128], strides = [1, 1]} : vector<4x128xf32> to vector<1x128xf32>
        %sub3A_173 = arith.subf %slice3A_171, %slice3A : vector<1x128xf32>
        %sub3A_174 = arith.subf %slice3A_172, %slice3A_170 : vector<1x128xf32>
        %mul3A_175 = arith.mulf %sub3A_173, %sub3A_174 : vector<1x128xf32>
        %max3A_176 = vector.broadcast %broadcast_in_dim3A_28 : vector<128x1xf32> to vector<128x128xf32>
        %max3A_177 = vector.broadcast %slice3A : vector<1x128xf32> to vector<128x128xf32>
        %max3A_178 = arith.maximumf %max3A_176, %max3A_177 : vector<128x128xf32>
        %max3A_179 = vector.broadcast %broadcast_in_dim3A_33 : vector<128x1xf32> to vector<128x128xf32>
        %max3A_180 = vector.broadcast %slice3A_170 : vector<1x128xf32> to vector<128x128xf32>
        %max3A_181 = arith.maximumf %max3A_179, %max3A_180 : vector<128x128xf32>
        %min3A_182 = vector.broadcast %broadcast_in_dim3A_38 : vector<128x1xf32> to vector<128x128xf32>
        %min3A_183 = vector.broadcast %slice3A_171 : vector<1x128xf32> to vector<128x128xf32>
        %min3A_184 = arith.minimumf %min3A_182, %min3A_183 : vector<128x128xf32>
        %min3A_185 = vector.broadcast %broadcast_in_dim3A_43 : vector<128x1xf32> to vector<128x128xf32>
        %min3A_186 = vector.broadcast %slice3A_172 : vector<1x128xf32> to vector<128x128xf32>
        %min3A_187 = arith.minimumf %min3A_185, %min3A_186 : vector<128x128xf32>
        %sub3A_188 = arith.subf %min3A_184, %max3A_178 : vector<128x128xf32>
        %max3A_189 = arith.constant 0.000000e+00 : f32
        %max3A_190 = vector.broadcast %max3A_189 : f32 to vector<128x128xf32>
        %max3A_191 = arith.maximumf %sub3A_188, %max3A_190 : vector<128x128xf32>
        %sub3A_192 = arith.subf %min3A_187, %max3A_181 : vector<128x128xf32>
        %max3A_193 = arith.constant 0.000000e+00 : f32
        %max3A_194 = vector.broadcast %max3A_193 : f32 to vector<128x128xf32>
        %max3A_195 = arith.maximumf %sub3A_192, %max3A_194 : vector<128x128xf32>
        %mul3A_196 = arith.mulf %max3A_191, %max3A_195 : vector<128x128xf32>
        %add3A_197 = vector.broadcast %broadcast_in_dim3A_48 : vector<128x1xf32> to vector<128x128xf32>
        %add3A_198 = vector.broadcast %mul3A_175 : vector<1x128xf32> to vector<128x128xf32>
        %add3A_199 = arith.addf %add3A_197, %add3A_198 : vector<128x128xf32>
        %sub3A_200 = arith.subf %add3A_199, %mul3A_196 : vector<128x128xf32>
        %add3A_201 = arith.constant 9.99999971E-10 : f32
        %add3A_202 = vector.broadcast %add3A_201 : f32 to vector<128x128xf32>
        %add3A_203 = arith.addf %sub3A_200, %add3A_202 : vector<128x128xf32>
        %div3A_204 = arith.divf %mul3A_196, %add3A_203 : vector<128x128xf32>
        %mul3A_205 = vector.broadcast %broadcast_in_dim3A_90 : vector<128x1xf32> to vector<128x128xf32>
        %mul3A_206 = arith.mulf %div3A_204, %mul3A_205 : vector<128x128xf32>
        %reduce_max3A = arith.constant dense<0xFF800000> : vector<128xf32>
        %reduce_max3A_207 = vector.multi_reduction <maximumf>, %mul3A_206, %reduce_max3A [0] : vector<128x128xf32> to vector<128xf32>
        %broadcast_in_dim3A_208 = vector.shape_cast %reduce_max3A_207 : vector<128xf32> to vector<1x128xf32>
        %gt3A_209 = arith.constant 5.000000e-01 : f32
        %gt3A_210 = vector.broadcast %gt3A_209 : f32 to vector<1x128xf32>
        %gt3A_211 = arith.cmpf ogt, %broadcast_in_dim3A_208, %gt3A_210 : vector<1x128xf32>
        %convert_element_type3A_212 = arith.extui %gt3A_211 : vector<1x128xi1> to vector<1x128xi32>
        %convert_element_type3A_213 = arith.sitofp %convert_element_type3A_212 : vector<1x128xi32> to vector<1x128xf32>
        %slice3A_214 = vector.extract_strided_slice %get3A_160 {offsets = [1, 0], sizes = [1, 128], strides = [1, 1]} : vector<4x128xf32> to vector<1x128xf32>
        %slice3A_215 = vector.extract_strided_slice %get3A_163 {offsets = [1, 0], sizes = [1, 128], strides = [1, 1]} : vector<4x128xf32> to vector<1x128xf32>
        %slice3A_216 = vector.extract_strided_slice %get3A_166 {offsets = [1, 0], sizes = [1, 128], strides = [1, 1]} : vector<4x128xf32> to vector<1x128xf32>
        %slice3A_217 = vector.extract_strided_slice %get3A_169 {offsets = [1, 0], sizes = [1, 128], strides = [1, 1]} : vector<4x128xf32> to vector<1x128xf32>
        %sub3A_218 = arith.subf %slice3A_216, %slice3A_214 : vector<1x128xf32>
        %sub3A_219 = arith.subf %slice3A_217, %slice3A_215 : vector<1x128xf32>
        %mul3A_220 = arith.mulf %sub3A_218, %sub3A_219 : vector<1x128xf32>
        %max3A_221 = vector.broadcast %broadcast_in_dim3A_28 : vector<128x1xf32> to vector<128x128xf32>
        %max3A_222 = vector.broadcast %slice3A_214 : vector<1x128xf32> to vector<128x128xf32>
        %max3A_223 = arith.maximumf %max3A_221, %max3A_222 : vector<128x128xf32>
        %max3A_224 = vector.broadcast %broadcast_in_dim3A_33 : vector<128x1xf32> to vector<128x128xf32>
        %max3A_225 = vector.broadcast %slice3A_215 : vector<1x128xf32> to vector<128x128xf32>
        %max3A_226 = arith.maximumf %max3A_224, %max3A_225 : vector<128x128xf32>
        %min3A_227 = vector.broadcast %broadcast_in_dim3A_38 : vector<128x1xf32> to vector<128x128xf32>
        %min3A_228 = vector.broadcast %slice3A_216 : vector<1x128xf32> to vector<128x128xf32>
        %min3A_229 = arith.minimumf %min3A_227, %min3A_228 : vector<128x128xf32>
        %min3A_230 = vector.broadcast %broadcast_in_dim3A_43 : vector<128x1xf32> to vector<128x128xf32>
        %min3A_231 = vector.broadcast %slice3A_217 : vector<1x128xf32> to vector<128x128xf32>
        %min3A_232 = arith.minimumf %min3A_230, %min3A_231 : vector<128x128xf32>
        %sub3A_233 = arith.subf %min3A_229, %max3A_223 : vector<128x128xf32>
        %max3A_234 = arith.constant 0.000000e+00 : f32
        %max3A_235 = vector.broadcast %max3A_234 : f32 to vector<128x128xf32>
        %max3A_236 = arith.maximumf %sub3A_233, %max3A_235 : vector<128x128xf32>
        %sub3A_237 = arith.subf %min3A_232, %max3A_226 : vector<128x128xf32>
        %max3A_238 = arith.constant 0.000000e+00 : f32
        %max3A_239 = vector.broadcast %max3A_238 : f32 to vector<128x128xf32>
        %max3A_240 = arith.maximumf %sub3A_237, %max3A_239 : vector<128x128xf32>
        %mul3A_241 = arith.mulf %max3A_236, %max3A_240 : vector<128x128xf32>
        %add3A_242 = vector.broadcast %broadcast_in_dim3A_48 : vector<128x1xf32> to vector<128x128xf32>
        %add3A_243 = vector.broadcast %mul3A_220 : vector<1x128xf32> to vector<128x128xf32>
        %add3A_244 = arith.addf %add3A_242, %add3A_243 : vector<128x128xf32>
        %sub3A_245 = arith.subf %add3A_244, %mul3A_241 : vector<128x128xf32>
        %add3A_246 = arith.constant 9.99999971E-10 : f32
        %add3A_247 = vector.broadcast %add3A_246 : f32 to vector<128x128xf32>
        %add3A_248 = arith.addf %sub3A_245, %add3A_247 : vector<128x128xf32>
        %div3A_249 = arith.divf %mul3A_241, %add3A_248 : vector<128x128xf32>
        %mul3A_250 = vector.broadcast %broadcast_in_dim3A_90 : vector<128x1xf32> to vector<128x128xf32>
        %mul3A_251 = arith.mulf %div3A_249, %mul3A_250 : vector<128x128xf32>
        %reduce_max3A_252 = arith.constant dense<0xFF800000> : vector<128xf32>
        %reduce_max3A_253 = vector.multi_reduction <maximumf>, %mul3A_251, %reduce_max3A_252 [0] : vector<128x128xf32> to vector<128xf32>
        %broadcast_in_dim3A_254 = vector.shape_cast %reduce_max3A_253 : vector<128xf32> to vector<1x128xf32>
        %gt3A_255 = arith.constant 5.000000e-01 : f32
        %gt3A_256 = vector.broadcast %gt3A_255 : f32 to vector<1x128xf32>
        %gt3A_257 = arith.cmpf ogt, %broadcast_in_dim3A_254, %gt3A_256 : vector<1x128xf32>
        %convert_element_type3A_258 = arith.extui %gt3A_257 : vector<1x128xi1> to vector<1x128xi32>
        %convert_element_type3A_259 = arith.sitofp %convert_element_type3A_258 : vector<1x128xi32> to vector<1x128xf32>
        %slice3A_260 = vector.extract_strided_slice %get3A_160 {offsets = [2, 0], sizes = [1, 128], strides = [1, 1]} : vector<4x128xf32> to vector<1x128xf32>
        %slice3A_261 = vector.extract_strided_slice %get3A_163 {offsets = [2, 0], sizes = [1, 128], strides = [1, 1]} : vector<4x128xf32> to vector<1x128xf32>
        %slice3A_262 = vector.extract_strided_slice %get3A_166 {offsets = [2, 0], sizes = [1, 128], strides = [1, 1]} : vector<4x128xf32> to vector<1x128xf32>
        %slice3A_263 = vector.extract_strided_slice %get3A_169 {offsets = [2, 0], sizes = [1, 128], strides = [1, 1]} : vector<4x128xf32> to vector<1x128xf32>
        %sub3A_264 = arith.subf %slice3A_262, %slice3A_260 : vector<1x128xf32>
        %sub3A_265 = arith.subf %slice3A_263, %slice3A_261 : vector<1x128xf32>
        %mul3A_266 = arith.mulf %sub3A_264, %sub3A_265 : vector<1x128xf32>
        %max3A_267 = vector.broadcast %broadcast_in_dim3A_28 : vector<128x1xf32> to vector<128x128xf32>
        %max3A_268 = vector.broadcast %slice3A_260 : vector<1x128xf32> to vector<128x128xf32>
        %max3A_269 = arith.maximumf %max3A_267, %max3A_268 : vector<128x128xf32>
        %max3A_270 = vector.broadcast %broadcast_in_dim3A_33 : vector<128x1xf32> to vector<128x128xf32>
        %max3A_271 = vector.broadcast %slice3A_261 : vector<1x128xf32> to vector<128x128xf32>
        %max3A_272 = arith.maximumf %max3A_270, %max3A_271 : vector<128x128xf32>
        %min3A_273 = vector.broadcast %broadcast_in_dim3A_38 : vector<128x1xf32> to vector<128x128xf32>
        %min3A_274 = vector.broadcast %slice3A_262 : vector<1x128xf32> to vector<128x128xf32>
        %min3A_275 = arith.minimumf %min3A_273, %min3A_274 : vector<128x128xf32>
        %min3A_276 = vector.broadcast %broadcast_in_dim3A_43 : vector<128x1xf32> to vector<128x128xf32>
        %min3A_277 = vector.broadcast %slice3A_263 : vector<1x128xf32> to vector<128x128xf32>
        %min3A_278 = arith.minimumf %min3A_276, %min3A_277 : vector<128x128xf32>
        %sub3A_279 = arith.subf %min3A_275, %max3A_269 : vector<128x128xf32>
        %max3A_280 = arith.constant 0.000000e+00 : f32
        %max3A_281 = vector.broadcast %max3A_280 : f32 to vector<128x128xf32>
        %max3A_282 = arith.maximumf %sub3A_279, %max3A_281 : vector<128x128xf32>
        %sub3A_283 = arith.subf %min3A_278, %max3A_272 : vector<128x128xf32>
        %max3A_284 = arith.constant 0.000000e+00 : f32
        %max3A_285 = vector.broadcast %max3A_284 : f32 to vector<128x128xf32>
        %max3A_286 = arith.maximumf %sub3A_283, %max3A_285 : vector<128x128xf32>
        %mul3A_287 = arith.mulf %max3A_282, %max3A_286 : vector<128x128xf32>
        %add3A_288 = vector.broadcast %broadcast_in_dim3A_48 : vector<128x1xf32> to vector<128x128xf32>
        %add3A_289 = vector.broadcast %mul3A_266 : vector<1x128xf32> to vector<128x128xf32>
        %add3A_290 = arith.addf %add3A_288, %add3A_289 : vector<128x128xf32>
        %sub3A_291 = arith.subf %add3A_290, %mul3A_287 : vector<128x128xf32>
        %add3A_292 = arith.constant 9.99999971E-10 : f32
        %add3A_293 = vector.broadcast %add3A_292 : f32 to vector<128x128xf32>
        %add3A_294 = arith.addf %sub3A_291, %add3A_293 : vector<128x128xf32>
        %div3A_295 = arith.divf %mul3A_287, %add3A_294 : vector<128x128xf32>
        %mul3A_296 = vector.broadcast %broadcast_in_dim3A_90 : vector<128x1xf32> to vector<128x128xf32>
        %mul3A_297 = arith.mulf %div3A_295, %mul3A_296 : vector<128x128xf32>
        %reduce_max3A_298 = arith.constant dense<0xFF800000> : vector<128xf32>
        %reduce_max3A_299 = vector.multi_reduction <maximumf>, %mul3A_297, %reduce_max3A_298 [0] : vector<128x128xf32> to vector<128xf32>
        %broadcast_in_dim3A_300 = vector.shape_cast %reduce_max3A_299 : vector<128xf32> to vector<1x128xf32>
        %gt3A_301 = arith.constant 5.000000e-01 : f32
        %gt3A_302 = vector.broadcast %gt3A_301 : f32 to vector<1x128xf32>
        %gt3A_303 = arith.cmpf ogt, %broadcast_in_dim3A_300, %gt3A_302 : vector<1x128xf32>
        %convert_element_type3A_304 = arith.extui %gt3A_303 : vector<1x128xi1> to vector<1x128xi32>
        %convert_element_type3A_305 = arith.sitofp %convert_element_type3A_304 : vector<1x128xi32> to vector<1x128xf32>
        %slice3A_306 = vector.extract_strided_slice %get3A_160 {offsets = [3, 0], sizes = [1, 128], strides = [1, 1]} : vector<4x128xf32> to vector<1x128xf32>
        %slice3A_307 = vector.extract_strided_slice %get3A_163 {offsets = [3, 0], sizes = [1, 128], strides = [1, 1]} : vector<4x128xf32> to vector<1x128xf32>
        %slice3A_308 = vector.extract_strided_slice %get3A_166 {offsets = [3, 0], sizes = [1, 128], strides = [1, 1]} : vector<4x128xf32> to vector<1x128xf32>
        %slice3A_309 = vector.extract_strided_slice %get3A_169 {offsets = [3, 0], sizes = [1, 128], strides = [1, 1]} : vector<4x128xf32> to vector<1x128xf32>
        %sub3A_310 = arith.subf %slice3A_308, %slice3A_306 : vector<1x128xf32>
        %sub3A_311 = arith.subf %slice3A_309, %slice3A_307 : vector<1x128xf32>
        %mul3A_312 = arith.mulf %sub3A_310, %sub3A_311 : vector<1x128xf32>
        %max3A_313 = vector.broadcast %broadcast_in_dim3A_28 : vector<128x1xf32> to vector<128x128xf32>
        %max3A_314 = vector.broadcast %slice3A_306 : vector<1x128xf32> to vector<128x128xf32>
        %max3A_315 = arith.maximumf %max3A_313, %max3A_314 : vector<128x128xf32>
        %max3A_316 = vector.broadcast %broadcast_in_dim3A_33 : vector<128x1xf32> to vector<128x128xf32>
        %max3A_317 = vector.broadcast %slice3A_307 : vector<1x128xf32> to vector<128x128xf32>
        %max3A_318 = arith.maximumf %max3A_316, %max3A_317 : vector<128x128xf32>
        %min3A_319 = vector.broadcast %broadcast_in_dim3A_38 : vector<128x1xf32> to vector<128x128xf32>
        %min3A_320 = vector.broadcast %slice3A_308 : vector<1x128xf32> to vector<128x128xf32>
        %min3A_321 = arith.minimumf %min3A_319, %min3A_320 : vector<128x128xf32>
        %min3A_322 = vector.broadcast %broadcast_in_dim3A_43 : vector<128x1xf32> to vector<128x128xf32>
        %min3A_323 = vector.broadcast %slice3A_309 : vector<1x128xf32> to vector<128x128xf32>
        %min3A_324 = arith.minimumf %min3A_322, %min3A_323 : vector<128x128xf32>
        %sub3A_325 = arith.subf %min3A_321, %max3A_315 : vector<128x128xf32>
        %max3A_326 = arith.constant 0.000000e+00 : f32
        %max3A_327 = vector.broadcast %max3A_326 : f32 to vector<128x128xf32>
        %max3A_328 = arith.maximumf %sub3A_325, %max3A_327 : vector<128x128xf32>
        %sub3A_329 = arith.subf %min3A_324, %max3A_318 : vector<128x128xf32>
        %max3A_330 = arith.constant 0.000000e+00 : f32
        %max3A_331 = vector.broadcast %max3A_330 : f32 to vector<128x128xf32>
        %max3A_332 = arith.maximumf %sub3A_329, %max3A_331 : vector<128x128xf32>
        %mul3A_333 = arith.mulf %max3A_328, %max3A_332 : vector<128x128xf32>
        %add3A_334 = vector.broadcast %broadcast_in_dim3A_48 : vector<128x1xf32> to vector<128x128xf32>
        %add3A_335 = vector.broadcast %mul3A_312 : vector<1x128xf32> to vector<128x128xf32>
        %add3A_336 = arith.addf %add3A_334, %add3A_335 : vector<128x128xf32>
        %sub3A_337 = arith.subf %add3A_336, %mul3A_333 : vector<128x128xf32>
        %add3A_338 = arith.constant 9.99999971E-10 : f32
        %add3A_339 = vector.broadcast %add3A_338 : f32 to vector<128x128xf32>
        %add3A_340 = arith.addf %sub3A_337, %add3A_339 : vector<128x128xf32>
        %div3A_341 = arith.divf %mul3A_333, %add3A_340 : vector<128x128xf32>
        %mul3A_342 = vector.broadcast %broadcast_in_dim3A_90 : vector<128x1xf32> to vector<128x128xf32>
        %mul3A_343 = arith.mulf %div3A_341, %mul3A_342 : vector<128x128xf32>
        %reduce_max3A_344 = arith.constant dense<0xFF800000> : vector<128xf32>
        %reduce_max3A_345 = vector.multi_reduction <maximumf>, %mul3A_343, %reduce_max3A_344 [0] : vector<128x128xf32> to vector<128xf32>
        %broadcast_in_dim3A_346 = vector.shape_cast %reduce_max3A_345 : vector<128xf32> to vector<1x128xf32>
        %gt3A_347 = arith.constant 5.000000e-01 : f32
        %gt3A_348 = vector.broadcast %gt3A_347 : f32 to vector<1x128xf32>
        %gt3A_349 = arith.cmpf ogt, %broadcast_in_dim3A_346, %gt3A_348 : vector<1x128xf32>
        %convert_element_type3A_350 = arith.extui %gt3A_349 : vector<1x128xi1> to vector<1x128xi32>
        %convert_element_type3A_351 = arith.sitofp %convert_element_type3A_350 : vector<1x128xi32> to vector<1x128xf32>
        %concatenate3A = tpu.concatenate %convert_element_type3A_213, %convert_element_type3A_259, %convert_element_type3A_305, %convert_element_type3A_351 in 0 : vector<1x128xf32>, vector<1x128xf32>, vector<1x128xf32>, vector<1x128xf32> -> vector<4x128xf32>
        %add3A_352 = vector.broadcast %mul3A_157 : i32 to vector<4x1xi32>
        %add3A_353 = arith.addi %add3A_352, %iota3A_4 : vector<4x1xi32>
        %gt3A_354 = vector.broadcast %scan3A_12 : i32 to vector<4x1xi32>
        %gt3A_355 = arith.cmpi sgt, %add3A_353, %gt3A_354 : vector<4x1xi32>
        %convert_element_type3A_356 = arith.extui %gt3A_355 : vector<4x1xi1> to vector<4x1xi32>
        %convert_element_type3A_357 = arith.sitofp %convert_element_type3A_356 : vector<4x1xi32> to vector<4x1xf32>
        %get3A_358 = arith.index_cast %mul3A_157 : i32 to index
        %get3A_359 = arith.constant 0 : index
        %get3A_360 = vector.load %arg4[%get3A_358, %get3A_359] : memref<40x128xf32, #tpu.memory_space<vmem>>, vector<4x128xf32>
        %mul3A_361 = vector.broadcast %convert_element_type3A_357 : vector<4x1xf32> to vector<4x128xf32>
        %mul3A_362 = arith.mulf %concatenate3A, %mul3A_361 : vector<4x128xf32>
        %sub3A_363 = arith.constant 1.000000e+00 : f32
        %sub3A_364 = vector.broadcast %sub3A_363 : f32 to vector<4x128xf32>
        %sub3A_365 = arith.subf %sub3A_364, %mul3A_362 : vector<4x128xf32>
        %mul3A_366 = arith.mulf %get3A_360, %sub3A_365 : vector<4x128xf32>
        %swap3A_367 = arith.index_cast %mul3A_157 : i32 to index
        %swap3A_368 = arith.constant 0 : index
        %swap3A_369 = vector.load %arg4[%swap3A_367, %swap3A_368] : memref<40x128xf32, #tpu.memory_space<vmem>>, vector<4x128xf32>
        tpu.vector_store %arg4[%swap3A_367, %swap3A_368], %mul3A_366 {strides = array<i32>} : memref<40x128xf32, #tpu.memory_space<vmem>>, vector<4x128xf32>,
        %add3A_370 = arith.constant 1 : i32
        %add3A_371 = arith.addi %add3A_155, %add3A_370 : i32
        %min3A_372 = arith.constant 9 : i32
        %min3A_373 = arith.minsi %add3A_371, %min3A_372 : i32
        %mul3A_374 = arith.constant 4 : i32
        %mul3A_375 = arith.muli %min3A_373, %mul3A_374 : i32
        %get3A_376 = arith.index_cast %mul3A_375 : i32 to index
        %get3A_377 = arith.constant 0 : index
        %get3A_378 = vector.load %arg0[%get3A_376, %get3A_377] : memref<40x128xf32, #tpu.memory_space<vmem>>, vector<4x128xf32>
        %get3A_379 = arith.index_cast %mul3A_375 : i32 to index
        %get3A_380 = arith.constant 0 : index
        %get3A_381 = vector.load %arg1[%get3A_379, %get3A_380] : memref<40x128xf32, #tpu.memory_space<vmem>>, vector<4x128xf32>
        %get3A_382 = arith.index_cast %mul3A_375 : i32 to index
        %get3A_383 = arith.constant 0 : index
        %get3A_384 = vector.load %arg2[%get3A_382, %get3A_383] : memref<40x128xf32, #tpu.memory_space<vmem>>, vector<4x128xf32>
        %get3A_385 = arith.index_cast %mul3A_375 : i32 to index
        %get3A_386 = arith.constant 0 : index
        %get3A_387 = vector.load %arg3[%get3A_385, %get3A_386] : memref<40x128xf32, #tpu.memory_space<vmem>>, vector<4x128xf32>
        %slice3A_388 = vector.extract_strided_slice %get3A_378 {offsets = [0, 0], sizes = [1, 128], strides = [1, 1]} : vector<4x128xf32> to vector<1x128xf32>
        %slice3A_389 = vector.extract_strided_slice %get3A_381 {offsets = [0, 0], sizes = [1, 128], strides = [1, 1]} : vector<4x128xf32> to vector<1x128xf32>
        %slice3A_390 = vector.extract_strided_slice %get3A_384 {offsets = [0, 0], sizes = [1, 128], strides = [1, 1]} : vector<4x128xf32> to vector<1x128xf32>
        %slice3A_391 = vector.extract_strided_slice %get3A_387 {offsets = [0, 0], sizes = [1, 128], strides = [1, 1]} : vector<4x128xf32> to vector<1x128xf32>
        %sub3A_392 = arith.subf %slice3A_390, %slice3A_388 : vector<1x128xf32>
        %sub3A_393 = arith.subf %slice3A_391, %slice3A_389 : vector<1x128xf32>
        %mul3A_394 = arith.mulf %sub3A_392, %sub3A_393 : vector<1x128xf32>
        %max3A_395 = vector.broadcast %broadcast_in_dim3A_28 : vector<128x1xf32> to vector<128x128xf32>
        %max3A_396 = vector.broadcast %slice3A_388 : vector<1x128xf32> to vector<128x128xf32>
        %max3A_397 = arith.maximumf %max3A_395, %max3A_396 : vector<128x128xf32>
        %max3A_398 = vector.broadcast %broadcast_in_dim3A_33 : vector<128x1xf32> to vector<128x128xf32>
        %max3A_399 = vector.broadcast %slice3A_389 : vector<1x128xf32> to vector<128x128xf32>
        %max3A_400 = arith.maximumf %max3A_398, %max3A_399 : vector<128x128xf32>
        %min3A_401 = vector.broadcast %broadcast_in_dim3A_38 : vector<128x1xf32> to vector<128x128xf32>
        %min3A_402 = vector.broadcast %slice3A_390 : vector<1x128xf32> to vector<128x128xf32>
        %min3A_403 = arith.minimumf %min3A_401, %min3A_402 : vector<128x128xf32>
        %min3A_404 = vector.broadcast %broadcast_in_dim3A_43 : vector<128x1xf32> to vector<128x128xf32>
        %min3A_405 = vector.broadcast %slice3A_391 : vector<1x128xf32> to vector<128x128xf32>
        %min3A_406 = arith.minimumf %min3A_404, %min3A_405 : vector<128x128xf32>
        %sub3A_407 = arith.subf %min3A_403, %max3A_397 : vector<128x128xf32>
        %max3A_408 = arith.constant 0.000000e+00 : f32
        %max3A_409 = vector.broadcast %max3A_408 : f32 to vector<128x128xf32>
        %max3A_410 = arith.maximumf %sub3A_407, %max3A_409 : vector<128x128xf32>
        %sub3A_411 = arith.subf %min3A_406, %max3A_400 : vector<128x128xf32>
        %max3A_412 = arith.constant 0.000000e+00 : f32
        %max3A_413 = vector.broadcast %max3A_412 : f32 to vector<128x128xf32>
        %max3A_414 = arith.maximumf %sub3A_411, %max3A_413 : vector<128x128xf32>
        %mul3A_415 = arith.mulf %max3A_410, %max3A_414 : vector<128x128xf32>
        %add3A_416 = vector.broadcast %broadcast_in_dim3A_48 : vector<128x1xf32> to vector<128x128xf32>
        %add3A_417 = vector.broadcast %mul3A_394 : vector<1x128xf32> to vector<128x128xf32>
        %add3A_418 = arith.addf %add3A_416, %add3A_417 : vector<128x128xf32>
        %sub3A_419 = arith.subf %add3A_418, %mul3A_415 : vector<128x128xf32>
        %add3A_420 = arith.constant 9.99999971E-10 : f32
        %add3A_421 = vector.broadcast %add3A_420 : f32 to vector<128x128xf32>
        %add3A_422 = arith.addf %sub3A_419, %add3A_421 : vector<128x128xf32>
        %div3A_423 = arith.divf %mul3A_415, %add3A_422 : vector<128x128xf32>
        %mul3A_424 = vector.broadcast %broadcast_in_dim3A_90 : vector<128x1xf32> to vector<128x128xf32>
        %mul3A_425 = arith.mulf %div3A_423, %mul3A_424 : vector<128x128xf32>
        %reduce_max3A_426 = arith.constant dense<0xFF800000> : vector<128xf32>
        %reduce_max3A_427 = vector.multi_reduction <maximumf>, %mul3A_425, %reduce_max3A_426 [0] : vector<128x128xf32> to vector<128xf32>
        %broadcast_in_dim3A_428 = vector.shape_cast %reduce_max3A_427 : vector<128xf32> to vector<1x128xf32>
        %gt3A_429 = arith.constant 5.000000e-01 : f32
        %gt3A_430 = vector.broadcast %gt3A_429 : f32 to vector<1x128xf32>
        %gt3A_431 = arith.cmpf ogt, %broadcast_in_dim3A_428, %gt3A_430 : vector<1x128xf32>
        %convert_element_type3A_432 = arith.extui %gt3A_431 : vector<1x128xi1> to vector<1x128xi32>
        %convert_element_type3A_433 = arith.sitofp %convert_element_type3A_432 : vector<1x128xi32> to vector<1x128xf32>
        %slice3A_434 = vector.extract_strided_slice %get3A_378 {offsets = [1, 0], sizes = [1, 128], strides = [1, 1]} : vector<4x128xf32> to vector<1x128xf32>
        %slice3A_435 = vector.extract_strided_slice %get3A_381 {offsets = [1, 0], sizes = [1, 128], strides = [1, 1]} : vector<4x128xf32> to vector<1x128xf32>
        %slice3A_436 = vector.extract_strided_slice %get3A_384 {offsets = [1, 0], sizes = [1, 128], strides = [1, 1]} : vector<4x128xf32> to vector<1x128xf32>
        %slice3A_437 = vector.extract_strided_slice %get3A_387 {offsets = [1, 0], sizes = [1, 128], strides = [1, 1]} : vector<4x128xf32> to vector<1x128xf32>
        %sub3A_438 = arith.subf %slice3A_436, %slice3A_434 : vector<1x128xf32>
        %sub3A_439 = arith.subf %slice3A_437, %slice3A_435 : vector<1x128xf32>
        %mul3A_440 = arith.mulf %sub3A_438, %sub3A_439 : vector<1x128xf32>
        %max3A_441 = vector.broadcast %broadcast_in_dim3A_28 : vector<128x1xf32> to vector<128x128xf32>
        %max3A_442 = vector.broadcast %slice3A_434 : vector<1x128xf32> to vector<128x128xf32>
        %max3A_443 = arith.maximumf %max3A_441, %max3A_442 : vector<128x128xf32>
        %max3A_444 = vector.broadcast %broadcast_in_dim3A_33 : vector<128x1xf32> to vector<128x128xf32>
        %max3A_445 = vector.broadcast %slice3A_435 : vector<1x128xf32> to vector<128x128xf32>
        %max3A_446 = arith.maximumf %max3A_444, %max3A_445 : vector<128x128xf32>
        %min3A_447 = vector.broadcast %broadcast_in_dim3A_38 : vector<128x1xf32> to vector<128x128xf32>
        %min3A_448 = vector.broadcast %slice3A_436 : vector<1x128xf32> to vector<128x128xf32>
        %min3A_449 = arith.minimumf %min3A_447, %min3A_448 : vector<128x128xf32>
        %min3A_450 = vector.broadcast %broadcast_in_dim3A_43 : vector<128x1xf32> to vector<128x128xf32>
        %min3A_451 = vector.broadcast %slice3A_437 : vector<1x128xf32> to vector<128x128xf32>
        %min3A_452 = arith.minimumf %min3A_450, %min3A_451 : vector<128x128xf32>
        %sub3A_453 = arith.subf %min3A_449, %max3A_443 : vector<128x128xf32>
        %max3A_454 = arith.constant 0.000000e+00 : f32
        %max3A_455 = vector.broadcast %max3A_454 : f32 to vector<128x128xf32>
        %max3A_456 = arith.maximumf %sub3A_453, %max3A_455 : vector<128x128xf32>
        %sub3A_457 = arith.subf %min3A_452, %max3A_446 : vector<128x128xf32>
        %max3A_458 = arith.constant 0.000000e+00 : f32
        %max3A_459 = vector.broadcast %max3A_458 : f32 to vector<128x128xf32>
        %max3A_460 = arith.maximumf %sub3A_457, %max3A_459 : vector<128x128xf32>
        %mul3A_461 = arith.mulf %max3A_456, %max3A_460 : vector<128x128xf32>
        %add3A_462 = vector.broadcast %broadcast_in_dim3A_48 : vector<128x1xf32> to vector<128x128xf32>
        %add3A_463 = vector.broadcast %mul3A_440 : vector<1x128xf32> to vector<128x128xf32>
        %add3A_464 = arith.addf %add3A_462, %add3A_463 : vector<128x128xf32>
        %sub3A_465 = arith.subf %add3A_464, %mul3A_461 : vector<128x128xf32>
        %add3A_466 = arith.constant 9.99999971E-10 : f32
        %add3A_467 = vector.broadcast %add3A_466 : f32 to vector<128x128xf32>
        %add3A_468 = arith.addf %sub3A_465, %add3A_467 : vector<128x128xf32>
        %div3A_469 = arith.divf %mul3A_461, %add3A_468 : vector<128x128xf32>
        %mul3A_470 = vector.broadcast %broadcast_in_dim3A_90 : vector<128x1xf32> to vector<128x128xf32>
        %mul3A_471 = arith.mulf %div3A_469, %mul3A_470 : vector<128x128xf32>
        %reduce_max3A_472 = arith.constant dense<0xFF800000> : vector<128xf32>
        %reduce_max3A_473 = vector.multi_reduction <maximumf>, %mul3A_471, %reduce_max3A_472 [0] : vector<128x128xf32> to vector<128xf32>
        %broadcast_in_dim3A_474 = vector.shape_cast %reduce_max3A_473 : vector<128xf32> to vector<1x128xf32>
        %gt3A_475 = arith.constant 5.000000e-01 : f32
        %gt3A_476 = vector.broadcast %gt3A_475 : f32 to vector<1x128xf32>
        %gt3A_477 = arith.cmpf ogt, %broadcast_in_dim3A_474, %gt3A_476 : vector<1x128xf32>
        %convert_element_type3A_478 = arith.extui %gt3A_477 : vector<1x128xi1> to vector<1x128xi32>
        %convert_element_type3A_479 = arith.sitofp %convert_element_type3A_478 : vector<1x128xi32> to vector<1x128xf32>
        %slice3A_480 = vector.extract_strided_slice %get3A_378 {offsets = [2, 0], sizes = [1, 128], strides = [1, 1]} : vector<4x128xf32> to vector<1x128xf32>
        %slice3A_481 = vector.extract_strided_slice %get3A_381 {offsets = [2, 0], sizes = [1, 128], strides = [1, 1]} : vector<4x128xf32> to vector<1x128xf32>
        %slice3A_482 = vector.extract_strided_slice %get3A_384 {offsets = [2, 0], sizes = [1, 128], strides = [1, 1]} : vector<4x128xf32> to vector<1x128xf32>
        %slice3A_483 = vector.extract_strided_slice %get3A_387 {offsets = [2, 0], sizes = [1, 128], strides = [1, 1]} : vector<4x128xf32> to vector<1x128xf32>
        %sub3A_484 = arith.subf %slice3A_482, %slice3A_480 : vector<1x128xf32>
        %sub3A_485 = arith.subf %slice3A_483, %slice3A_481 : vector<1x128xf32>
        %mul3A_486 = arith.mulf %sub3A_484, %sub3A_485 : vector<1x128xf32>
        %max3A_487 = vector.broadcast %broadcast_in_dim3A_28 : vector<128x1xf32> to vector<128x128xf32>
        %max3A_488 = vector.broadcast %slice3A_480 : vector<1x128xf32> to vector<128x128xf32>
        %max3A_489 = arith.maximumf %max3A_487, %max3A_488 : vector<128x128xf32>
        %max3A_490 = vector.broadcast %broadcast_in_dim3A_33 : vector<128x1xf32> to vector<128x128xf32>
        %max3A_491 = vector.broadcast %slice3A_481 : vector<1x128xf32> to vector<128x128xf32>
        %max3A_492 = arith.maximumf %max3A_490, %max3A_491 : vector<128x128xf32>
        %min3A_493 = vector.broadcast %broadcast_in_dim3A_38 : vector<128x1xf32> to vector<128x128xf32>
        %min3A_494 = vector.broadcast %slice3A_482 : vector<1x128xf32> to vector<128x128xf32>
        %min3A_495 = arith.minimumf %min3A_493, %min3A_494 : vector<128x128xf32>
        %min3A_496 = vector.broadcast %broadcast_in_dim3A_43 : vector<128x1xf32> to vector<128x128xf32>
        %min3A_497 = vector.broadcast %slice3A_483 : vector<1x128xf32> to vector<128x128xf32>
        %min3A_498 = arith.minimumf %min3A_496, %min3A_497 : vector<128x128xf32>
        %sub3A_499 = arith.subf %min3A_495, %max3A_489 : vector<128x128xf32>
        %max3A_500 = arith.constant 0.000000e+00 : f32
        %max3A_501 = vector.broadcast %max3A_500 : f32 to vector<128x128xf32>
        %max3A_502 = arith.maximumf %sub3A_499, %max3A_501 : vector<128x128xf32>
        %sub3A_503 = arith.subf %min3A_498, %max3A_492 : vector<128x128xf32>
        %max3A_504 = arith.constant 0.000000e+00 : f32
        %max3A_505 = vector.broadcast %max3A_504 : f32 to vector<128x128xf32>
        %max3A_506 = arith.maximumf %sub3A_503, %max3A_505 : vector<128x128xf32>
        %mul3A_507 = arith.mulf %max3A_502, %max3A_506 : vector<128x128xf32>
        %add3A_508 = vector.broadcast %broadcast_in_dim3A_48 : vector<128x1xf32> to vector<128x128xf32>
        %add3A_509 = vector.broadcast %mul3A_486 : vector<1x128xf32> to vector<128x128xf32>
        %add3A_510 = arith.addf %add3A_508, %add3A_509 : vector<128x128xf32>
        %sub3A_511 = arith.subf %add3A_510, %mul3A_507 : vector<128x128xf32>
        %add3A_512 = arith.constant 9.99999971E-10 : f32
        %add3A_513 = vector.broadcast %add3A_512 : f32 to vector<128x128xf32>
        %add3A_514 = arith.addf %sub3A_511, %add3A_513 : vector<128x128xf32>
        %div3A_515 = arith.divf %mul3A_507, %add3A_514 : vector<128x128xf32>
        %mul3A_516 = vector.broadcast %broadcast_in_dim3A_90 : vector<128x1xf32> to vector<128x128xf32>
        %mul3A_517 = arith.mulf %div3A_515, %mul3A_516 : vector<128x128xf32>
        %reduce_max3A_518 = arith.constant dense<0xFF800000> : vector<128xf32>
        %reduce_max3A_519 = vector.multi_reduction <maximumf>, %mul3A_517, %reduce_max3A_518 [0] : vector<128x128xf32> to vector<128xf32>
        %broadcast_in_dim3A_520 = vector.shape_cast %reduce_max3A_519 : vector<128xf32> to vector<1x128xf32>
        %gt3A_521 = arith.constant 5.000000e-01 : f32
        %gt3A_522 = vector.broadcast %gt3A_521 : f32 to vector<1x128xf32>
        %gt3A_523 = arith.cmpf ogt, %broadcast_in_dim3A_520, %gt3A_522 : vector<1x128xf32>
        %convert_element_type3A_524 = arith.extui %gt3A_523 : vector<1x128xi1> to vector<1x128xi32>
        %convert_element_type3A_525 = arith.sitofp %convert_element_type3A_524 : vector<1x128xi32> to vector<1x128xf32>
        %slice3A_526 = vector.extract_strided_slice %get3A_378 {offsets = [3, 0], sizes = [1, 128], strides = [1, 1]} : vector<4x128xf32> to vector<1x128xf32>
        %slice3A_527 = vector.extract_strided_slice %get3A_381 {offsets = [3, 0], sizes = [1, 128], strides = [1, 1]} : vector<4x128xf32> to vector<1x128xf32>
        %slice3A_528 = vector.extract_strided_slice %get3A_384 {offsets = [3, 0], sizes = [1, 128], strides = [1, 1]} : vector<4x128xf32> to vector<1x128xf32>
        %slice3A_529 = vector.extract_strided_slice %get3A_387 {offsets = [3, 0], sizes = [1, 128], strides = [1, 1]} : vector<4x128xf32> to vector<1x128xf32>
        %sub3A_530 = arith.subf %slice3A_528, %slice3A_526 : vector<1x128xf32>
        %sub3A_531 = arith.subf %slice3A_529, %slice3A_527 : vector<1x128xf32>
        %mul3A_532 = arith.mulf %sub3A_530, %sub3A_531 : vector<1x128xf32>
        %max3A_533 = vector.broadcast %broadcast_in_dim3A_28 : vector<128x1xf32> to vector<128x128xf32>
        %max3A_534 = vector.broadcast %slice3A_526 : vector<1x128xf32> to vector<128x128xf32>
        %max3A_535 = arith.maximumf %max3A_533, %max3A_534 : vector<128x128xf32>
        %max3A_536 = vector.broadcast %broadcast_in_dim3A_33 : vector<128x1xf32> to vector<128x128xf32>
        %max3A_537 = vector.broadcast %slice3A_527 : vector<1x128xf32> to vector<128x128xf32>
        %max3A_538 = arith.maximumf %max3A_536, %max3A_537 : vector<128x128xf32>
        %min3A_539 = vector.broadcast %broadcast_in_dim3A_38 : vector<128x1xf32> to vector<128x128xf32>
        %min3A_540 = vector.broadcast %slice3A_528 : vector<1x128xf32> to vector<128x128xf32>
        %min3A_541 = arith.minimumf %min3A_539, %min3A_540 : vector<128x128xf32>
        %min3A_542 = vector.broadcast %broadcast_in_dim3A_43 : vector<128x1xf32> to vector<128x128xf32>
        %min3A_543 = vector.broadcast %slice3A_529 : vector<1x128xf32> to vector<128x128xf32>
        %min3A_544 = arith.minimumf %min3A_542, %min3A_543 : vector<128x128xf32>
        %sub3A_545 = arith.subf %min3A_541, %max3A_535 : vector<128x128xf32>
        %max3A_546 = arith.constant 0.000000e+00 : f32
        %max3A_547 = vector.broadcast %max3A_546 : f32 to vector<128x128xf32>
        %max3A_548 = arith.maximumf %sub3A_545, %max3A_547 : vector<128x128xf32>
        %sub3A_549 = arith.subf %min3A_544, %max3A_538 : vector<128x128xf32>
        %max3A_550 = arith.constant 0.000000e+00 : f32
        %max3A_551 = vector.broadcast %max3A_550 : f32 to vector<128x128xf32>
        %max3A_552 = arith.maximumf %sub3A_549, %max3A_551 : vector<128x128xf32>
        %mul3A_553 = arith.mulf %max3A_548, %max3A_552 : vector<128x128xf32>
        %add3A_554 = vector.broadcast %broadcast_in_dim3A_48 : vector<128x1xf32> to vector<128x128xf32>
        %add3A_555 = vector.broadcast %mul3A_532 : vector<1x128xf32> to vector<128x128xf32>
        %add3A_556 = arith.addf %add3A_554, %add3A_555 : vector<128x128xf32>
        %sub3A_557 = arith.subf %add3A_556, %mul3A_553 : vector<128x128xf32>
        %add3A_558 = arith.constant 9.99999971E-10 : f32
        %add3A_559 = vector.broadcast %add3A_558 : f32 to vector<128x128xf32>
        %add3A_560 = arith.addf %sub3A_557, %add3A_559 : vector<128x128xf32>
        %div3A_561 = arith.divf %mul3A_553, %add3A_560 : vector<128x128xf32>
        %mul3A_562 = vector.broadcast %broadcast_in_dim3A_90 : vector<128x1xf32> to vector<128x128xf32>
        %mul3A_563 = arith.mulf %div3A_561, %mul3A_562 : vector<128x128xf32>
        %reduce_max3A_564 = arith.constant dense<0xFF800000> : vector<128xf32>
        %reduce_max3A_565 = vector.multi_reduction <maximumf>, %mul3A_563, %reduce_max3A_564 [0] : vector<128x128xf32> to vector<128xf32>
        %broadcast_in_dim3A_566 = vector.shape_cast %reduce_max3A_565 : vector<128xf32> to vector<1x128xf32>
        %gt3A_567 = arith.constant 5.000000e-01 : f32
        %gt3A_568 = vector.broadcast %gt3A_567 : f32 to vector<1x128xf32>
        %gt3A_569 = arith.cmpf ogt, %broadcast_in_dim3A_566, %gt3A_568 : vector<1x128xf32>
        %convert_element_type3A_570 = arith.extui %gt3A_569 : vector<1x128xi1> to vector<1x128xi32>
        %convert_element_type3A_571 = arith.sitofp %convert_element_type3A_570 : vector<1x128xi32> to vector<1x128xf32>
        %concatenate3A_572 = tpu.concatenate %convert_element_type3A_433, %convert_element_type3A_479, %convert_element_type3A_525, %convert_element_type3A_571 in 0 : vector<1x128xf32>, vector<1x128xf32>, vector<1x128xf32>, vector<1x128xf32> -> vector<4x128xf32>
        %add3A_573 = vector.broadcast %mul3A_375 : i32 to vector<4x1xi32>
        %add3A_574 = arith.addi %add3A_573, %iota3A_4 : vector<4x1xi32>
        %gt3A_575 = vector.broadcast %scan3A_12 : i32 to vector<4x1xi32>
        %gt3A_576 = arith.cmpi sgt, %add3A_574, %gt3A_575 : vector<4x1xi32>
        %convert_element_type3A_577 = arith.extui %gt3A_576 : vector<4x1xi1> to vector<4x1xi32>
        %convert_element_type3A_578 = arith.sitofp %convert_element_type3A_577 : vector<4x1xi32> to vector<4x1xf32>
        %get3A_579 = arith.index_cast %mul3A_375 : i32 to index
        %get3A_580 = arith.constant 0 : index
        %get3A_581 = vector.load %arg4[%get3A_579, %get3A_580] : memref<40x128xf32, #tpu.memory_space<vmem>>, vector<4x128xf32>
        %mul3A_582 = vector.broadcast %convert_element_type3A_578 : vector<4x1xf32> to vector<4x128xf32>
        %mul3A_583 = arith.mulf %concatenate3A_572, %mul3A_582 : vector<4x128xf32>
        %sub3A_584 = arith.constant 1.000000e+00 : f32
        %sub3A_585 = vector.broadcast %sub3A_584 : f32 to vector<4x128xf32>
        %sub3A_586 = arith.subf %sub3A_585, %mul3A_583 : vector<4x128xf32>
        %mul3A_587 = arith.mulf %get3A_581, %sub3A_586 : vector<4x128xf32>
        %swap3A_588 = arith.index_cast %mul3A_375 : i32 to index
        %swap3A_589 = arith.constant 0 : index
        %swap3A_590 = vector.load %arg4[%swap3A_588, %swap3A_589] : memref<40x128xf32, #tpu.memory_space<vmem>>, vector<4x128xf32>
        tpu.vector_store %arg4[%swap3A_588, %swap3A_589], %mul3A_587 {strides = array<i32>} : memref<40x128xf32, #tpu.memory_space<vmem>>, vector<4x128xf32>,
        %while3A_591 = arith.constant 0 : i32
        scf.yield %while3A_591 : i32
      }
    }
    %scan3A_11 = arith.constant 40 : i32
    return
  }
}

</mosaic_0001>

<sc_bundles>
// kernel: kernel.6.cloned.1.call-start
scs
__scs_entry_jumppad:
0x0: {  	(pc) =	sbr.rel $0x88, $3  }
0x1: {  	(tag) =	ssettag $0x0;
	lr =	simm.s32 $0x1  }
0x2: {  	[smem:$0x3F9F] =	sst lr;
	_ =	strace $0xD0000000  }
0x3: {  	_ = 	snop  }
0x4: {  	_ = 	snop  }
0x5: {  	_ = 	snop  }
0x6: {  	_ = 	snop  }
0x7: {  	_ = 	snop  }
__scs_overlays_trampoline_lowered:
0x8: {  	[smem:$0x3FAE] =	sst s0  }
0x9: {  	[smem:$0x3FAF] =	sst s1  }
0xa: {  	[smem:$0x3FB0] =	sst s2  }
0xb: {  	[smem:$0x3FB1] =	sst s3  }
0xc: {  	[smem:$0x3FB2] =	sst s4  }
0xd: {  	[smem:$0x3FB3] =	sst s5  }
0xe: {  	[smem:$0x3FB4] =	sst s6  }
0xf: {  	[smem:$0x3FB5] =	sst s7  }
0x10: {  	[smem:$0x3FB6] =	sst s8  }
0x11: {  	[smem:$0x3FB7] =	sst s9;
	s0 =	simm.s32 @!p0 $0x0  }
0x12: {  	s1 =	sld [smem:$0x3F9D];
	s0 =	simm.s32 @p0 $0x1  }
0x13: {  	[smem:$0x3FB8] =	sst s0;
	s0 =	simm.s32 @!p1 $0x0  }
0x14: {  	s2 =	sld [smem:$0x3F9C];
	s0 =	simm.s32 @p1 $0x1  }
0x15: {  	[smem:$0x3FB9] =	sst s0;
	s0 =	simm.s32 @!p2 $0x0  }
0x16: {  	s3 =	sld [smem:$0x3FDB];
	s0 =	simm.s32 @p2 $0x1  }
0x17: {  	s4 =	simm.s32 $0x1BF5;
	[smem:$0x3FBB] =	sst s0  }
0x18: {  	s0 =	sld [smem:$0x3F9E];
	_ =	swait.ge [sflag:s4], $0x0  }
0x19: {  	s7 =	sld [smem:$0x3F9F]  }
0x1a: {  	s8 =	sadd.s32 $0xFFFFE003, lr  }
0x1b: {  	s9 =	sadd.s32 $0xFFFFFEF7, lr;
	s5 =	simm.s32 $0xFFFFFFFF;
	p2 =	slt.u32 s8, $0xFFFFF086  }
0x1c: {  	p1 =	slt.u32 s9, $0xF7A;
	s5 =	simm.s32 @!p2 $0x0  }
0x1d: {  	s5 =	simm.s32 @p1 $0x1;
	p0 =	seq.s32 s7, s2  }
0x1e: {  	s7 =	smul.u32 @!p0 $0xF7A, s2;
	p2 =	seq.s32 @!p0 s5, $0x0  }
0x1f: {  	s9 =	smul.u32 $0xF7A, s1;
	s8 =	simm.s32 @!p0 $0x1BF5;
	p2 =	por !p2, p0  }
0x20: {  	[sflag:s8] =	ssyncset.s32 @!p0 $0xFFFFF086;
	s6 =	sadd.s32 @!p0 s3, s7;
	s7 =	simm.s32 @!p0 $0x108  }
0x21: {  	s3 =	sadd.s32 s3, s9;
	s6 =	sadd.s32 @!p0 $0x88, s6;
	s7 =	simm.s32 @p2 $0x1082  }
0x22: {  	[simem:s7], [sflag:s8] =	dma.local @!p0 [hbm:s6], $0xF7A  }
0x23: {  	s9 =	sor.u32 $0xD0000000, s2;
	s6 =	simm.s32 $0x108;
	_ =	swait.ge @!p0 [sflag:s8], $0x0  }
0x24: {  	s3 =	sadd.s32 $0x88, s3;
	s6 =	simm.s32 @!p1 $0x1082;
	[sflag:s4] =	ssyncset.s32 $0xFFFFF086  }
0x25: {  	[simem:s6], [sflag:s4] =	dma.local [hbm:s3], $0xF7A  }
0x26: {  	[smem:$0x3F9F] =	sst s1;
	(tag) =	ssettag s2;
	_ =	strace s9  }
0x27: {  	s1 =	sld [smem:$0x3FAF]  }
0x28: {  	s2 =	sld [smem:$0x3FB0]  }
0x29: {  	s4 =	sld [smem:$0x3FB2]  }
0x2a: {  	p0 =	seq.s32 s5, $0x0;
	s5 =	sld [smem:$0x3FB3]  }
0x2b: {  	s6 =	sld [smem:$0x3FB4]  }
0x2c: {  	s7 =	sld [smem:$0x3FB5]  }
0x2d: {  	s3 =	simm.s32 $0x108;
	s8 =	sld [smem:$0x3FB6]  }
0x2e: {  	s3 =	simm.s32 @!p0 $0x1082;
	s9 =	sld [smem:$0x3FB7]  }
0x2f: {  	lr =	sadd.s32 s0, s3;
	s0 =	sld [smem:$0x3FAE]  }
0x30: {  	s3 =	sld [smem:$0x3FB1]  }
0x31: {  	[smem:$0x3FBA] =	sst s10  }
0x32: {  	s10 =	sld [smem:$0x3FB8];
	_ =	sdelay $0x3  }
0x33: {  	p0 =	seq.s32 s10, $0x1;
	s10 =	sld [smem:$0x3FBA];
	_ =	sdelay $0x3  }
0x34: {  	[smem:$0x3FBA] =	sst s10  }
0x35: {  	s10 =	sld [smem:$0x3FB9];
	_ =	sdelay $0x3  }
0x36: {  	p1 =	seq.s32 s10, $0x1;
	s10 =	sld [smem:$0x3FBA];
	_ =	sdelay $0x3  }
0x37: {  	[smem:$0x3FBA] =	sst s10  }
0x38: {  	s10 =	sld [smem:$0x3FBB]  }
0x39: {  	_ = 	snop;
	(pc) =	sbr.ind lr, $3  }
0x3a: {  	_ = 	snop  }
0x3b: {  	_ = 	snop  }
0x3c: {  	p2 =	seq.s32 s10, $0x1;
	s10 =	sld [smem:$0x3FBA]  }
0x3d: {  	_ =	shalt  }
0x3e: {  	_ =	shalt  }
0x3f: {  	_ =	shalt  }
0x40: {  	_ =	shalt  }
0x41: {  	_ =	shalt  }
0x42: {  	_ =	shalt  }
0x43: {  	_ =	shalt  }
0x44: {  	_ =	shalt  }
0x45: {  	_ =	shalt  }
0x46: {  	_ =	shalt  }
0x47: {  	_ =	shalt  }
0x48: {  	_ =	shalt  }
0x49: {  	_ =	shalt  }
0x4a: {  	_ =	shalt  }
0x4b: {  	_ =	shalt  }
0x4c: {  	_ =	shalt  }
0x4d: {  	_ =	shalt  }
0x4e: {  	_ =	shalt  }
0x4f: {  	_ =	shalt  }
0x50: {  	_ =	shalt  }
0x51: {  	_ =	shalt  }
0x52: {  	_ =	shalt  }
0x53: {  	_ =	shalt  }
0x54: {  	_ =	shalt  }
0x55: {  	_ =	shalt  }
0x56: {  	_ =	shalt  }
0x57: {  	_ =	shalt  }
0x58: {  	_ =	shalt  }
0x59: {  	_ =	shalt  }
0x5a: {  	_ =	shalt  }
0x5b: {  	_ =	shalt  }
0x5c: {  	_ =	shalt  }
0x5d: {  	_ =	shalt  }
0x5e: {  	_ =	shalt  }
0x5f: {  	_ =	shalt  }
0x60: {  	_ =	shalt  }
0x61: {  	_ =	shalt  }
0x62: {  	_ =	shalt  }
0x63: {  	_ =	shalt  }
0x64: {  	_ =	shalt  }
0x65: {  	_ =	shalt  }
0x66: {  	_ =	shalt  }
0x67: {  	_ =	shalt  }
0x68: {  	_ =	shalt  }
0x69: {  	_ =	shalt  }
0x6a: {  	_ =	shalt  }
0x6b: {  	_ =	shalt  }
0x6c: {  	_ =	shalt  }
0x6d: {  	_ =	shalt  }
0x6e: {  	_ =	shalt  }
0x6f: {  	_ =	shalt  }
0x70: {  	_ =	shalt  }
0x71: {  	_ =	shalt  }
0x72: {  	_ =	shalt  }
0x73: {  	_ =	shalt  }
0x74: {  	_ =	shalt  }
0x75: {  	_ =	shalt  }
0x76: {  	_ =	shalt  }
0x77: {  	_ =	shalt  }
0x78: {  	_ =	shalt  }
0x79: {  	_ =	shalt  }
0x7a: {  	_ =	shalt  }
0x7b: {  	_ =	shalt  }
0x7c: {  	_ =	shalt  }
0x7d: {  	_ =	shalt  }
0x7e: {  	_ =	shalt  }
0x7f: {  	_ =	shalt  }
0x80: {  	_ =	shalt  }
0x81: {  	_ =	shalt  }
0x82: {  	_ =	shalt  }
0x83: {  	_ =	shalt  }
0x84: {  	_ =	shalt  }
0x85: {  	_ =	shalt  }
0x86: {  	_ =	shalt  }
0x87: {  	_ =	shalt  }
.Lfunc_end0:
.L_simem_size_0:
called_computation_lowered:
.L_overlay_start_0:
0x88: {  	s2 =	sld [smem:$0x3FD9]  }
0x89: {  	s3 =	sld [smem:$0x3FFE];
	_ =	sdelay $0x1  }
0x8a: {  	s1 =	srdreg.scid  }
0x8b: {  	s0 =	sand.u32 $0x1, s1  }
0x8c: {  	s17 =	sshll.u32 s0, $0xA;
	s2 =	sadd.s32 s3, s2  }
0x8d: {  	s2 =	sadd.s32 s2, s17  }
0x8e: {  	[smem:$0x3FC6] =	sst s2  }
0x8f: {  	_ = 	snop  }
0x90: {  	s2 =	sld [smem:$0x3FD0];
	(tm) =	ssettm $0x1  }
0x91: {  	s18 =	sld [smem:$0x3FFB];
	_ =	sdelay $0x3  }
0x92: {  	_ =	strace s18  }
0x93: {  	s3 =	sld [smem:$0x3FFC];
	_ =	sdelay $0x3  }
0x94: {  	_ =	strace s3  }
0x95: {  	s3 =	sld [smem:$0x3FFD];
	_ =	sdelay $0x3  }
0x96: {  	_ =	strace s3  }
0x97: {  	_ =	strace $0x8FFFFFFF  }
0x98: {  	s19 =	sld [smem:$0x3FDB];
	_ =	sdelay $0x1  }
0x99: {  	s4 =	simm.s32 $_scs_section_size  }
0x9a: {  	s5 =	simm.s32 $_size__tile_overlayer_lowered;
	s6 =	simm.s32 $_tile_overlayer_lowered  }
0x9b: {  	s22 =	simm.s32 $0x1BFF;
	s21 =	sshll.u32 s6, $0x1;
	s3 =	sadd.s32 s4, s19  }
0x9c: {  	s7 =	simm.s32 $0x0;
	s20 =	sshll.u32 s5, $0x1;
	s5 =	sadd.s32 s21, s3  }
0x9d: {  	[timem:s7], [sflag:s22] =	dma.local [hbm:s5], s20  }
0x9e: {  	_ =	swait.ge [sflag:s22], s20  }
0x9f: {  	s4 =	ssub.s32 $0x0, s20;
	[sflag:s22] =	ssyncset.done $0x0  }
0xa0: {  	[sflag:s22] =	ssyncadd.s32 s4;
	_ =	sdelay $0x1  }
0xa1: {  	s23 =	simm.s32 $0x1B8B  }
0xa2: {  	_ =	swait.ge [sflag:s23], $0x1  }
0xa3: {  	[sflag:s23] =	ssyncset.done $0x0  }
0xa4: {  	s25 =	simm.s32 $0x1B8E;
	s24 =	sld [smem:$0x3FFE];
	[sflag:s23] =	ssyncadd.s32 $0xFFFFFFFF  }
0xa5: {  	s26 =	simm.s32 $execute0_lowered;
	[smem:$0x3FD2] =	sst s25  }
0xa6: {  	s5 =	sshll.u32 s26, $0x1;
	_ =	strace $0x80000046;
	[dreg:$0x1] =	wrdreg $0xFFFFFFFF  }
0xa7: {  	s28 =	simm.s32 $_size_execute0_lowered;
	s3 =	sadd.s32 s3, s5;
	[dreg:$0x0] =	wrdreg $0x0  }
0xa8: {  	s5 =	sshll.u32 s28, $0x1;
	[dreg:$0x2] =	wrdreg s3  }
0xa9: {  	[dreg:$0x3] =	wrdreg s5  }
0xaa: {  	[dreg:$0x4] =	wrdreg $0xC0  }
0xab: {  	_ =	task [dreg:s7], $0x5FFFF  }
0xac: {  	[dreg:$0x1] =	wrdreg $0xFFFFFFFF  }
0xad: {  	[dreg:$0x0] =	wrdreg $0x60  }
0xae: {  	[dreg:$0x2] =	wrdreg s24  }
0xaf: {  	[dreg:$0x3] =	wrdreg s2  }
0xb0: {  	[dreg:$0x4] =	wrdreg $0x9  }
0xb1: {  	_ =	task.clear_ibuf [dreg:s7], $0x5FFFF;
	_ =	strace $0x90000046  }
0xb2: {  	s29 =	simm.s32 $0x9;
	_ =	strace $0x80000048  }
0xb3: {  	_ =	swait.ge [sflag:s29], $0x1  }
0xb4: {  	[sflag:s29] =	ssyncadd.s32 $0xFFFFFFFF  }
0xb5: {  	_ =	strace $0x90000048  }
0xb6: {  	_ =	sfence  }
0xb7: {  	s30 =	sld [smem:$0x0];
	_ =	sdelay $0x2  }
0xb8: {  	s31 =	sshll.u32 s1, $0xD;
	s1 =	sshrl.u32 s1, $0x2  }
0xb9: {  	s3 =	sand.u32 $0x4000, s31;
	s1 =	sadd.s32 s1, s30  }
0xba: {  	s0 =	sor.u32 s3, s0;
	s1 =	sshll.u32 s1, $0x11  }
0xbb: {  	s0 =	sor.u32 s1, s0  }
0xbc: {  	s0 =	sadd.s32 $0x8F2B, s0  }
0xbd: {  	[sflag:s0] =	ssyncadd.remote.s32 $0x1  }
0xbe: {  	_ =	sfence.sel $0xFFFF  }
0xbf: {  	[dreg:$0x0] =	wrdreg $0xFFFFFFFF;
	(pc) =	sbr.abs _section_cstart, $3  }
0xc0: {  	[dreg:$0x1] =	wrdreg $0xFFFFFFFF  }
0xc1: {  	_ =	task.clear_ibuf [dreg:s7], $0x2FFFF;
	_ =	strace $0x9FFFFFFF  }
0xc2: {  	(tm) =	ssettm $0x7FFFFFFF  }
0xc3: {  	_ =	shalt  }
tec
execute0_lowered:
.L_overlay_start_1:
0x0: {  	(tag) =	ssettag $0x1  }
0x1: {  	s6 =	rddreg [dreg:$0x0];
	s1 =	srdreg.scid  }
0x2: {  	s0 =	stileid.u32;
	s7 =	rddreg [dreg:$0x1]  }
0x3: {  	s2 =	simm.s32 $0x0;
	s4 =	sand.u32 $0x1, s1;
	s3 =	sshll.u32 s0, $0x1  }
0x4: {  	s12 =	simm.s32 $0x6280;
	s13 =	simm.s32 $0x7680;
	s3 =	sor.u32 s4, s3  }
0x5: {  	s14 =	simm.s32 $0x0;
	s1 =	rddreg [dreg:$0x2];
	s3 =	smul.u32 $0xA0, s3  }
0x6: {  	[smem:$0x7FF] =	sst s2;
	s5 =	sadd.s32 $0x2A00, s6;
	s8 =	ssub.s32 $0x2, s4  }
0x7: {  	_ =	strace $0x80000047;
	s10 =	sshrl.u32 s8, $0x1;
	s9 =	sshrl.u32 s3, $0x3  }
0x8: {  	s4 =	sadd.s32 $0x1C00, s6;
	s10 =	ssub.s32 s8, s10;
	s11 =	sadd.s32 s9, s6  }
0x9: {  	s10 =	smax.u32 s10, $0x1;
	s6 =	sadd.s32 s7, s9;
	s7 =	sadd.s32 $0x2E00, s11  }
0xa: {  	v0 =	vlaneseq.u32;
	s8 =	sadd.s32 $0x3200, s11;
	s9 =	sadd.s32 $0x3600, s11;
	s11 =	simm.s32 $0x1  }
.LBB2_1:
0xb: {  	s15 =	simm.s32 $0x4E80  }
0xc: {  	[tilespmem:s15], [sflag:$0x1] =	stream.linear.gather [hbm4b:s5+s2], $0x1400, $0x38;
	[tilespmem:$0x7780] =	vst v63  }
0xd: {  	_ =	swait.ge [sflag:s11], $0x1400  }
0xe: {  	[sflag:s11] =	ssyncset.done $0x0  }
0xf: {  	[sflag:s11] =	ssyncadd.s32 $0xFFFFEC00  }
0x10: {  	[tilespmem:s2], [sflag:$0x1] =	stream.linear.gather [hbm4b:s4+s2], $0x4E80, $0x38;
	[tilespmem:$0x7780] =	vst v63  }
0x11: {  	_ =	swait.ge [sflag:s11], $0x4E80  }
0x12: {  	[sflag:s11] =	ssyncset.done $0x0  }
0x13: {  	[sflag:s11] =	ssyncadd.s32 $0xFFFFB180  }
0x14: {  	s16 =	simm.s32 $0x10;
	s17 =	simm.s32 $0x0;
	v1 =	vld [tilespmem:s15+$0x0]  }
.LBB2_2:
0x15: {  	p0 =	sne.s32 s16, $0x13F0;
	_ =	sdelay $0x3  }
.Ltmp0:
0x16: {  	(pc) =	sbr.rel @p0 .LBB2_2-.Ltmp0, $4  }
0x17: {  	_ = 	snop  }
0x18: {  	v2 =	vor.u32 s17, v0;
	s17 =	smov.u32 s16  }
0x19: {  	s15 =	sadd.s32 $0x10, s15;
	[tilespmem:v1+s12+$0x0] =	vst.idx.msk $0xffff, v2  }
0x1a: {  	s16 =	sadd.s32 $0x10, s16;
	v1 =	vld [tilespmem:s15+$0x0]  }
0x1b: {  	_ =	sdelay $0x6  }
0x1c: {  	v2 =	vor.u32 s17, v0  }
0x1d: {  	[tilespmem:v1+s12+$0x0] =	vst.idx.msk $0xffff, v2  }
0x1e: {  	v1 =	vld [tilespmem:s3+$0x6280];
	_ =	sdelay $0x4  }
0x1f: {  	vm0 =	vlt.s32 v1, $0x1387  }
0x20: {  	v1 =	vnsel vm0, $0x1387, v1  }
0x21: {  	v1 =	vshll.u32 v1, $0x2;
	_ =	sdelay $0x4  }
0x22: {  	v1 =	vld.idx.msk [tilespmem:v1+s2+$0x0], $0xffff;
	_ =	sdelay $0x4  }
0x23: {  	[tilespmem:$0x7680] =	vst v1  }
0x24: {  	v1 =	vld [tilespmem:s3+$0x6290];
	_ =	sdelay $0x4  }
0x25: {  	vm13 =	vlt.s32 v1, $0x1387  }
0x26: {  	v1 =	vnsel vm13, $0x1387, v1  }
0x27: {  	v1 =	vshll.u32 v1, $0x2;
	_ =	sdelay $0x4  }
0x28: {  	v1 =	vld.idx.msk [tilespmem:v1+s2+$0x0], $0xffff;
	_ =	sdelay $0x4  }
0x29: {  	[tilespmem:$0x7690] =	vst v1  }
0x2a: {  	v1 =	vld [tilespmem:s3+$0x62A0];
	_ =	sdelay $0x4  }
0x2b: {  	vm14 =	vlt.s32 v1, $0x1387  }
0x2c: {  	v1 =	vnsel vm14, $0x1387, v1  }
0x2d: {  	v1 =	vshll.u32 v1, $0x2;
	_ =	sdelay $0x4  }
0x2e: {  	v1 =	vld.idx.msk [tilespmem:v1+s2+$0x0], $0xffff;
	_ =	sdelay $0x4  }
0x2f: {  	[tilespmem:$0x76A0] =	vst v1  }
0x30: {  	v1 =	vld [tilespmem:s3+$0x62B0];
	_ =	sdelay $0x4  }
0x31: {  	vm15 =	vlt.s32 v1, $0x1387  }
0x32: {  	v1 =	vnsel vm15, $0x1387, v1  }
0x33: {  	v1 =	vshll.u32 v1, $0x2;
	_ =	sdelay $0x4  }
0x34: {  	v1 =	vld.idx.msk [tilespmem:v1+s2+$0x0], $0xffff;
	_ =	sdelay $0x4  }
0x35: {  	[tilespmem:$0x76B0] =	vst v1  }
0x36: {  	v1 =	vld [tilespmem:s3+$0x62C0];
	_ =	sdelay $0x4  }
0x37: {  	vm4 =	vlt.s32 v1, $0x1387  }
0x38: {  	v1 =	vnsel vm4, $0x1387, v1  }
0x39: {  	v1 =	vshll.u32 v1, $0x2;
	_ =	sdelay $0x4  }
0x3a: {  	v1 =	vld.idx.msk [tilespmem:v1+s2+$0x0], $0xffff;
	_ =	sdelay $0x4  }
0x3b: {  	[tilespmem:$0x76C0] =	vst v1  }
0x3c: {  	v1 =	vld [tilespmem:s3+$0x62D0];
	_ =	sdelay $0x4  }
0x3d: {  	vm5 =	vlt.s32 v1, $0x1387  }
0x3e: {  	v1 =	vnsel vm5, $0x1387, v1  }
0x3f: {  	v1 =	vshll.u32 v1, $0x2;
	_ =	sdelay $0x4  }
0x40: {  	v1 =	vld.idx.msk [tilespmem:v1+s2+$0x0], $0xffff;
	_ =	sdelay $0x4  }
0x41: {  	[tilespmem:$0x76D0] =	vst v1  }
0x42: {  	v1 =	vld [tilespmem:s3+$0x62E0];
	_ =	sdelay $0x4  }
0x43: {  	vm6 =	vlt.s32 v1, $0x1387  }
0x44: {  	v1 =	vnsel vm6, $0x1387, v1  }
0x45: {  	v1 =	vshll.u32 v1, $0x2;
	_ =	sdelay $0x4  }
0x46: {  	v1 =	vld.idx.msk [tilespmem:v1+s2+$0x0], $0xffff;
	_ =	sdelay $0x4  }
0x47: {  	[tilespmem:$0x76E0] =	vst v1  }
0x48: {  	v1 =	vld [tilespmem:s3+$0x62F0];
	_ =	sdelay $0x4  }
0x49: {  	vm7 =	vlt.s32 v1, $0x1387  }
0x4a: {  	v1 =	vnsel vm7, $0x1387, v1  }
0x4b: {  	v1 =	vshll.u32 v1, $0x2;
	_ =	sdelay $0x4  }
0x4c: {  	v1 =	vld.idx.msk [tilespmem:v1+s2+$0x0], $0xffff;
	_ =	sdelay $0x4  }
0x4d: {  	[tilespmem:$0x76F0] =	vst v1  }
0x4e: {  	v1 =	vld [tilespmem:s3+$0x6300];
	_ =	sdelay $0x4  }
0x4f: {  	vm8 =	vlt.s32 v1, $0x1387  }
0x50: {  	v1 =	vnsel vm8, $0x1387, v1  }
0x51: {  	v1 =	vshll.u32 v1, $0x2;
	_ =	sdelay $0x4  }
0x52: {  	v1 =	vld.idx.msk [tilespmem:v1+s2+$0x0], $0xffff;
	_ =	sdelay $0x4  }
0x53: {  	[tilespmem:$0x7700] =	vst v1  }
0x54: {  	v1 =	vld [tilespmem:s3+$0x6310];
	_ =	sdelay $0x4  }
0x55: {  	vm9 =	vlt.s32 v1, $0x1387  }
0x56: {  	v1 =	vnsel vm9, $0x1387, v1  }
0x57: {  	v1 =	vshll.u32 v1, $0x2;
	_ =	sdelay $0x4  }
0x58: {  	v1 =	vld.idx.msk [tilespmem:v1+s2+$0x0], $0xffff;
	_ =	sdelay $0x4  }
0x59: {  	[tilespmem:$0x7710] =	vst v1  }
0x5a: {  	[hbm4b:s6+s2] =	stream.linear.scatter [tilespmem:s13], [sflag:$0x1], $0xA0, $0x38;
	[tilespmem:$0x7780] =	vst v63  }
0x5b: {  	_ =	swait.ge [sflag:s11], $0xA0  }
0x5c: {  	[sflag:s11] =	ssyncset.done $0x0  }
0x5d: {  	[sflag:s11] =	ssyncadd.s32 $0xFFFFFF60  }
0x5e: {  	v1 =	vld [tilespmem:s3+$0x6280];
	_ =	sdelay $0x4  }
0x5f: {  	vm10 =	vlt.s32 v1, $0x1387  }
0x60: {  	v1 =	vnsel vm10, $0x1387, v1  }
0x61: {  	v1 =	vshll.u32 v1, $0x2  }
0x62: {  	v1 =	vor.u32 $0x1, v1;
	_ =	sdelay $0x4  }
0x63: {  	v1 =	vld.idx.msk [tilespmem:v1+s2+$0x0], $0xffff;
	_ =	sdelay $0x4  }
0x64: {  	[tilespmem:$0x7680] =	vst v1  }
0x65: {  	v1 =	vld [tilespmem:s3+$0x6290];
	_ =	sdelay $0x4  }
0x66: {  	vm11 =	vlt.s32 v1, $0x1387  }
0x67: {  	v1 =	vnsel vm11, $0x1387, v1  }
0x68: {  	v1 =	vshll.u32 v1, $0x2  }
0x69: {  	v1 =	vor.u32 $0x1, v1;
	_ =	sdelay $0x4  }
0x6a: {  	v1 =	vld.idx.msk [tilespmem:v1+s2+$0x0], $0xffff;
	_ =	sdelay $0x4  }
0x6b: {  	[tilespmem:$0x7690] =	vst v1  }
0x6c: {  	v1 =	vld [tilespmem:s3+$0x62A0];
	_ =	sdelay $0x4  }
0x6d: {  	vm12 =	vlt.s32 v1, $0x1387  }
0x6e: {  	v1 =	vnsel vm12, $0x1387, v1  }
0x6f: {  	v1 =	vshll.u32 v1, $0x2  }
0x70: {  	v1 =	vor.u32 $0x1, v1;
	_ =	sdelay $0x4  }
0x71: {  	v1 =	vld.idx.msk [tilespmem:v1+s2+$0x0], $0xffff;
	_ =	sdelay $0x4  }
0x72: {  	[tilespmem:$0x76A0] =	vst v1  }
0x73: {  	v1 =	vld [tilespmem:s3+$0x62B0];
	_ =	sdelay $0x4  }
0x74: {  	vm13 =	vlt.s32 v1, $0x1387  }
0x75: {  	v1 =	vnsel vm13, $0x1387, v1  }
0x76: {  	v1 =	vshll.u32 v1, $0x2  }
0x77: {  	v1 =	vor.u32 $0x1, v1;
	_ =	sdelay $0x4  }
0x78: {  	v1 =	vld.idx.msk [tilespmem:v1+s2+$0x0], $0xffff;
	_ =	sdelay $0x4  }
0x79: {  	[tilespmem:$0x76B0] =	vst v1  }
0x7a: {  	v1 =	vld [tilespmem:s3+$0x62C0];
	_ =	sdelay $0x4  }
0x7b: {  	vm14 =	vlt.s32 v1, $0x1387  }
0x7c: {  	v1 =	vnsel vm14, $0x1387, v1  }
0x7d: {  	v1 =	vshll.u32 v1, $0x2  }
0x7e: {  	v1 =	vor.u32 $0x1, v1;
	_ =	sdelay $0x4  }
0x7f: {  	v1 =	vld.idx.msk [tilespmem:v1+s2+$0x0], $0xffff;
	_ =	sdelay $0x4  }
0x80: {  	[tilespmem:$0x76C0] =	vst v1  }
0x81: {  	v1 =	vld [tilespmem:s3+$0x62D0];
	_ =	sdelay $0x4  }
0x82: {  	vm15 =	vlt.s32 v1, $0x1387  }
0x83: {  	v1 =	vnsel vm15, $0x1387, v1  }
0x84: {  	v1 =	vshll.u32 v1, $0x2  }
0x85: {  	v1 =	vor.u32 $0x1, v1;
	_ =	sdelay $0x4  }
0x86: {  	v1 =	vld.idx.msk [tilespmem:v1+s2+$0x0], $0xffff;
	_ =	sdelay $0x4  }
0x87: {  	[tilespmem:$0x76D0] =	vst v1  }
0x88: {  	v1 =	vld [tilespmem:s3+$0x62E0];
	_ =	sdelay $0x4  }
0x89: {  	vm4 =	vlt.s32 v1, $0x1387  }
0x8a: {  	v1 =	vnsel vm4, $0x1387, v1  }
0x8b: {  	v1 =	vshll.u32 v1, $0x2  }
0x8c: {  	v1 =	vor.u32 $0x1, v1;
	_ =	sdelay $0x4  }
0x8d: {  	v1 =	vld.idx.msk [tilespmem:v1+s2+$0x0], $0xffff;
	_ =	sdelay $0x4  }
0x8e: {  	[tilespmem:$0x76E0] =	vst v1  }
0x8f: {  	v1 =	vld [tilespmem:s3+$0x62F0];
	_ =	sdelay $0x4  }
0x90: {  	vm5 =	vlt.s32 v1, $0x1387  }
0x91: {  	v1 =	vnsel vm5, $0x1387, v1  }
0x92: {  	v1 =	vshll.u32 v1, $0x2  }
0x93: {  	v1 =	vor.u32 $0x1, v1;
	_ =	sdelay $0x4  }
0x94: {  	v1 =	vld.idx.msk [tilespmem:v1+s2+$0x0], $0xffff;
	_ =	sdelay $0x4  }
0x95: {  	[tilespmem:$0x76F0] =	vst v1  }
0x96: {  	v1 =	vld [tilespmem:s3+$0x6300];
	_ =	sdelay $0x4  }
0x97: {  	vm6 =	vlt.s32 v1, $0x1387  }
0x98: {  	v1 =	vnsel vm6, $0x1387, v1  }
0x99: {  	v1 =	vshll.u32 v1, $0x2  }
0x9a: {  	v1 =	vor.u32 $0x1, v1;
	_ =	sdelay $0x4  }
0x9b: {  	v1 =	vld.idx.msk [tilespmem:v1+s2+$0x0], $0xffff;
	_ =	sdelay $0x4  }
0x9c: {  	[tilespmem:$0x7700] =	vst v1  }
0x9d: {  	v1 =	vld [tilespmem:s3+$0x6310];
	_ =	sdelay $0x4  }
0x9e: {  	vm7 =	vlt.s32 v1, $0x1387  }
0x9f: {  	v1 =	vnsel vm7, $0x1387, v1  }
0xa0: {  	v1 =	vshll.u32 v1, $0x2  }
0xa1: {  	v1 =	vor.u32 $0x1, v1;
	_ =	sdelay $0x4  }
0xa2: {  	v1 =	vld.idx.msk [tilespmem:v1+s2+$0x0], $0xffff;
	_ =	sdelay $0x4  }
0xa3: {  	[tilespmem:$0x7710] =	vst v1  }
0xa4: {  	[hbm4b:s7+s2] =	stream.linear.scatter [tilespmem:s13], [sflag:$0x1], $0xA0, $0x38;
	[tilespmem:$0x7780] =	vst v63  }
0xa5: {  	_ =	swait.ge [sflag:s11], $0xA0  }
0xa6: {  	[sflag:s11] =	ssyncset.done $0x0  }
0xa7: {  	[sflag:s11] =	ssyncadd.s32 $0xFFFFFF60  }
0xa8: {  	v1 =	vld [tilespmem:s3+$0x6280];
	_ =	sdelay $0x4  }
0xa9: {  	vm8 =	vlt.s32 v1, $0x1387  }
0xaa: {  	v1 =	vnsel vm8, $0x1387, v1  }
0xab: {  	v1 =	vshll.u32 v1, $0x2  }
0xac: {  	v1 =	vor.u32 $0x2, v1;
	_ =	sdelay $0x4  }
0xad: {  	v1 =	vld.idx.msk [tilespmem:v1+s2+$0x0], $0xffff;
	_ =	sdelay $0x4  }
0xae: {  	[tilespmem:$0x7680] =	vst v1  }
0xaf: {  	v1 =	vld [tilespmem:s3+$0x6290];
	_ =	sdelay $0x4  }
0xb0: {  	vm9 =	vlt.s32 v1, $0x1387  }
0xb1: {  	v1 =	vnsel vm9, $0x1387, v1  }
0xb2: {  	v1 =	vshll.u32 v1, $0x2  }
0xb3: {  	v1 =	vor.u32 $0x2, v1;
	_ =	sdelay $0x4  }
0xb4: {  	v1 =	vld.idx.msk [tilespmem:v1+s2+$0x0], $0xffff;
	_ =	sdelay $0x4  }
0xb5: {  	[tilespmem:$0x7690] =	vst v1  }
0xb6: {  	v1 =	vld [tilespmem:s3+$0x62A0];
	_ =	sdelay $0x4  }
0xb7: {  	vm10 =	vlt.s32 v1, $0x1387  }
0xb8: {  	v1 =	vnsel vm10, $0x1387, v1  }
0xb9: {  	v1 =	vshll.u32 v1, $0x2  }
0xba: {  	v1 =	vor.u32 $0x2, v1;
	_ =	sdelay $0x4  }
0xbb: {  	v1 =	vld.idx.msk [tilespmem:v1+s2+$0x0], $0xffff;
	_ =	sdelay $0x4  }
0xbc: {  	[tilespmem:$0x76A0] =	vst v1  }
0xbd: {  	v1 =	vld [tilespmem:s3+$0x62B0];
	_ =	sdelay $0x4  }
0xbe: {  	vm11 =	vlt.s32 v1, $0x1387  }
0xbf: {  	v1 =	vnsel vm11, $0x1387, v1  }
0xc0: {  	v1 =	vshll.u32 v1, $0x2  }
0xc1: {  	v1 =	vor.u32 $0x2, v1;
	_ =	sdelay $0x4  }
0xc2: {  	v1 =	vld.idx.msk [tilespmem:v1+s2+$0x0], $0xffff;
	_ =	sdelay $0x4  }
0xc3: {  	[tilespmem:$0x76B0] =	vst v1  }
0xc4: {  	v1 =	vld [tilespmem:s3+$0x62C0];
	_ =	sdelay $0x4  }
0xc5: {  	vm12 =	vlt.s32 v1, $0x1387  }
0xc6: {  	v1 =	vnsel vm12, $0x1387, v1  }
0xc7: {  	v1 =	vshll.u32 v1, $0x2  }
0xc8: {  	v1 =	vor.u32 $0x2, v1;
	_ =	sdelay $0x4  }
0xc9: {  	v1 =	vld.idx.msk [tilespmem:v1+s2+$0x0], $0xffff;
	_ =	sdelay $0x4  }
0xca: {  	[tilespmem:$0x76C0] =	vst v1  }
0xcb: {  	v1 =	vld [tilespmem:s3+$0x62D0];
	_ =	sdelay $0x4  }
0xcc: {  	vm13 =	vlt.s32 v1, $0x1387  }
0xcd: {  	v1 =	vnsel vm13, $0x1387, v1  }
0xce: {  	v1 =	vshll.u32 v1, $0x2  }
0xcf: {  	v1 =	vor.u32 $0x2, v1;
	_ =	sdelay $0x4  }
0xd0: {  	v1 =	vld.idx.msk [tilespmem:v1+s2+$0x0], $0xffff;
	_ =	sdelay $0x4  }
0xd1: {  	[tilespmem:$0x76D0] =	vst v1  }
0xd2: {  	v1 =	vld [tilespmem:s3+$0x62E0];
	_ =	sdelay $0x4  }
0xd3: {  	vm14 =	vlt.s32 v1, $0x1387  }
0xd4: {  	v1 =	vnsel vm14, $0x1387, v1  }
0xd5: {  	v1 =	vshll.u32 v1, $0x2  }
0xd6: {  	v1 =	vor.u32 $0x2, v1;
	_ =	sdelay $0x4  }
0xd7: {  	v1 =	vld.idx.msk [tilespmem:v1+s2+$0x0], $0xffff;
	_ =	sdelay $0x4  }
0xd8: {  	[tilespmem:$0x76E0] =	vst v1  }
0xd9: {  	v1 =	vld [tilespmem:s3+$0x62F0];
	_ =	sdelay $0x4  }
0xda: {  	vm15 =	vlt.s32 v1, $0x1387  }
0xdb: {  	v1 =	vnsel vm15, $0x1387, v1  }
0xdc: {  	v1 =	vshll.u32 v1, $0x2  }
0xdd: {  	v1 =	vor.u32 $0x2, v1;
	_ =	sdelay $0x4  }
0xde: {  	v1 =	vld.idx.msk [tilespmem:v1+s2+$0x0], $0xffff;
	_ =	sdelay $0x4  }
0xdf: {  	[tilespmem:$0x76F0] =	vst v1  }
0xe0: {  	v1 =	vld [tilespmem:s3+$0x6300];
	_ =	sdelay $0x4  }
0xe1: {  	vm4 =	vlt.s32 v1, $0x1387  }
0xe2: {  	v1 =	vnsel vm4, $0x1387, v1  }
0xe3: {  	v1 =	vshll.u32 v1, $0x2  }
0xe4: {  	v1 =	vor.u32 $0x2, v1;
	_ =	sdelay $0x4  }
0xe5: {  	v1 =	vld.idx.msk [tilespmem:v1+s2+$0x0], $0xffff;
	_ =	sdelay $0x4  }
0xe6: {  	[tilespmem:$0x7700] =	vst v1  }
0xe7: {  	v1 =	vld [tilespmem:s3+$0x6310];
	_ =	sdelay $0x4  }
0xe8: {  	vm5 =	vlt.s32 v1, $0x1387  }
0xe9: {  	v1 =	vnsel vm5, $0x1387, v1  }
0xea: {  	v1 =	vshll.u32 v1, $0x2  }
0xeb: {  	v1 =	vor.u32 $0x2, v1;
	_ =	sdelay $0x4  }
0xec: {  	v1 =	vld.idx.msk [tilespmem:v1+s2+$0x0], $0xffff;
	_ =	sdelay $0x4  }
0xed: {  	[tilespmem:$0x7710] =	vst v1  }
0xee: {  	[hbm4b:s8+s2] =	stream.linear.scatter [tilespmem:s13], [sflag:$0x1], $0xA0, $0x38;
	[tilespmem:$0x7780] =	vst v63  }
0xef: {  	_ =	swait.ge [sflag:s11], $0xA0  }
0xf0: {  	[sflag:s11] =	ssyncset.done $0x0  }
0xf1: {  	[sflag:s11] =	ssyncadd.s32 $0xFFFFFF60  }
0xf2: {  	v1 =	vld [tilespmem:s3+$0x6280];
	_ =	sdelay $0x4  }
0xf3: {  	vm6 =	vlt.s32 v1, $0x1387  }
0xf4: {  	v1 =	vnsel vm6, $0x1387, v1  }
0xf5: {  	v1 =	vshll.u32 v1, $0x2  }
0xf6: {  	v1 =	vor.u32 $0x3, v1;
	_ =	sdelay $0x4  }
0xf7: {  	v1 =	vld.idx.msk [tilespmem:v1+s2+$0x0], $0xffff;
	_ =	sdelay $0x4  }
0xf8: {  	[tilespmem:$0x7680] =	vst v1  }
0xf9: {  	v1 =	vld [tilespmem:s3+$0x6290];
	_ =	sdelay $0x4  }
0xfa: {  	vm7 =	vlt.s32 v1, $0x1387  }
0xfb: {  	v1 =	vnsel vm7, $0x1387, v1  }
0xfc: {  	v1 =	vshll.u32 v1, $0x2  }
0xfd: {  	v1 =	vor.u32 $0x3, v1;
	_ =	sdelay $0x4  }
0xfe: {  	v1 =	vld.idx.msk [tilespmem:v1+s2+$0x0], $0xffff;
	_ =	sdelay $0x4  }
0xff: {  	[tilespmem:$0x7690] =	vst v1  }
0x100: {  	v1 =	vld [tilespmem:s3+$0x62A0];
	_ =	sdelay $0x4  }
0x101: {  	vm8 =	vlt.s32 v1, $0x1387  }
0x102: {  	v1 =	vnsel vm8, $0x1387, v1  }
0x103: {  	v1 =	vshll.u32 v1, $0x2  }
0x104: {  	v1 =	vor.u32 $0x3, v1;
	_ =	sdelay $0x4  }
0x105: {  	v1 =	vld.idx.msk [tilespmem:v1+s2+$0x0], $0xffff;
	_ =	sdelay $0x4  }
0x106: {  	[tilespmem:$0x76A0] =	vst v1  }
0x107: {  	v1 =	vld [tilespmem:s3+$0x62B0];
	_ =	sdelay $0x4  }
0x108: {  	vm9 =	vlt.s32 v1, $0x1387  }
0x109: {  	v1 =	vnsel vm9, $0x1387, v1  }
0x10a: {  	v1 =	vshll.u32 v1, $0x2  }
0x10b: {  	v1 =	vor.u32 $0x3, v1;
	_ =	sdelay $0x4  }
0x10c: {  	v1 =	vld.idx.msk [tilespmem:v1+s2+$0x0], $0xffff;
	_ =	sdelay $0x4  }
0x10d: {  	[tilespmem:$0x76B0] =	vst v1  }
0x10e: {  	v1 =	vld [tilespmem:s3+$0x62C0];
	_ =	sdelay $0x4  }
0x10f: {  	vm10 =	vlt.s32 v1, $0x1387  }
0x110: {  	v1 =	vnsel vm10, $0x1387, v1  }
0x111: {  	v1 =	vshll.u32 v1, $0x2  }
0x112: {  	v1 =	vor.u32 $0x3, v1;
	_ =	sdelay $0x4  }
0x113: {  	v1 =	vld.idx.msk [tilespmem:v1+s2+$0x0], $0xffff;
	_ =	sdelay $0x4  }
0x114: {  	[tilespmem:$0x76C0] =	vst v1  }
0x115: {  	v1 =	vld [tilespmem:s3+$0x62D0];
	_ =	sdelay $0x4  }
0x116: {  	vm11 =	vlt.s32 v1, $0x1387  }
0x117: {  	v1 =	vnsel vm11, $0x1387, v1  }
0x118: {  	v1 =	vshll.u32 v1, $0x2  }
0x119: {  	v1 =	vor.u32 $0x3, v1;
	_ =	sdelay $0x4  }
0x11a: {  	v1 =	vld.idx.msk [tilespmem:v1+s2+$0x0], $0xffff;
	_ =	sdelay $0x4  }
0x11b: {  	[tilespmem:$0x76D0] =	vst v1  }
0x11c: {  	v1 =	vld [tilespmem:s3+$0x62E0];
	_ =	sdelay $0x4  }
0x11d: {  	vm12 =	vlt.s32 v1, $0x1387  }
0x11e: {  	v1 =	vnsel vm12, $0x1387, v1  }
0x11f: {  	v1 =	vshll.u32 v1, $0x2  }
0x120: {  	v1 =	vor.u32 $0x3, v1;
	_ =	sdelay $0x4  }
0x121: {  	v1 =	vld.idx.msk [tilespmem:v1+s2+$0x0], $0xffff;
	_ =	sdelay $0x4  }
0x122: {  	[tilespmem:$0x76E0] =	vst v1  }
0x123: {  	v1 =	vld [tilespmem:s3+$0x62F0];
	_ =	sdelay $0x4  }
0x124: {  	vm13 =	vlt.s32 v1, $0x1387  }
0x125: {  	v1 =	vnsel vm13, $0x1387, v1  }
0x126: {  	v1 =	vshll.u32 v1, $0x2  }
0x127: {  	v1 =	vor.u32 $0x3, v1;
	_ =	sdelay $0x4  }
0x128: {  	v1 =	vld.idx.msk [tilespmem:v1+s2+$0x0], $0xffff;
	_ =	sdelay $0x4  }
0x129: {  	[tilespmem:$0x76F0] =	vst v1  }
0x12a: {  	v1 =	vld [tilespmem:s3+$0x6300];
	_ =	sdelay $0x4  }
0x12b: {  	vm14 =	vlt.s32 v1, $0x1387  }
0x12c: {  	v1 =	vnsel vm14, $0x1387, v1  }
0x12d: {  	v1 =	vshll.u32 v1, $0x2  }
0x12e: {  	v1 =	vor.u32 $0x3, v1;
	_ =	sdelay $0x4  }
0x12f: {  	v1 =	vld.idx.msk [tilespmem:v1+s2+$0x0], $0xffff;
	_ =	sdelay $0x4  }
0x130: {  	[tilespmem:$0x7700] =	vst v1  }
0x131: {  	v1 =	vld [tilespmem:s3+$0x6310];
	_ =	sdelay $0x4  }
0x132: {  	vm15 =	vlt.s32 v1, $0x1387  }
0x133: {  	v1 =	vnsel vm15, $0x1387, v1  }
0x134: {  	v1 =	vshll.u32 v1, $0x2  }
0x135: {  	v1 =	vor.u32 $0x3, v1;
	_ =	sdelay $0x4  }
0x136: {  	v1 =	vld.idx.msk [tilespmem:v1+s2+$0x0], $0xffff;
	_ =	sdelay $0x2  }
0x137: {  	s14 =	sadd.s32 $0x1, s14  }
0x138: {  	p0 =	sne.s32 s14, s10  }
.Ltmp1:
0x139: {  	[tilespmem:$0x7710] =	vst v1;
	(pc) =	sbr.rel @p0 .LBB2_1-.Ltmp1, $4  }
0x13a: {  	[hbm4b:s9+s2] =	stream.linear.scatter [tilespmem:s13], [sflag:$0x1], $0xA0, $0x38;
	[tilespmem:$0x7780] =	vst v63  }
0x13b: {  	_ =	swait.ge [sflag:s11], $0xA0  }
0x13c: {  	[sflag:s11] =	ssyncset.done $0x0  }
0x13d: {  	[sflag:s11] =	ssyncadd.s32 $0xFFFFFF60  }
0x13e: {  	_ =	sfence.sel $0x180000  }
0x13f: {  	[bflag:$0x0] =	sbarrier.arrive $0xFFFF  }
0x140: {  	p0 =	sne.s32 s0, $0x0;
	_ =	strace $0x90000047  }
0x141: {  	s0 =	sadd.s32 @!p0 $0x100000, s1;
	[bflag:$0x2] =	sbarrier.arrive $0xFFFF  }
0x142: {  	[sflag:s0] =	ssyncadd.tile.s32 @!p0 $0x1;
	_ =	shalt  }
.Lfunc_end2:
_tile_overlayer_lowered:
.L_overlay_start_2:
0x143: {  	(tag) =	ssettag $0x2  }
0x144: {  	s0 =	rddreg [dreg:$0x0];
	s2 =	stileid.u32  }
0x145: {  	s1 =	rddreg [dreg:$0x1];
	p0 =	sne.s32 s2, $0x0  }
0x146: {  	s3 =	rddreg [dreg:$0x2];
	[bflag:$0x3] =	sbarrier.arrive $0xFFFF;
	s2 =	simm.s32 @!p0 $0x1C01  }
0x147: {  	[timem:s3], [sflag:s2] =	dma.local @!p0 [hbm:s0], s1  }
0x148: {  	s0 =	simm.s32 @!p0 $0x1  }
0x149: {  	_ =	swait.ge @!p0 [sflag:s0], s1  }
0x14a: {  	s1 =	ssub.s32 @!p0 $0x0, s1;
	[sflag:s0] =	ssyncset.done @!p0 $0x0  }
0x14b: {  	[sflag:s0] =	ssyncadd.s32 @!p0 s1  }
0x14c: {  	[bflag:$0x3] =	sbarrier.arrive $0xFFFF  }
0x14d: {  	_ =	shalt  }

// kernel: kernel.9.cloned.1.call-start
scs
__scs_entry_jumppad:
0x0: {  	(pc) =	sbr.rel $0x88, $3  }
0x1: {  	(tag) =	ssettag $0x0;
	lr =	simm.s32 $0x1  }
0x2: {  	[smem:$0x3F9F] =	sst lr;
	_ =	strace $0xD0000000  }
0x3: {  	_ = 	snop  }
0x4: {  	_ = 	snop  }
0x5: {  	_ = 	snop  }
0x6: {  	_ = 	snop  }
0x7: {  	_ = 	snop  }
__scs_overlays_trampoline_lowered:
0x8: {  	[smem:$0x3FAE] =	sst s0  }
0x9: {  	[smem:$0x3FAF] =	sst s1  }
0xa: {  	[smem:$0x3FB0] =	sst s2  }
0xb: {  	[smem:$0x3FB1] =	sst s3  }
0xc: {  	[smem:$0x3FB2] =	sst s4  }
0xd: {  	[smem:$0x3FB3] =	sst s5  }
0xe: {  	[smem:$0x3FB4] =	sst s6  }
0xf: {  	[smem:$0x3FB5] =	sst s7  }
0x10: {  	[smem:$0x3FB6] =	sst s8  }
0x11: {  	[smem:$0x3FB7] =	sst s9;
	s0 =	simm.s32 @!p0 $0x0  }
0x12: {  	s1 =	sld [smem:$0x3F9D];
	s0 =	simm.s32 @p0 $0x1  }
0x13: {  	[smem:$0x3FB8] =	sst s0;
	s0 =	simm.s32 @!p1 $0x0  }
0x14: {  	s2 =	sld [smem:$0x3F9C];
	s0 =	simm.s32 @p1 $0x1  }
0x15: {  	[smem:$0x3FB9] =	sst s0;
	s0 =	simm.s32 @!p2 $0x0  }
0x16: {  	s3 =	sld [smem:$0x3FDB];
	s0 =	simm.s32 @p2 $0x1  }
0x17: {  	s4 =	simm.s32 $0x1BF5;
	[smem:$0x3FBB] =	sst s0  }
0x18: {  	s0 =	sld [smem:$0x3F9E];
	_ =	swait.ge [sflag:s4], $0x0  }
0x19: {  	s7 =	sld [smem:$0x3F9F]  }
0x1a: {  	s8 =	sadd.s32 $0xFFFFE003, lr  }
0x1b: {  	s9 =	sadd.s32 $0xFFFFFEF7, lr;
	s5 =	simm.s32 $0xFFFFFFFF;
	p2 =	slt.u32 s8, $0xFFFFF086  }
0x1c: {  	p1 =	slt.u32 s9, $0xF7A;
	s5 =	simm.s32 @!p2 $0x0  }
0x1d: {  	s5 =	simm.s32 @p1 $0x1;
	p0 =	seq.s32 s7, s2  }
0x1e: {  	s7 =	smul.u32 @!p0 $0xF7A, s2;
	p2 =	seq.s32 @!p0 s5, $0x0  }
0x1f: {  	s9 =	smul.u32 $0xF7A, s1;
	s8 =	simm.s32 @!p0 $0x1BF5;
	p2 =	por !p2, p0  }
0x20: {  	[sflag:s8] =	ssyncset.s32 @!p0 $0xFFFFF086;
	s6 =	sadd.s32 @!p0 s3, s7;
	s7 =	simm.s32 @!p0 $0x108  }
0x21: {  	s3 =	sadd.s32 s3, s9;
	s6 =	sadd.s32 @!p0 $0x88, s6;
	s7 =	simm.s32 @p2 $0x1082  }
0x22: {  	[simem:s7], [sflag:s8] =	dma.local @!p0 [hbm:s6], $0xF7A  }
0x23: {  	s9 =	sor.u32 $0xD0000000, s2;
	s6 =	simm.s32 $0x108;
	_ =	swait.ge @!p0 [sflag:s8], $0x0  }
0x24: {  	s3 =	sadd.s32 $0x88, s3;
	s6 =	simm.s32 @!p1 $0x1082;
	[sflag:s4] =	ssyncset.s32 $0xFFFFF086  }
0x25: {  	[simem:s6], [sflag:s4] =	dma.local [hbm:s3], $0xF7A  }
0x26: {  	[smem:$0x3F9F] =	sst s1;
	(tag) =	ssettag s2;
	_ =	strace s9  }
0x27: {  	s1 =	sld [smem:$0x3FAF]  }
0x28: {  	s2 =	sld [smem:$0x3FB0]  }
0x29: {  	s4 =	sld [smem:$0x3FB2]  }
0x2a: {  	p0 =	seq.s32 s5, $0x0;
	s5 =	sld [smem:$0x3FB3]  }
0x2b: {  	s6 =	sld [smem:$0x3FB4]  }
0x2c: {  	s7 =	sld [smem:$0x3FB5]  }
0x2d: {  	s3 =	simm.s32 $0x108;
	s8 =	sld [smem:$0x3FB6]  }
0x2e: {  	s3 =	simm.s32 @!p0 $0x1082;
	s9 =	sld [smem:$0x3FB7]  }
0x2f: {  	lr =	sadd.s32 s0, s3;
	s0 =	sld [smem:$0x3FAE]  }
0x30: {  	s3 =	sld [smem:$0x3FB1]  }
0x31: {  	[smem:$0x3FBA] =	sst s10  }
0x32: {  	s10 =	sld [smem:$0x3FB8];
	_ =	sdelay $0x3  }
0x33: {  	p0 =	seq.s32 s10, $0x1;
	s10 =	sld [smem:$0x3FBA];
	_ =	sdelay $0x3  }
0x34: {  	[smem:$0x3FBA] =	sst s10  }
0x35: {  	s10 =	sld [smem:$0x3FB9];
	_ =	sdelay $0x3  }
0x36: {  	p1 =	seq.s32 s10, $0x1;
	s10 =	sld [smem:$0x3FBA];
	_ =	sdelay $0x3  }
0x37: {  	[smem:$0x3FBA] =	sst s10  }
0x38: {  	s10 =	sld [smem:$0x3FBB]  }
0x39: {  	_ = 	snop;
	(pc) =	sbr.ind lr, $3  }
0x3a: {  	_ = 	snop  }
0x3b: {  	_ = 	snop  }
0x3c: {  	p2 =	seq.s32 s10, $0x1;
	s10 =	sld [smem:$0x3FBA]  }
0x3d: {  	_ =	shalt  }
0x3e: {  	_ =	shalt  }
0x3f: {  	_ =	shalt  }
0x40: {  	_ =	shalt  }
0x41: {  	_ =	shalt  }
0x42: {  	_ =	shalt  }
0x43: {  	_ =	shalt  }
0x44: {  	_ =	shalt  }
0x45: {  	_ =	shalt  }
0x46: {  	_ =	shalt  }
0x47: {  	_ =	shalt  }
0x48: {  	_ =	shalt  }
0x49: {  	_ =	shalt  }
0x4a: {  	_ =	shalt  }
0x4b: {  	_ =	shalt  }
0x4c: {  	_ =	shalt  }
0x4d: {  	_ =	shalt  }
0x4e: {  	_ =	shalt  }
0x4f: {  	_ =	shalt  }
0x50: {  	_ =	shalt  }
0x51: {  	_ =	shalt  }
0x52: {  	_ =	shalt  }
0x53: {  	_ =	shalt  }
0x54: {  	_ =	shalt  }
0x55: {  	_ =	shalt  }
0x56: {  	_ =	shalt  }
0x57: {  	_ =	shalt  }
0x58: {  	_ =	shalt  }
0x59: {  	_ =	shalt  }
0x5a: {  	_ =	shalt  }
0x5b: {  	_ =	shalt  }
0x5c: {  	_ =	shalt  }
0x5d: {  	_ =	shalt  }
0x5e: {  	_ =	shalt  }
0x5f: {  	_ =	shalt  }
0x60: {  	_ =	shalt  }
0x61: {  	_ =	shalt  }
0x62: {  	_ =	shalt  }
0x63: {  	_ =	shalt  }
0x64: {  	_ =	shalt  }
0x65: {  	_ =	shalt  }
0x66: {  	_ =	shalt  }
0x67: {  	_ =	shalt  }
0x68: {  	_ =	shalt  }
0x69: {  	_ =	shalt  }
0x6a: {  	_ =	shalt  }
0x6b: {  	_ =	shalt  }
0x6c: {  	_ =	shalt  }
0x6d: {  	_ =	shalt  }
0x6e: {  	_ =	shalt  }
0x6f: {  	_ =	shalt  }
0x70: {  	_ =	shalt  }
0x71: {  	_ =	shalt  }
0x72: {  	_ =	shalt  }
0x73: {  	_ =	shalt  }
0x74: {  	_ =	shalt  }
0x75: {  	_ =	shalt  }
0x76: {  	_ =	shalt  }
0x77: {  	_ =	shalt  }
0x78: {  	_ =	shalt  }
0x79: {  	_ =	shalt  }
0x7a: {  	_ =	shalt  }
0x7b: {  	_ =	shalt  }
0x7c: {  	_ =	shalt  }
0x7d: {  	_ =	shalt  }
0x7e: {  	_ =	shalt  }
0x7f: {  	_ =	shalt  }
0x80: {  	_ =	shalt  }
0x81: {  	_ =	shalt  }
0x82: {  	_ =	shalt  }
0x83: {  	_ =	shalt  }
0x84: {  	_ =	shalt  }
0x85: {  	_ =	shalt  }
0x86: {  	_ =	shalt  }
0x87: {  	_ =	shalt  }
.Lfunc_end0:
.L_simem_size_0:
called_computation.1_lowered:
.L_overlay_start_0:
0x88: {  	s2 =	sld [smem:$0x3FD9]  }
0x89: {  	s3 =	sld [smem:$0x3FFE];
	_ =	sdelay $0x1  }
0x8a: {  	s1 =	srdreg.scid  }
0x8b: {  	s0 =	sand.u32 $0x1, s1  }
0x8c: {  	s17 =	sshll.u32 s0, $0xA;
	s2 =	sadd.s32 s3, s2  }
0x8d: {  	s2 =	sadd.s32 s2, s17  }
0x8e: {  	[smem:$0x3FC6] =	sst s2  }
0x8f: {  	_ = 	snop  }
0x90: {  	s2 =	sld [smem:$0x3FD0];
	(tm) =	ssettm $0x1  }
0x91: {  	s18 =	sld [smem:$0x3FFB];
	_ =	sdelay $0x3  }
0x92: {  	_ =	strace s18  }
0x93: {  	s3 =	sld [smem:$0x3FFC];
	_ =	sdelay $0x3  }
0x94: {  	_ =	strace s3  }
0x95: {  	s3 =	sld [smem:$0x3FFD];
	_ =	sdelay $0x3  }
0x96: {  	_ =	strace s3  }
0x97: {  	_ =	strace $0x8FFFFFFF  }
0x98: {  	s19 =	sld [smem:$0x3FDB];
	_ =	sdelay $0x1  }
0x99: {  	s4 =	simm.s32 $_scs_section_size  }
0x9a: {  	s5 =	simm.s32 $_size__tile_overlayer_lowered;
	s6 =	simm.s32 $_tile_overlayer_lowered  }
0x9b: {  	s22 =	simm.s32 $0x1BFF;
	s21 =	sshll.u32 s6, $0x1;
	s3 =	sadd.s32 s4, s19  }
0x9c: {  	s7 =	simm.s32 $0x0;
	s20 =	sshll.u32 s5, $0x1;
	s5 =	sadd.s32 s21, s3  }
0x9d: {  	[timem:s7], [sflag:s22] =	dma.local [hbm:s5], s20  }
0x9e: {  	_ =	swait.ge [sflag:s22], s20  }
0x9f: {  	s4 =	ssub.s32 $0x0, s20;
	[sflag:s22] =	ssyncset.done $0x0  }
0xa0: {  	[sflag:s22] =	ssyncadd.s32 s4;
	_ =	sdelay $0x1  }
0xa1: {  	s23 =	simm.s32 $0x1B8B  }
0xa2: {  	_ =	swait.ge [sflag:s23], $0x1  }
0xa3: {  	[sflag:s23] =	ssyncset.done $0x0  }
0xa4: {  	s25 =	simm.s32 $0x1B8E;
	s24 =	sld [smem:$0x3FFE];
	[sflag:s23] =	ssyncadd.s32 $0xFFFFFFFF  }
0xa5: {  	s26 =	simm.s32 $execute0_lowered;
	[smem:$0x3FD2] =	sst s25  }
0xa6: {  	s5 =	sshll.u32 s26, $0x1;
	_ =	strace $0x80000049;
	[dreg:$0x1] =	wrdreg $0xFFFFFFFF  }
0xa7: {  	s28 =	simm.s32 $_size_execute0_lowered;
	s3 =	sadd.s32 s3, s5;
	[dreg:$0x0] =	wrdreg $0x0  }
0xa8: {  	s5 =	sshll.u32 s28, $0x1;
	[dreg:$0x2] =	wrdreg s3  }
0xa9: {  	[dreg:$0x3] =	wrdreg s5  }
0xaa: {  	[dreg:$0x4] =	wrdreg $0xC0  }
0xab: {  	_ =	task [dreg:s7], $0x5FFFF  }
0xac: {  	[dreg:$0x1] =	wrdreg $0xFFFFFFFF  }
0xad: {  	[dreg:$0x0] =	wrdreg $0x60  }
0xae: {  	[dreg:$0x2] =	wrdreg s24  }
0xaf: {  	[dreg:$0x3] =	wrdreg s2  }
0xb0: {  	[dreg:$0x4] =	wrdreg $0x9  }
0xb1: {  	_ =	task.clear_ibuf [dreg:s7], $0x5FFFF;
	_ =	strace $0x90000049  }
0xb2: {  	s29 =	simm.s32 $0x9;
	_ =	strace $0x8000004B  }
0xb3: {  	_ =	swait.ge [sflag:s29], $0x1  }
0xb4: {  	[sflag:s29] =	ssyncadd.s32 $0xFFFFFFFF  }
0xb5: {  	_ =	strace $0x9000004B  }
0xb6: {  	_ =	sfence  }
0xb7: {  	s30 =	sld [smem:$0x0];
	_ =	sdelay $0x2  }
0xb8: {  	s31 =	sshll.u32 s1, $0xD;
	s1 =	sshrl.u32 s1, $0x2  }
0xb9: {  	s3 =	sand.u32 $0x4000, s31;
	s1 =	sadd.s32 s1, s30  }
0xba: {  	s0 =	sor.u32 s3, s0;
	s1 =	sshll.u32 s1, $0x11  }
0xbb: {  	s0 =	sor.u32 s1, s0  }
0xbc: {  	s0 =	sadd.s32 $0x8F2B, s0  }
0xbd: {  	[sflag:s0] =	ssyncadd.remote.s32 $0x1  }
0xbe: {  	_ =	sfence.sel $0xFFFF  }
0xbf: {  	[dreg:$0x0] =	wrdreg $0xFFFFFFFF;
	(pc) =	sbr.abs _section_cstart, $3  }
0xc0: {  	[dreg:$0x1] =	wrdreg $0xFFFFFFFF  }
0xc1: {  	_ =	task.clear_ibuf [dreg:s7], $0x2FFFF;
	_ =	strace $0x9FFFFFFF  }
0xc2: {  	(tm) =	ssettm $0x7FFFFFFF  }
0xc3: {  	_ =	shalt  }
tec
execute0_lowered:
.L_overlay_start_1:
0x0: {  	(tag) =	ssettag $0x1  }
0x1: {  	s5 =	rddreg [dreg:$0x0]  }
0x2: {  	s9 =	rddreg [dreg:$0x1]  }
0x3: {  	s0 =	rddreg [dreg:$0x2]  }
0x4: {  	s3 =	srdreg.scid;
	s1 =	stileid.u32  }
0x5: {  	s2 =	simm.s32 $0x0;
	s10 =	sand.u32 $0x1, s3;
	s30 =	sshll.u32 s1, $0x1  }
0x6: {  	[smem:$0x7FF] =	sst s2;
	s3 =	sadd.s32 $0x1C00, s5;
	s4 =	sor.u32 s10, s30  }
0x7: {  	_ =	strace $0x8000004A;
	s11 =	smul.u32 $0x14, s4;
	s4 =	simm.s32 $0x1  }
0x8: {  	[tilespmem:s2], [sflag:$0x1] =	stream.linear.gather [hbm4b:s3+s2], $0x1400, $0x38;
	[tilespmem:$0x1700] =	vst v63  }
0x9: {  	_ =	swait.ge [sflag:s4], $0x1400  }
0xa: {  	s7 =	sadd.s32 s11, s5;
	[sflag:s4] =	ssyncset.done $0x0  }
0xb: {  	s6 =	simm.s32 $0x1400;
	s5 =	sadd.s32 $0x2A00, s7;
	[sflag:s4] =	ssyncadd.s32 $0xFFFFEC00  }
0xc: {  	[tilespmem:s6], [sflag:$0x1] =	stream.linear.gather [hbm4b:s5+s2], $0xA0, $0x38;
	[tilespmem:$0x1700] =	vst v63  }
0xd: {  	_ =	swait.ge [sflag:s4], $0xA0  }
0xe: {  	[sflag:s4] =	ssyncset.done $0x0  }
0xf: {  	s8 =	simm.s32 $0x1500;
	s7 =	sadd.s32 $0x2600, s7;
	[sflag:s4] =	ssyncadd.s32 $0xFFFFFF60  }
0x10: {  	[tilespmem:s8], [sflag:$0x1] =	stream.linear.gather [hbm4b:s7+s2], $0xA0, $0x38;
	[tilespmem:$0x1700] =	vst v63  }
0x11: {  	_ =	swait.ge [sflag:s4], $0xA0  }
0x12: {  	[sflag:s4] =	ssyncset.done $0x0  }
0x13: {  	[sflag:s4] =	ssyncadd.s32 $0xFFFFFF60  }
0x14: {  	v0 =	vld [tilespmem:$0x1400];
	_ =	sdelay $0x5  }
0x15: {  	v1 =	vld [tilespmem:$0x1410]  }
0x16: {  	v2 =	vld [tilespmem:$0x1500]  }
0x17: {  	v0 =	vld.idx.msk [tilespmem:v0+s2+$0x0], $0xffff;
	_ =	sdelay $0x4  }
0x18: {  	v0 =	vmul.f32 v2, v0  }
0x19: {  	v47 =	vld [tilespmem:$0x1420]  }
0x1a: {  	v48 =	vld [tilespmem:$0x1510];
	[tilespmem:$0x1600] =	vst v0  }
0x1b: {  	v1 =	vld.idx.msk [tilespmem:v1+s2+$0x0], $0xffff;
	_ =	sdelay $0x4  }
0x1c: {  	v1 =	vmul.f32 v48, v1  }
0x1d: {  	v49 =	vld [tilespmem:$0x1430]  }
0x1e: {  	v50 =	vld [tilespmem:$0x1520];
	[tilespmem:$0x1610] =	vst v1  }
0x1f: {  	v0 =	vld.idx.msk [tilespmem:v47+s2+$0x0], $0xffff;
	_ =	sdelay $0x4  }
0x20: {  	v0 =	vmul.f32 v50, v0  }
0x21: {  	v51 =	vld [tilespmem:$0x1440]  }
0x22: {  	v52 =	vld [tilespmem:$0x1530];
	[tilespmem:$0x1620] =	vst v0  }
0x23: {  	v1 =	vld.idx.msk [tilespmem:v49+s2+$0x0], $0xffff;
	_ =	sdelay $0x4  }
0x24: {  	v1 =	vmul.f32 v52, v1  }
0x25: {  	v53 =	vld [tilespmem:$0x1450]  }
0x26: {  	v54 =	vld [tilespmem:$0x1540];
	[tilespmem:$0x1630] =	vst v1  }
0x27: {  	v0 =	vld.idx.msk [tilespmem:v51+s2+$0x0], $0xffff;
	_ =	sdelay $0x4  }
0x28: {  	v0 =	vmul.f32 v54, v0  }
0x29: {  	v55 =	vld [tilespmem:$0x1460]  }
0x2a: {  	v56 =	vld [tilespmem:$0x1550];
	[tilespmem:$0x1640] =	vst v0  }
0x2b: {  	v1 =	vld.idx.msk [tilespmem:v53+s2+$0x0], $0xffff;
	_ =	sdelay $0x4  }
0x2c: {  	v1 =	vmul.f32 v56, v1  }
0x2d: {  	v57 =	vld [tilespmem:$0x1470]  }
0x2e: {  	v58 =	vld [tilespmem:$0x1560];
	[tilespmem:$0x1650] =	vst v1  }
0x2f: {  	v0 =	vld.idx.msk [tilespmem:v55+s2+$0x0], $0xffff;
	_ =	sdelay $0x4  }
0x30: {  	v0 =	vmul.f32 v58, v0  }
0x31: {  	v59 =	vld [tilespmem:$0x1480]  }
0x32: {  	v60 =	vld [tilespmem:$0x1570];
	[tilespmem:$0x1660] =	vst v0  }
0x33: {  	v1 =	vld.idx.msk [tilespmem:v57+s2+$0x0], $0xffff;
	_ =	sdelay $0x4  }
0x34: {  	v1 =	vmul.f32 v60, v1  }
0x35: {  	v61 =	vld [tilespmem:$0x1490]  }
0x36: {  	v62 =	vld [tilespmem:$0x1580];
	[tilespmem:$0x1670] =	vst v1  }
0x37: {  	v0 =	vld.idx.msk [tilespmem:v59+s2+$0x0], $0xffff;
	_ =	sdelay $0x4  }
0x38: {  	v0 =	vmul.f32 v62, v0;
	_ =	sdelay $0x1  }
0x39: {  	v63 =	vld [tilespmem:$0x1590];
	[tilespmem:$0x1680] =	vst v0  }
0x3a: {  	v0 =	vld.idx.msk [tilespmem:v61+s2+$0x0], $0xffff  }
0x3b: {  	s10 =	ssub.s32 $0x2, s10  }
0x3c: {  	s12 =	sshrl.u32 s10, $0x1  }
0x3d: {  	s10 =	ssub.s32 s10, s12  }
0x3e: {  	s31 =	smax.u32 s10, $0x1  }
0x3f: {  	p0 =	sne.s32 s31, $0x1;
	v0 =	vmul.f32 v63, v0  }
.Ltmp0:
0x40: {  	_ = 	snop;
	(pc) =	sbr.rel @!p0 .LBB2_2-.Ltmp0, $4  }
0x41: {  	s9 =	sadd.s32 s9, s11;
	s10 =	simm.s32 $0x1600;
	[tilespmem:$0x1690] =	vst v0  }
0x42: {  	[hbm4b:s9+s2] =	stream.linear.scatter [tilespmem:s10], [sflag:$0x1], $0xA0, $0x38;
	[tilespmem:$0x1700] =	vst v63  }
0x43: {  	_ =	swait.ge [sflag:s4], $0xA0  }
0x44: {  	s11 =	sadd.s32 $0xFFFFFFFF, s31;
	[sflag:s4] =	ssyncset.done $0x0  }
.LBB2_1:
0x45: {  	p0 =	sne.s32 s11, $0x1;
	s11 =	sadd.s32 $0xFFFFFFFF, s11;
	[sflag:s4] =	ssyncadd.s32 $0xFFFFFF60  }
0x46: {  	[tilespmem:s2], [sflag:$0x1] =	stream.linear.gather [hbm4b:s3+s2], $0x1400, $0x38;
	[tilespmem:$0x1700] =	vst v63  }
0x47: {  	_ =	swait.ge [sflag:s4], $0x1400  }
0x48: {  	[sflag:s4] =	ssyncset.done $0x0  }
0x49: {  	[sflag:s4] =	ssyncadd.s32 $0xFFFFEC00  }
0x4a: {  	[tilespmem:s6], [sflag:$0x1] =	stream.linear.gather [hbm4b:s5+s2], $0xA0, $0x38;
	[tilespmem:$0x1700] =	vst v63  }
0x4b: {  	_ =	swait.ge [sflag:s4], $0xA0  }
0x4c: {  	[sflag:s4] =	ssyncset.done $0x0  }
0x4d: {  	[sflag:s4] =	ssyncadd.s32 $0xFFFFFF60  }
0x4e: {  	[tilespmem:s8], [sflag:$0x1] =	stream.linear.gather [hbm4b:s7+s2], $0xA0, $0x38;
	[tilespmem:$0x1700] =	vst v63  }
0x4f: {  	_ =	swait.ge [sflag:s4], $0xA0  }
0x50: {  	[sflag:s4] =	ssyncset.done $0x0  }
0x51: {  	[sflag:s4] =	ssyncadd.s32 $0xFFFFFF60  }
0x52: {  	v0 =	vld [tilespmem:$0x1400];
	_ =	sdelay $0x6  }
0x53: {  	v1 =	vld [tilespmem:$0x1410]  }
0x54: {  	v0 =	vld.idx.msk [tilespmem:v0+s2+$0x0], $0xffff  }
0x55: {  	v2 =	vld [tilespmem:$0x1500];
	_ =	sdelay $0x4  }
0x56: {  	v0 =	vmul.f32 v2, v0;
	_ =	sdelay $0x1  }
0x57: {  	[tilespmem:$0x1600] =	vst v0;
	v0 =	vld [tilespmem:$0x1420]  }
0x58: {  	v1 =	vld.idx.msk [tilespmem:v1+s2+$0x0], $0xffff  }
0x59: {  	v2 =	vld [tilespmem:$0x1510];
	_ =	sdelay $0x4  }
0x5a: {  	v1 =	vmul.f32 v2, v1;
	_ =	sdelay $0x1  }
0x5b: {  	[tilespmem:$0x1610] =	vst v1;
	v1 =	vld [tilespmem:$0x1430]  }
0x5c: {  	v0 =	vld.idx.msk [tilespmem:v0+s2+$0x0], $0xffff  }
0x5d: {  	v2 =	vld [tilespmem:$0x1520];
	_ =	sdelay $0x4  }
0x5e: {  	v0 =	vmul.f32 v2, v0;
	_ =	sdelay $0x1  }
0x5f: {  	[tilespmem:$0x1620] =	vst v0;
	v0 =	vld [tilespmem:$0x1440]  }
0x60: {  	v1 =	vld.idx.msk [tilespmem:v1+s2+$0x0], $0xffff  }
0x61: {  	v2 =	vld [tilespmem:$0x1530];
	_ =	sdelay $0x4  }
0x62: {  	v1 =	vmul.f32 v2, v1;
	_ =	sdelay $0x1  }
0x63: {  	[tilespmem:$0x1630] =	vst v1;
	v1 =	vld [tilespmem:$0x1450]  }
0x64: {  	v0 =	vld.idx.msk [tilespmem:v0+s2+$0x0], $0xffff  }
0x65: {  	v2 =	vld [tilespmem:$0x1540];
	_ =	sdelay $0x4  }
0x66: {  	v0 =	vmul.f32 v2, v0;
	_ =	sdelay $0x1  }
0x67: {  	[tilespmem:$0x1640] =	vst v0;
	v0 =	vld [tilespmem:$0x1460]  }
0x68: {  	v1 =	vld.idx.msk [tilespmem:v1+s2+$0x0], $0xffff  }
0x69: {  	v2 =	vld [tilespmem:$0x1550];
	_ =	sdelay $0x4  }
0x6a: {  	v1 =	vmul.f32 v2, v1;
	_ =	sdelay $0x1  }
0x6b: {  	[tilespmem:$0x1650] =	vst v1;
	v1 =	vld [tilespmem:$0x1470]  }
0x6c: {  	v0 =	vld.idx.msk [tilespmem:v0+s2+$0x0], $0xffff  }
0x6d: {  	v2 =	vld [tilespmem:$0x1560];
	_ =	sdelay $0x4  }
0x6e: {  	v0 =	vmul.f32 v2, v0;
	_ =	sdelay $0x1  }
0x6f: {  	[tilespmem:$0x1660] =	vst v0;
	v0 =	vld [tilespmem:$0x1480]  }
0x70: {  	v1 =	vld.idx.msk [tilespmem:v1+s2+$0x0], $0xffff  }
0x71: {  	v2 =	vld [tilespmem:$0x1570];
	_ =	sdelay $0x4  }
0x72: {  	v1 =	vmul.f32 v2, v1;
	_ =	sdelay $0x1  }
0x73: {  	[tilespmem:$0x1670] =	vst v1;
	v1 =	vld [tilespmem:$0x1490]  }
0x74: {  	v0 =	vld.idx.msk [tilespmem:v0+s2+$0x0], $0xffff  }
0x75: {  	v2 =	vld [tilespmem:$0x1580];
	_ =	sdelay $0x4  }
0x76: {  	v0 =	vmul.f32 v2, v0;
	_ =	sdelay $0x1  }
0x77: {  	[tilespmem:$0x1680] =	vst v0  }
0x78: {  	v0 =	vld.idx.msk [tilespmem:v1+s2+$0x0], $0xffff  }
0x79: {  	v1 =	vld [tilespmem:$0x1590];
	_ =	sdelay $0x4  }
0x7a: {  	v0 =	vmul.f32 v1, v0  }
.Ltmp1:
0x7b: {  	(pc) =	sbr.rel @p0 .LBB2_1-.Ltmp1, $4  }
0x7c: {  	[tilespmem:$0x1690] =	vst v0  }
0x7d: {  	[hbm4b:s9+s2] =	stream.linear.scatter [tilespmem:s10], [sflag:$0x1], $0xA0, $0x38;
	[tilespmem:$0x1700] =	vst v63  }
0x7e: {  	_ =	swait.ge [sflag:s4], $0xA0  }
0x7f: {  	[sflag:s4] =	ssyncset.done $0x0  }
.LBB2_2:
0x80: {  	[sflag:s4] =	ssyncadd.s32 $0xFFFFFF60  }
0x81: {  	_ =	sfence.sel $0x180000  }
0x82: {  	[bflag:$0x0] =	sbarrier.arrive $0xFFFF  }
0x83: {  	p0 =	sne.s32 s1, $0x0;
	_ =	strace $0x9000004A  }
0x84: {  	s0 =	sadd.s32 @!p0 $0x100000, s0;
	[bflag:$0x2] =	sbarrier.arrive $0xFFFF  }
0x85: {  	[sflag:s0] =	ssyncadd.tile.s32 @!p0 $0x1;
	_ =	shalt  }
.Lfunc_end2:
_tile_overlayer_lowered:
.L_overlay_start_2:
0x86: {  	(tag) =	ssettag $0x2  }
0x87: {  	s0 =	rddreg [dreg:$0x0];
	s2 =	stileid.u32  }
0x88: {  	s1 =	rddreg [dreg:$0x1];
	p0 =	sne.s32 s2, $0x0  }
0x89: {  	s3 =	rddreg [dreg:$0x2];
	[bflag:$0x3] =	sbarrier.arrive $0xFFFF;
	s2 =	simm.s32 @!p0 $0x1C01  }
0x8a: {  	[timem:s3], [sflag:s2] =	dma.local @!p0 [hbm:s0], s1  }
0x8b: {  	s0 =	simm.s32 @!p0 $0x1  }
0x8c: {  	_ =	swait.ge @!p0 [sflag:s0], s1  }
0x8d: {  	s1 =	ssub.s32 @!p0 $0x0, s1;
	[sflag:s0] =	ssyncset.done @!p0 $0x0  }
0x8e: {  	[sflag:s0] =	ssyncadd.s32 @!p0 s1  }
0x8f: {  	[bflag:$0x3] =	sbarrier.arrive $0xFFFF  }
0x90: {  	_ =	shalt  }

</sc_bundles>
